<compile_context>
chip_gen: v7x
topology: tpu7x:2x2x1
jax: 0.10.2.dev20260603
libtpu: 0.0.44.dev20260713+nightly
codegen_flags: <defaults>
</compile_context>

<pallas_src>
import functools

import jax
import jax.numpy as jnp
from jax import lax
from jax.experimental import pallas as pl
from jax.experimental.pallas import tpu as pltpu
from jax.experimental.pallas import tpu_sc as plsc

KT = 0.0019872067 * 300.0

NC = 2
NS = 16
NW = NC * NS

TAB = 8192
DMAX = 174.0
HSTEP = DMAX / TAB
INV_H = TAB / DMAX

L = 16


def _f(v):
    return v.astype(jnp.float32)


def _pb(ref, i):
    return ref[pl.ds(i * L, L)]


def _make_kernel(E, N):
    W = E // NW
    C = 2000
    T = W // C
    G = C // L
    assert W % C == 0 and C % L == 0

    batches = []
    o = 0
    while o < C:
        n = min(128, C - o)
        batches.append((o, n))
        o += n

    mesh = plsc.VectorSubcoreMesh(core_axis_name="c", subcore_axis_name="s")

    @functools.partial(
        pl.kernel,
        mesh=mesh,
        out_type=jax.ShapeDtypeStruct((NW, L), jnp.float32),
        scratch_types=[
            pltpu.VMEM((TAB,), jnp.float32),
            pltpu.VMEM((C, 2), jnp.int32),
            pltpu.VMEM((C, 3), jnp.int32),
            pltpu.VMEM((C,), jnp.int32),
            pltpu.VMEM((C,), jnp.int32),
            pltpu.VMEM((C, 16), jnp.float32),
            pltpu.VMEM((C, 16), jnp.float32),
            pltpu.VMEM((64 * L,), jnp.float32),
            pltpu.VMEM((L,), jnp.float32),
            pltpu.SemaphoreType.DMA,
        ],
        compiler_params=pltpu.CompilerParams(
            needs_layout_passes=False, use_tc_tiling_on_sc=False),
    )
    def kern(xyz_hbm, nbr_hbm, off_hbm, par_hbm, out_hbm,
             tab, nbr2d, off2d, nbr0, nbr1, rows0, rows1, par, accv, sem):
        cid = lax.axis_index("c")
        sid = lax.axis_index("s")
        wid = sid * NC + cid

        pltpu.sync_copy(par_hbm, par)

        iota = lax.iota(jnp.int32, L)
        zz = jnp.zeros((L,), jnp.int32)

        def tab_body(g, carry):
            d = _f(g * L + iota) * HSTEP
            acc = _pb(par, 48)
            for k in range(16):
                w1k = _pb(par, k)
                b1k = _pb(par, 16 + k)
                w2k = _pb(par, 32 + k)
                x = jnp.clip(d * w1k + b1k, -20.0, 20.0)
                e = jnp.exp(2.0 * x)
                acc = acc + w2k * ((e - 1.0) / (e + 1.0))
            tab[pl.ds(g * L, L)] = acc * KT
            return carry

        lax.fori_loop(0, TAB // L, tab_body, 0)

        cellb = [[_pb(par, 49 + 3 * k + c) for c in range(3)]
                 for k in range(3)]

        def chunk_body(t, acc):
            base = wid * W + t * C
            pltpu.sync_copy(nbr_hbm.at[pl.ds(base, C)], nbr2d)
            pltpu.sync_copy(off_hbm.at[pl.ds(base, C)], off2d)

            def split_body(g, carry):
                r = g * L + iota
                nbr0[pl.ds(g * L, L)] = plsc.load_gather(nbr2d, [r, zz])
                nbr1[pl.ds(g * L, L)] = plsc.load_gather(nbr2d, [r, zz + 1])
                return carry

            lax.fori_loop(0, G, split_body, 0)

            dmas = []
            for (o, n) in batches:
                dmas.append(pltpu.async_copy(
                    xyz_hbm.at[nbr0.at[pl.ds(o, n)]], rows0.at[pl.ds(o, n)],
                    sem))
                dmas.append(pltpu.async_copy(
                    xyz_hbm.at[nbr1.at[pl.ds(o, n)]], rows1.at[pl.ds(o, n)],
                    sem))
            for dma in dmas:
                dma.wait()

            def group_body(g, acc):
                r = g * L + iota
                xi = plsc.load_gather(rows0, [r, zz])
                yi = plsc.load_gather(rows0, [r, zz + 1])
                zi = plsc.load_gather(rows0, [r, zz + 2])
                xj = plsc.load_gather(rows1, [r, zz])
                yj = plsc.load_gather(rows1, [r, zz + 1])
                zj = plsc.load_gather(rows1, [r, zz + 2])
                o0 = _f(plsc.load_gather(off2d, [r, zz])) - 1.0
                o1 = _f(plsc.load_gather(off2d, [r, zz + 1])) - 1.0
                o2 = _f(plsc.load_gather(off2d, [r, zz + 2])) - 1.0
                dx = xi - xj + o0 * cellb[0][0] + o1 * cellb[1][0] + o2 * cellb[2][0]
                dy = yi - yj + o0 * cellb[0][1] + o1 * cellb[1][1] + o2 * cellb[2][1]
                dz = zi - zj + o0 * cellb[0][2] + o1 * cellb[1][2] + o2 * cellb[2][2]
                d2 = dx * dx + dy * dy + dz * dz + 1e-12
                bits = lax.bitcast_convert_type(d2, jnp.int32)
                y = lax.bitcast_convert_type(
                    jnp.int32(0x5F3759DF) - (bits >> 1), jnp.float32)
                for _ in range(3):
                    y = y * (1.5 - 0.5 * d2 * y * y)
                d = d2 * y
                tt = d * INV_H
                k = jnp.minimum(tt.astype(jnp.int32), TAB - 2)
                frac = tt - _f(k)
                f0 = plsc.load_gather(tab, [k])
                f1 = plsc.load_gather(tab, [k + 1])
                return acc + f0 + frac * (f1 - f0)

            return lax.fori_loop(0, G, group_body, acc)

        acc = lax.fori_loop(0, T, chunk_body, jnp.zeros((L,), jnp.float32))
        accv[...] = acc
        pltpu.sync_copy(accv, out_hbm.at[wid])

    return kern


def kernel(xyz, nbr_list, offsets, cell, W1, b1, W2, b2):
    N = xyz.shape[0]
    E = nbr_list.shape[0]
    xyz_pad = jnp.pad(xyz, ((0, 0), (0, 13)))
    par = jnp.concatenate([
        W1.reshape(-1), b1.reshape(-1), W2.reshape(-1), b2.reshape(-1),
        cell.reshape(-1), jnp.zeros((6,), jnp.float32)])
    par = jnp.repeat(par, 16)
    out = _make_kernel(E, N)(xyz_pad, nbr_list, offsets, par)
    return jnp.sum(out)

# --- scband reference (transcript-rebuilt; emitter-appended) ---
"""Pipeline reference for scband-tpair-potentials-90658169684460 (READ-ONLY COPY).

The authoritative reference and input builder live on the scoring server;
editing this copy changes nothing except your own understanding.
"""

import jax, jax.numpy as jnp
import numpy as np

N = 100000
E = 6400000
H = 16
BOX = 50.0
KB = 0.0019872067  # kcal/mol/K
T = 300.0


def setup_inputs(seed: int = 0) -> dict:
    key = jax.random.key(seed)
    ks = jax.random.split(key, 8)
    xyz = jax.random.uniform(ks[0], (N, 3), dtype=jnp.float32) * BOX
    nbr_list = jax.random.randint(ks[1], (E, 2), 0, N, dtype=jnp.int32)
    # integer periodic shift counts in {0,1,2}; reference maps them to {-1,0,1}
    offsets = jax.random.randint(ks[2], (E, 3), 0, 3, dtype=jnp.int32)
    cell = jnp.eye(3, dtype=jnp.float32) * BOX
    # pair_model parameters: tiny MLP on pair distance, scaled by kB*T
    W1 = jax.random.normal(ks[3], (1, H), dtype=jnp.float32) * 0.1
    b1 = jnp.zeros((H,), dtype=jnp.float32)
    W2 = jax.random.normal(ks[4], (H, 1), dtype=jnp.float32) * 0.1
    b2 = jnp.zeros((1,), dtype=jnp.float32)
    return {"xyz": xyz, "nbr_list": nbr_list, "offsets": offsets, "cell": cell,
            "W1": W1, "b1": b1, "W2": W2, "b2": b2}


def reference(xyz, nbr_list, offsets, cell, W1, b1, W2, b2):
    # compute_dis: gather endpoint positions, apply PBC offsets (shift counts @ cell)
    shift = (offsets.astype(jnp.float32) - 1.0) @ cell
    r = jnp.take(xyz, nbr_list[:, 0], axis=0) - jnp.take(xyz, nbr_list[:, 1], axis=0) + shift
    pair_dis = jnp.sqrt(jnp.sum(r * r, axis=-1) + 1e-12)  # [E]
    # pair_model(pair_dis, kB*T): distance -> per-pair energy via small MLP, scaled by kB*T
    kT = KB * T
    h = jnp.tanh(pair_dis[:, None] @ W1 + b1)  # [E, H]
    e_pair = (h @ W2 + b2) * kT  # [E, 1]
    energy = e_pair.sum()
    return energy

if __name__ == "__main__":
    import jax
    _d = setup_inputs()
    print(jax.jit(kernel)(*tuple(_d.values())))

</pallas_src>

<mosaic_0001>
#map = affine_map<(d0, d1) -> (0, 0)>
#map1 = affine_map<(d0, d1) -> (0)>
module attributes {stable_mosaic.version = 14 : i64} {
  func.func @kern(%arg0: i32, %arg1: i32, %arg2: memref<100000x16xf32, #tpu.memory_space<hbm>>, %arg3: memref<6400000x2xi32, #tpu.memory_space<hbm>>, %arg4: memref<6400000x3xi32, #tpu.memory_space<hbm>>, %arg5: memref<1024xf32, #tpu.memory_space<hbm>>, %arg6: memref<32x16xf32, #tpu.memory_space<hbm>>, %arg7: memref<8192xf32, #tpu.memory_space<vmem>>, %arg8: memref<2000x2xi32, #tpu.memory_space<vmem>>, %arg9: memref<2000x3xi32, #tpu.memory_space<vmem>>, %arg10: memref<2000xi32, #tpu.memory_space<vmem>>, %arg11: memref<2000xi32, #tpu.memory_space<vmem>>, %arg12: memref<2000x16xf32, #tpu.memory_space<vmem>>, %arg13: memref<2000x16xf32, #tpu.memory_space<vmem>>, %arg14: memref<1024xf32, #tpu.memory_space<vmem>>, %arg15: memref<16xf32, #tpu.memory_space<vmem>>, %arg16: memref<!tpu.dma_semaphore, #tpu.memory_space<semaphore_mem>>) attributes {dimension_semantics = [#tpu.dimension_semantics<core_parallel>, #tpu.dimension_semantics<subcore_parallel>], iteration_bounds = array<i64: 2, 16>, scalar_prefetch = 0 : i64, scratch_operands = 10 : i64, tpu.core_type = #tpu.core_type<sc_vector_subcore>, window_params = [{transform_indices = #map}, {transform_indices = #map}, {transform_indices = #map}, {transform_indices = #map1}, {transform_indices = #map}]} {
    %mul3A = arith.constant 2 : i32
    %mul3A_0 = arith.muli %arg1, %mul3A : i32
    %add3A = arith.addi %mul3A_0, %arg0 : i32
    "tpu.region"() ({
      %run_scoped3A = tpu.sem_alloc : memref<!tpu.dma_semaphore, #tpu.memory_space<semaphore_mem>>
      tpu.enqueue_dma source(%arg5 : memref<1024xf32, #tpu.memory_space<hbm>>) target(%arg14 : memref<1024xf32, #tpu.memory_space<vmem>>) target_semaphore(%run_scoped3A : memref<!tpu.dma_semaphore, #tpu.memory_space<semaphore_mem>>)
      tpu.wait_dma2 semaphore(%run_scoped3A : memref<!tpu.dma_semaphore, #tpu.memory_space<semaphore_mem>>) src(%arg5 : memref<1024xf32, #tpu.memory_space<hbm>>) dst(%arg14 : memref<1024xf32, #tpu.memory_space<vmem>>)
      tpu.yield
    }) : () -> ()
    %iota3A = tpu.iota {dimensions = array<i32: 0>} : vector<16xi32>
    %broadcast_in_dim3A = arith.constant 0 : i32
    %broadcast_in_dim3A_1 = vector.broadcast %broadcast_in_dim3A : i32 to vector<16xi32>
    %scan3A = arith.constant 0 : i32
    %scan3A_2 = arith.constant 0 : i32
    %scan3A_3 = arith.constant 512 : i32
    %scan3A_4 = arith.addi %scan3A_2, %scan3A_3 : i32
    %scan3A_5 = arith.constant 1 : i32
    scf.for %scan3A_33 = %scan3A_2 to %scan3A_4 step %scan3A_5  : i32 {
      %mul3A_34 = arith.constant 16 : i32
      %mul3A_35 = arith.muli %scan3A_33, %mul3A_34 : i32
      %add3A_36 = vector.broadcast %mul3A_35 : i32 to vector<16xi32>
      %add3A_37 = arith.addi %add3A_36, %iota3A : vector<16xi32>
      %convert_element_type3A = arith.sitofp %add3A_37 : vector<16xi32> to vector<16xf32>
      %mul3A_38 = arith.constant 0.0212402344 : f32
      %mul3A_39 = vector.broadcast %mul3A_38 : f32 to vector<16xf32>
      %mul3A_40 = arith.mulf %convert_element_type3A, %mul3A_39 : vector<16xf32>
      %get3A_41 = arith.constant 768 : index
      %get3A_42 = tpu.vector_load %arg14[%get3A_41] {strides = array<i32>} : memref<1024xf32, #tpu.memory_space<vmem>>, vector<16xf32>,
      %get3A_43 = arith.constant 0 : index
      %get3A_44 = tpu.vector_load %arg14[%get3A_43] {strides = array<i32>} : memref<1024xf32, #tpu.memory_space<vmem>>, vector<16xf32>,
      %get3A_45 = arith.constant 256 : index
      %get3A_46 = tpu.vector_load %arg14[%get3A_45] {strides = array<i32>} : memref<1024xf32, #tpu.memory_space<vmem>>, vector<16xf32>,
      %get3A_47 = arith.constant 512 : index
      %get3A_48 = tpu.vector_load %arg14[%get3A_47] {strides = array<i32>} : memref<1024xf32, #tpu.memory_space<vmem>>, vector<16xf32>,
      %mul3A_49 = arith.mulf %mul3A_40, %get3A_44 : vector<16xf32>
      %add3A_50 = arith.addf %mul3A_49, %get3A_46 : vector<16xf32>
      %jit3A = arith.constant -2.000000e+01 : f32
      %jit3A_51 = arith.constant 2.000000e+01 : f32
      %max3A = vector.broadcast %jit3A : f32 to vector<16xf32>
      %max3A_52 = arith.maximumf %max3A, %add3A_50 : vector<16xf32>
      %min3A = vector.broadcast %jit3A_51 : f32 to vector<16xf32>
      %min3A_53 = arith.minimumf %min3A, %max3A_52 : vector<16xf32>
      %mul3A_54 = arith.constant 2.000000e+00 : f32
      %mul3A_55 = vector.broadcast %mul3A_54 : f32 to vector<16xf32>
      %mul3A_56 = arith.mulf %mul3A_55, %min3A_53 : vector<16xf32>
      %exp3A = math.exp %mul3A_56 : vector<16xf32>
      %sub3A = arith.constant 1.000000e+00 : f32
      %sub3A_57 = vector.broadcast %sub3A : f32 to vector<16xf32>
      %sub3A_58 = arith.subf %exp3A, %sub3A_57 : vector<16xf32>
      %add3A_59 = arith.constant 1.000000e+00 : f32
      %add3A_60 = vector.broadcast %add3A_59 : f32 to vector<16xf32>
      %add3A_61 = arith.addf %exp3A, %add3A_60 : vector<16xf32>
      %div3A = arith.divf %sub3A_58, %add3A_61 : vector<16xf32>
      %mul3A_62 = arith.mulf %get3A_48, %div3A : vector<16xf32>
      %add3A_63 = arith.addf %get3A_42, %mul3A_62 : vector<16xf32>
      %get3A_64 = arith.constant 16 : index
      %get3A_65 = tpu.vector_load %arg14[%get3A_64] {strides = array<i32>} : memref<1024xf32, #tpu.memory_space<vmem>>, vector<16xf32>,
      %get3A_66 = arith.constant 272 : index
      %get3A_67 = tpu.vector_load %arg14[%get3A_66] {strides = array<i32>} : memref<1024xf32, #tpu.memory_space<vmem>>, vector<16xf32>,
      %get3A_68 = arith.constant 528 : index
      %get3A_69 = tpu.vector_load %arg14[%get3A_68] {strides = array<i32>} : memref<1024xf32, #tpu.memory_space<vmem>>, vector<16xf32>,
      %mul3A_70 = arith.mulf %mul3A_40, %get3A_65 : vector<16xf32>
      %add3A_71 = arith.addf %mul3A_70, %get3A_67 : vector<16xf32>
      %jit3A_72 = arith.constant -2.000000e+01 : f32
      %jit3A_73 = arith.constant 2.000000e+01 : f32
      %max3A_74 = vector.broadcast %jit3A_72 : f32 to vector<16xf32>
      %max3A_75 = arith.maximumf %max3A_74, %add3A_71 : vector<16xf32>
      %min3A_76 = vector.broadcast %jit3A_73 : f32 to vector<16xf32>
      %min3A_77 = arith.minimumf %min3A_76, %max3A_75 : vector<16xf32>
      %mul3A_78 = arith.constant 2.000000e+00 : f32
      %mul3A_79 = vector.broadcast %mul3A_78 : f32 to vector<16xf32>
      %mul3A_80 = arith.mulf %mul3A_79, %min3A_77 : vector<16xf32>
      %exp3A_81 = math.exp %mul3A_80 : vector<16xf32>
      %sub3A_82 = arith.constant 1.000000e+00 : f32
      %sub3A_83 = vector.broadcast %sub3A_82 : f32 to vector<16xf32>
      %sub3A_84 = arith.subf %exp3A_81, %sub3A_83 : vector<16xf32>
      %add3A_85 = arith.constant 1.000000e+00 : f32
      %add3A_86 = vector.broadcast %add3A_85 : f32 to vector<16xf32>
      %add3A_87 = arith.addf %exp3A_81, %add3A_86 : vector<16xf32>
      %div3A_88 = arith.divf %sub3A_84, %add3A_87 : vector<16xf32>
      %mul3A_89 = arith.mulf %get3A_69, %div3A_88 : vector<16xf32>
      %add3A_90 = arith.addf %add3A_63, %mul3A_89 : vector<16xf32>
      %get3A_91 = arith.constant 32 : index
      %get3A_92 = tpu.vector_load %arg14[%get3A_91] {strides = array<i32>} : memref<1024xf32, #tpu.memory_space<vmem>>, vector<16xf32>,
      %get3A_93 = arith.constant 288 : index
      %get3A_94 = tpu.vector_load %arg14[%get3A_93] {strides = array<i32>} : memref<1024xf32, #tpu.memory_space<vmem>>, vector<16xf32>,
      %get3A_95 = arith.constant 544 : index
      %get3A_96 = tpu.vector_load %arg14[%get3A_95] {strides = array<i32>} : memref<1024xf32, #tpu.memory_space<vmem>>, vector<16xf32>,
      %mul3A_97 = arith.mulf %mul3A_40, %get3A_92 : vector<16xf32>
      %add3A_98 = arith.addf %mul3A_97, %get3A_94 : vector<16xf32>
      %jit3A_99 = arith.constant -2.000000e+01 : f32
      %jit3A_100 = arith.constant 2.000000e+01 : f32
      %max3A_101 = vector.broadcast %jit3A_99 : f32 to vector<16xf32>
      %max3A_102 = arith.maximumf %max3A_101, %add3A_98 : vector<16xf32>
      %min3A_103 = vector.broadcast %jit3A_100 : f32 to vector<16xf32>
      %min3A_104 = arith.minimumf %min3A_103, %max3A_102 : vector<16xf32>
      %mul3A_105 = arith.constant 2.000000e+00 : f32
      %mul3A_106 = vector.broadcast %mul3A_105 : f32 to vector<16xf32>
      %mul3A_107 = arith.mulf %mul3A_106, %min3A_104 : vector<16xf32>
      %exp3A_108 = math.exp %mul3A_107 : vector<16xf32>
      %sub3A_109 = arith.constant 1.000000e+00 : f32
      %sub3A_110 = vector.broadcast %sub3A_109 : f32 to vector<16xf32>
      %sub3A_111 = arith.subf %exp3A_108, %sub3A_110 : vector<16xf32>
      %add3A_112 = arith.constant 1.000000e+00 : f32
      %add3A_113 = vector.broadcast %add3A_112 : f32 to vector<16xf32>
      %add3A_114 = arith.addf %exp3A_108, %add3A_113 : vector<16xf32>
      %div3A_115 = arith.divf %sub3A_111, %add3A_114 : vector<16xf32>
      %mul3A_116 = arith.mulf %get3A_96, %div3A_115 : vector<16xf32>
      %add3A_117 = arith.addf %add3A_90, %mul3A_116 : vector<16xf32>
      %get3A_118 = arith.constant 48 : index
      %get3A_119 = tpu.vector_load %arg14[%get3A_118] {strides = array<i32>} : memref<1024xf32, #tpu.memory_space<vmem>>, vector<16xf32>,
      %get3A_120 = arith.constant 304 : index
      %get3A_121 = tpu.vector_load %arg14[%get3A_120] {strides = array<i32>} : memref<1024xf32, #tpu.memory_space<vmem>>, vector<16xf32>,
      %get3A_122 = arith.constant 560 : index
      %get3A_123 = tpu.vector_load %arg14[%get3A_122] {strides = array<i32>} : memref<1024xf32, #tpu.memory_space<vmem>>, vector<16xf32>,
      %mul3A_124 = arith.mulf %mul3A_40, %get3A_119 : vector<16xf32>
      %add3A_125 = arith.addf %mul3A_124, %get3A_121 : vector<16xf32>
      %jit3A_126 = arith.constant -2.000000e+01 : f32
      %jit3A_127 = arith.constant 2.000000e+01 : f32
      %max3A_128 = vector.broadcast %jit3A_126 : f32 to vector<16xf32>
      %max3A_129 = arith.maximumf %max3A_128, %add3A_125 : vector<16xf32>
      %min3A_130 = vector.broadcast %jit3A_127 : f32 to vector<16xf32>
      %min3A_131 = arith.minimumf %min3A_130, %max3A_129 : vector<16xf32>
      %mul3A_132 = arith.constant 2.000000e+00 : f32
      %mul3A_133 = vector.broadcast %mul3A_132 : f32 to vector<16xf32>
      %mul3A_134 = arith.mulf %mul3A_133, %min3A_131 : vector<16xf32>
      %exp3A_135 = math.exp %mul3A_134 : vector<16xf32>
      %sub3A_136 = arith.constant 1.000000e+00 : f32
      %sub3A_137 = vector.broadcast %sub3A_136 : f32 to vector<16xf32>
      %sub3A_138 = arith.subf %exp3A_135, %sub3A_137 : vector<16xf32>
      %add3A_139 = arith.constant 1.000000e+00 : f32
      %add3A_140 = vector.broadcast %add3A_139 : f32 to vector<16xf32>
      %add3A_141 = arith.addf %exp3A_135, %add3A_140 : vector<16xf32>
      %div3A_142 = arith.divf %sub3A_138, %add3A_141 : vector<16xf32>
      %mul3A_143 = arith.mulf %get3A_123, %div3A_142 : vector<16xf32>
      %add3A_144 = arith.addf %add3A_117, %mul3A_143 : vector<16xf32>
      %get3A_145 = arith.constant 64 : index
      %get3A_146 = tpu.vector_load %arg14[%get3A_145] {strides = array<i32>} : memref<1024xf32, #tpu.memory_space<vmem>>, vector<16xf32>,
      %get3A_147 = arith.constant 320 : index
      %get3A_148 = tpu.vector_load %arg14[%get3A_147] {strides = array<i32>} : memref<1024xf32, #tpu.memory_space<vmem>>, vector<16xf32>,
      %get3A_149 = arith.constant 576 : index
      %get3A_150 = tpu.vector_load %arg14[%get3A_149] {strides = array<i32>} : memref<1024xf32, #tpu.memory_space<vmem>>, vector<16xf32>,
      %mul3A_151 = arith.mulf %mul3A_40, %get3A_146 : vector<16xf32>
      %add3A_152 = arith.addf %mul3A_151, %get3A_148 : vector<16xf32>
      %jit3A_153 = arith.constant -2.000000e+01 : f32
      %jit3A_154 = arith.constant 2.000000e+01 : f32
      %max3A_155 = vector.broadcast %jit3A_153 : f32 to vector<16xf32>
      %max3A_156 = arith.maximumf %max3A_155, %add3A_152 : vector<16xf32>
      %min3A_157 = vector.broadcast %jit3A_154 : f32 to vector<16xf32>
      %min3A_158 = arith.minimumf %min3A_157, %max3A_156 : vector<16xf32>
      %mul3A_159 = arith.constant 2.000000e+00 : f32
      %mul3A_160 = vector.broadcast %mul3A_159 : f32 to vector<16xf32>
      %mul3A_161 = arith.mulf %mul3A_160, %min3A_158 : vector<16xf32>
      %exp3A_162 = math.exp %mul3A_161 : vector<16xf32>
      %sub3A_163 = arith.constant 1.000000e+00 : f32
      %sub3A_164 = vector.broadcast %sub3A_163 : f32 to vector<16xf32>
      %sub3A_165 = arith.subf %exp3A_162, %sub3A_164 : vector<16xf32>
      %add3A_166 = arith.constant 1.000000e+00 : f32
      %add3A_167 = vector.broadcast %add3A_166 : f32 to vector<16xf32>
      %add3A_168 = arith.addf %exp3A_162, %add3A_167 : vector<16xf32>
      %div3A_169 = arith.divf %sub3A_165, %add3A_168 : vector<16xf32>
      %mul3A_170 = arith.mulf %get3A_150, %div3A_169 : vector<16xf32>
      %add3A_171 = arith.addf %add3A_144, %mul3A_170 : vector<16xf32>
      %get3A_172 = arith.constant 80 : index
      %get3A_173 = tpu.vector_load %arg14[%get3A_172] {strides = array<i32>} : memref<1024xf32, #tpu.memory_space<vmem>>, vector<16xf32>,
      %get3A_174 = arith.constant 336 : index
      %get3A_175 = tpu.vector_load %arg14[%get3A_174] {strides = array<i32>} : memref<1024xf32, #tpu.memory_space<vmem>>, vector<16xf32>,
      %get3A_176 = arith.constant 592 : index
      %get3A_177 = tpu.vector_load %arg14[%get3A_176] {strides = array<i32>} : memref<1024xf32, #tpu.memory_space<vmem>>, vector<16xf32>,
      %mul3A_178 = arith.mulf %mul3A_40, %get3A_173 : vector<16xf32>
      %add3A_179 = arith.addf %mul3A_178, %get3A_175 : vector<16xf32>
      %jit3A_180 = arith.constant -2.000000e+01 : f32
      %jit3A_181 = arith.constant 2.000000e+01 : f32
      %max3A_182 = vector.broadcast %jit3A_180 : f32 to vector<16xf32>
      %max3A_183 = arith.maximumf %max3A_182, %add3A_179 : vector<16xf32>
      %min3A_184 = vector.broadcast %jit3A_181 : f32 to vector<16xf32>
      %min3A_185 = arith.minimumf %min3A_184, %max3A_183 : vector<16xf32>
      %mul3A_186 = arith.constant 2.000000e+00 : f32
      %mul3A_187 = vector.broadcast %mul3A_186 : f32 to vector<16xf32>
      %mul3A_188 = arith.mulf %mul3A_187, %min3A_185 : vector<16xf32>
      %exp3A_189 = math.exp %mul3A_188 : vector<16xf32>
      %sub3A_190 = arith.constant 1.000000e+00 : f32
      %sub3A_191 = vector.broadcast %sub3A_190 : f32 to vector<16xf32>
      %sub3A_192 = arith.subf %exp3A_189, %sub3A_191 : vector<16xf32>
      %add3A_193 = arith.constant 1.000000e+00 : f32
      %add3A_194 = vector.broadcast %add3A_193 : f32 to vector<16xf32>
      %add3A_195 = arith.addf %exp3A_189, %add3A_194 : vector<16xf32>
      %div3A_196 = arith.divf %sub3A_192, %add3A_195 : vector<16xf32>
      %mul3A_197 = arith.mulf %get3A_177, %div3A_196 : vector<16xf32>
      %add3A_198 = arith.addf %add3A_171, %mul3A_197 : vector<16xf32>
      %get3A_199 = arith.constant 96 : index
      %get3A_200 = tpu.vector_load %arg14[%get3A_199] {strides = array<i32>} : memref<1024xf32, #tpu.memory_space<vmem>>, vector<16xf32>,
      %get3A_201 = arith.constant 352 : index
      %get3A_202 = tpu.vector_load %arg14[%get3A_201] {strides = array<i32>} : memref<1024xf32, #tpu.memory_space<vmem>>, vector<16xf32>,
      %get3A_203 = arith.constant 608 : index
      %get3A_204 = tpu.vector_load %arg14[%get3A_203] {strides = array<i32>} : memref<1024xf32, #tpu.memory_space<vmem>>, vector<16xf32>,
      %mul3A_205 = arith.mulf %mul3A_40, %get3A_200 : vector<16xf32>
      %add3A_206 = arith.addf %mul3A_205, %get3A_202 : vector<16xf32>
      %jit3A_207 = arith.constant -2.000000e+01 : f32
      %jit3A_208 = arith.constant 2.000000e+01 : f32
      %max3A_209 = vector.broadcast %jit3A_207 : f32 to vector<16xf32>
      %max3A_210 = arith.maximumf %max3A_209, %add3A_206 : vector<16xf32>
      %min3A_211 = vector.broadcast %jit3A_208 : f32 to vector<16xf32>
      %min3A_212 = arith.minimumf %min3A_211, %max3A_210 : vector<16xf32>
      %mul3A_213 = arith.constant 2.000000e+00 : f32
      %mul3A_214 = vector.broadcast %mul3A_213 : f32 to vector<16xf32>
      %mul3A_215 = arith.mulf %mul3A_214, %min3A_212 : vector<16xf32>
      %exp3A_216 = math.exp %mul3A_215 : vector<16xf32>
      %sub3A_217 = arith.constant 1.000000e+00 : f32
      %sub3A_218 = vector.broadcast %sub3A_217 : f32 to vector<16xf32>
      %sub3A_219 = arith.subf %exp3A_216, %sub3A_218 : vector<16xf32>
      %add3A_220 = arith.constant 1.000000e+00 : f32
      %add3A_221 = vector.broadcast %add3A_220 : f32 to vector<16xf32>
      %add3A_222 = arith.addf %exp3A_216, %add3A_221 : vector<16xf32>
      %div3A_223 = arith.divf %sub3A_219, %add3A_222 : vector<16xf32>
      %mul3A_224 = arith.mulf %get3A_204, %div3A_223 : vector<16xf32>
      %add3A_225 = arith.addf %add3A_198, %mul3A_224 : vector<16xf32>
      %get3A_226 = arith.constant 112 : index
      %get3A_227 = tpu.vector_load %arg14[%get3A_226] {strides = array<i32>} : memref<1024xf32, #tpu.memory_space<vmem>>, vector<16xf32>,
      %get3A_228 = arith.constant 368 : index
      %get3A_229 = tpu.vector_load %arg14[%get3A_228] {strides = array<i32>} : memref<1024xf32, #tpu.memory_space<vmem>>, vector<16xf32>,
      %get3A_230 = arith.constant 624 : index
      %get3A_231 = tpu.vector_load %arg14[%get3A_230] {strides = array<i32>} : memref<1024xf32, #tpu.memory_space<vmem>>, vector<16xf32>,
      %mul3A_232 = arith.mulf %mul3A_40, %get3A_227 : vector<16xf32>
      %add3A_233 = arith.addf %mul3A_232, %get3A_229 : vector<16xf32>
      %jit3A_234 = arith.constant -2.000000e+01 : f32
      %jit3A_235 = arith.constant 2.000000e+01 : f32
      %max3A_236 = vector.broadcast %jit3A_234 : f32 to vector<16xf32>
      %max3A_237 = arith.maximumf %max3A_236, %add3A_233 : vector<16xf32>
      %min3A_238 = vector.broadcast %jit3A_235 : f32 to vector<16xf32>
      %min3A_239 = arith.minimumf %min3A_238, %max3A_237 : vector<16xf32>
      %mul3A_240 = arith.constant 2.000000e+00 : f32
      %mul3A_241 = vector.broadcast %mul3A_240 : f32 to vector<16xf32>
      %mul3A_242 = arith.mulf %mul3A_241, %min3A_239 : vector<16xf32>
      %exp3A_243 = math.exp %mul3A_242 : vector<16xf32>
      %sub3A_244 = arith.constant 1.000000e+00 : f32
      %sub3A_245 = vector.broadcast %sub3A_244 : f32 to vector<16xf32>
      %sub3A_246 = arith.subf %exp3A_243, %sub3A_245 : vector<16xf32>
      %add3A_247 = arith.constant 1.000000e+00 : f32
      %add3A_248 = vector.broadcast %add3A_247 : f32 to vector<16xf32>
      %add3A_249 = arith.addf %exp3A_243, %add3A_248 : vector<16xf32>
      %div3A_250 = arith.divf %sub3A_246, %add3A_249 : vector<16xf32>
      %mul3A_251 = arith.mulf %get3A_231, %div3A_250 : vector<16xf32>
      %add3A_252 = arith.addf %add3A_225, %mul3A_251 : vector<16xf32>
      %get3A_253 = arith.constant 128 : index
      %get3A_254 = tpu.vector_load %arg14[%get3A_253] {strides = array<i32>} : memref<1024xf32, #tpu.memory_space<vmem>>, vector<16xf32>,
      %get3A_255 = arith.constant 384 : index
      %get3A_256 = tpu.vector_load %arg14[%get3A_255] {strides = array<i32>} : memref<1024xf32, #tpu.memory_space<vmem>>, vector<16xf32>,
      %get3A_257 = arith.constant 640 : index
      %get3A_258 = tpu.vector_load %arg14[%get3A_257] {strides = array<i32>} : memref<1024xf32, #tpu.memory_space<vmem>>, vector<16xf32>,
      %mul3A_259 = arith.mulf %mul3A_40, %get3A_254 : vector<16xf32>
      %add3A_260 = arith.addf %mul3A_259, %get3A_256 : vector<16xf32>
      %jit3A_261 = arith.constant -2.000000e+01 : f32
      %jit3A_262 = arith.constant 2.000000e+01 : f32
      %max3A_263 = vector.broadcast %jit3A_261 : f32 to vector<16xf32>
      %max3A_264 = arith.maximumf %max3A_263, %add3A_260 : vector<16xf32>
      %min3A_265 = vector.broadcast %jit3A_262 : f32 to vector<16xf32>
      %min3A_266 = arith.minimumf %min3A_265, %max3A_264 : vector<16xf32>
      %mul3A_267 = arith.constant 2.000000e+00 : f32
      %mul3A_268 = vector.broadcast %mul3A_267 : f32 to vector<16xf32>
      %mul3A_269 = arith.mulf %mul3A_268, %min3A_266 : vector<16xf32>
      %exp3A_270 = math.exp %mul3A_269 : vector<16xf32>
      %sub3A_271 = arith.constant 1.000000e+00 : f32
      %sub3A_272 = vector.broadcast %sub3A_271 : f32 to vector<16xf32>
      %sub3A_273 = arith.subf %exp3A_270, %sub3A_272 : vector<16xf32>
      %add3A_274 = arith.constant 1.000000e+00 : f32
      %add3A_275 = vector.broadcast %add3A_274 : f32 to vector<16xf32>
      %add3A_276 = arith.addf %exp3A_270, %add3A_275 : vector<16xf32>
      %div3A_277 = arith.divf %sub3A_273, %add3A_276 : vector<16xf32>
      %mul3A_278 = arith.mulf %get3A_258, %div3A_277 : vector<16xf32>
      %add3A_279 = arith.addf %add3A_252, %mul3A_278 : vector<16xf32>
      %get3A_280 = arith.constant 144 : index
      %get3A_281 = tpu.vector_load %arg14[%get3A_280] {strides = array<i32>} : memref<1024xf32, #tpu.memory_space<vmem>>, vector<16xf32>,
      %get3A_282 = arith.constant 400 : index
      %get3A_283 = tpu.vector_load %arg14[%get3A_282] {strides = array<i32>} : memref<1024xf32, #tpu.memory_space<vmem>>, vector<16xf32>,
      %get3A_284 = arith.constant 656 : index
      %get3A_285 = tpu.vector_load %arg14[%get3A_284] {strides = array<i32>} : memref<1024xf32, #tpu.memory_space<vmem>>, vector<16xf32>,
      %mul3A_286 = arith.mulf %mul3A_40, %get3A_281 : vector<16xf32>
      %add3A_287 = arith.addf %mul3A_286, %get3A_283 : vector<16xf32>
      %jit3A_288 = arith.constant -2.000000e+01 : f32
      %jit3A_289 = arith.constant 2.000000e+01 : f32
      %max3A_290 = vector.broadcast %jit3A_288 : f32 to vector<16xf32>
      %max3A_291 = arith.maximumf %max3A_290, %add3A_287 : vector<16xf32>
      %min3A_292 = vector.broadcast %jit3A_289 : f32 to vector<16xf32>
      %min3A_293 = arith.minimumf %min3A_292, %max3A_291 : vector<16xf32>
      %mul3A_294 = arith.constant 2.000000e+00 : f32
      %mul3A_295 = vector.broadcast %mul3A_294 : f32 to vector<16xf32>
      %mul3A_296 = arith.mulf %mul3A_295, %min3A_293 : vector<16xf32>
      %exp3A_297 = math.exp %mul3A_296 : vector<16xf32>
      %sub3A_298 = arith.constant 1.000000e+00 : f32
      %sub3A_299 = vector.broadcast %sub3A_298 : f32 to vector<16xf32>
      %sub3A_300 = arith.subf %exp3A_297, %sub3A_299 : vector<16xf32>
      %add3A_301 = arith.constant 1.000000e+00 : f32
      %add3A_302 = vector.broadcast %add3A_301 : f32 to vector<16xf32>
      %add3A_303 = arith.addf %exp3A_297, %add3A_302 : vector<16xf32>
      %div3A_304 = arith.divf %sub3A_300, %add3A_303 : vector<16xf32>
      %mul3A_305 = arith.mulf %get3A_285, %div3A_304 : vector<16xf32>
      %add3A_306 = arith.addf %add3A_279, %mul3A_305 : vector<16xf32>
      %get3A_307 = arith.constant 160 : index
      %get3A_308 = tpu.vector_load %arg14[%get3A_307] {strides = array<i32>} : memref<1024xf32, #tpu.memory_space<vmem>>, vector<16xf32>,
      %get3A_309 = arith.constant 416 : index
      %get3A_310 = tpu.vector_load %arg14[%get3A_309] {strides = array<i32>} : memref<1024xf32, #tpu.memory_space<vmem>>, vector<16xf32>,
      %get3A_311 = arith.constant 672 : index
      %get3A_312 = tpu.vector_load %arg14[%get3A_311] {strides = array<i32>} : memref<1024xf32, #tpu.memory_space<vmem>>, vector<16xf32>,
      %mul3A_313 = arith.mulf %mul3A_40, %get3A_308 : vector<16xf32>
      %add3A_314 = arith.addf %mul3A_313, %get3A_310 : vector<16xf32>
      %jit3A_315 = arith.constant -2.000000e+01 : f32
      %jit3A_316 = arith.constant 2.000000e+01 : f32
      %max3A_317 = vector.broadcast %jit3A_315 : f32 to vector<16xf32>
      %max3A_318 = arith.maximumf %max3A_317, %add3A_314 : vector<16xf32>
      %min3A_319 = vector.broadcast %jit3A_316 : f32 to vector<16xf32>
      %min3A_320 = arith.minimumf %min3A_319, %max3A_318 : vector<16xf32>
      %mul3A_321 = arith.constant 2.000000e+00 : f32
      %mul3A_322 = vector.broadcast %mul3A_321 : f32 to vector<16xf32>
      %mul3A_323 = arith.mulf %mul3A_322, %min3A_320 : vector<16xf32>
      %exp3A_324 = math.exp %mul3A_323 : vector<16xf32>
      %sub3A_325 = arith.constant 1.000000e+00 : f32
      %sub3A_326 = vector.broadcast %sub3A_325 : f32 to vector<16xf32>
      %sub3A_327 = arith.subf %exp3A_324, %sub3A_326 : vector<16xf32>
      %add3A_328 = arith.constant 1.000000e+00 : f32
      %add3A_329 = vector.broadcast %add3A_328 : f32 to vector<16xf32>
      %add3A_330 = arith.addf %exp3A_324, %add3A_329 : vector<16xf32>
      %div3A_331 = arith.divf %sub3A_327, %add3A_330 : vector<16xf32>
      %mul3A_332 = arith.mulf %get3A_312, %div3A_331 : vector<16xf32>
      %add3A_333 = arith.addf %add3A_306, %mul3A_332 : vector<16xf32>
      %get3A_334 = arith.constant 176 : index
      %get3A_335 = tpu.vector_load %arg14[%get3A_334] {strides = array<i32>} : memref<1024xf32, #tpu.memory_space<vmem>>, vector<16xf32>,
      %get3A_336 = arith.constant 432 : index
      %get3A_337 = tpu.vector_load %arg14[%get3A_336] {strides = array<i32>} : memref<1024xf32, #tpu.memory_space<vmem>>, vector<16xf32>,
      %get3A_338 = arith.constant 688 : index
      %get3A_339 = tpu.vector_load %arg14[%get3A_338] {strides = array<i32>} : memref<1024xf32, #tpu.memory_space<vmem>>, vector<16xf32>,
      %mul3A_340 = arith.mulf %mul3A_40, %get3A_335 : vector<16xf32>
      %add3A_341 = arith.addf %mul3A_340, %get3A_337 : vector<16xf32>
      %jit3A_342 = arith.constant -2.000000e+01 : f32
      %jit3A_343 = arith.constant 2.000000e+01 : f32
      %max3A_344 = vector.broadcast %jit3A_342 : f32 to vector<16xf32>
      %max3A_345 = arith.maximumf %max3A_344, %add3A_341 : vector<16xf32>
      %min3A_346 = vector.broadcast %jit3A_343 : f32 to vector<16xf32>
      %min3A_347 = arith.minimumf %min3A_346, %max3A_345 : vector<16xf32>
      %mul3A_348 = arith.constant 2.000000e+00 : f32
      %mul3A_349 = vector.broadcast %mul3A_348 : f32 to vector<16xf32>
      %mul3A_350 = arith.mulf %mul3A_349, %min3A_347 : vector<16xf32>
      %exp3A_351 = math.exp %mul3A_350 : vector<16xf32>
      %sub3A_352 = arith.constant 1.000000e+00 : f32
      %sub3A_353 = vector.broadcast %sub3A_352 : f32 to vector<16xf32>
      %sub3A_354 = arith.subf %exp3A_351, %sub3A_353 : vector<16xf32>
      %add3A_355 = arith.constant 1.000000e+00 : f32
      %add3A_356 = vector.broadcast %add3A_355 : f32 to vector<16xf32>
      %add3A_357 = arith.addf %exp3A_351, %add3A_356 : vector<16xf32>
      %div3A_358 = arith.divf %sub3A_354, %add3A_357 : vector<16xf32>
      %mul3A_359 = arith.mulf %get3A_339, %div3A_358 : vector<16xf32>
      %add3A_360 = arith.addf %add3A_333, %mul3A_359 : vector<16xf32>
      %get3A_361 = arith.constant 192 : index
      %get3A_362 = tpu.vector_load %arg14[%get3A_361] {strides = array<i32>} : memref<1024xf32, #tpu.memory_space<vmem>>, vector<16xf32>,
      %get3A_363 = arith.constant 448 : index
      %get3A_364 = tpu.vector_load %arg14[%get3A_363] {strides = array<i32>} : memref<1024xf32, #tpu.memory_space<vmem>>, vector<16xf32>,
      %get3A_365 = arith.constant 704 : index
      %get3A_366 = tpu.vector_load %arg14[%get3A_365] {strides = array<i32>} : memref<1024xf32, #tpu.memory_space<vmem>>, vector<16xf32>,
      %mul3A_367 = arith.mulf %mul3A_40, %get3A_362 : vector<16xf32>
      %add3A_368 = arith.addf %mul3A_367, %get3A_364 : vector<16xf32>
      %jit3A_369 = arith.constant -2.000000e+01 : f32
      %jit3A_370 = arith.constant 2.000000e+01 : f32
      %max3A_371 = vector.broadcast %jit3A_369 : f32 to vector<16xf32>
      %max3A_372 = arith.maximumf %max3A_371, %add3A_368 : vector<16xf32>
      %min3A_373 = vector.broadcast %jit3A_370 : f32 to vector<16xf32>
      %min3A_374 = arith.minimumf %min3A_373, %max3A_372 : vector<16xf32>
      %mul3A_375 = arith.constant 2.000000e+00 : f32
      %mul3A_376 = vector.broadcast %mul3A_375 : f32 to vector<16xf32>
      %mul3A_377 = arith.mulf %mul3A_376, %min3A_374 : vector<16xf32>
      %exp3A_378 = math.exp %mul3A_377 : vector<16xf32>
      %sub3A_379 = arith.constant 1.000000e+00 : f32
      %sub3A_380 = vector.broadcast %sub3A_379 : f32 to vector<16xf32>
      %sub3A_381 = arith.subf %exp3A_378, %sub3A_380 : vector<16xf32>
      %add3A_382 = arith.constant 1.000000e+00 : f32
      %add3A_383 = vector.broadcast %add3A_382 : f32 to vector<16xf32>
      %add3A_384 = arith.addf %exp3A_378, %add3A_383 : vector<16xf32>
      %div3A_385 = arith.divf %sub3A_381, %add3A_384 : vector<16xf32>
      %mul3A_386 = arith.mulf %get3A_366, %div3A_385 : vector<16xf32>
      %add3A_387 = arith.addf %add3A_360, %mul3A_386 : vector<16xf32>
      %get3A_388 = arith.constant 208 : index
      %get3A_389 = tpu.vector_load %arg14[%get3A_388] {strides = array<i32>} : memref<1024xf32, #tpu.memory_space<vmem>>, vector<16xf32>,
      %get3A_390 = arith.constant 464 : index
      %get3A_391 = tpu.vector_load %arg14[%get3A_390] {strides = array<i32>} : memref<1024xf32, #tpu.memory_space<vmem>>, vector<16xf32>,
      %get3A_392 = arith.constant 720 : index
      %get3A_393 = tpu.vector_load %arg14[%get3A_392] {strides = array<i32>} : memref<1024xf32, #tpu.memory_space<vmem>>, vector<16xf32>,
      %mul3A_394 = arith.mulf %mul3A_40, %get3A_389 : vector<16xf32>
      %add3A_395 = arith.addf %mul3A_394, %get3A_391 : vector<16xf32>
      %jit3A_396 = arith.constant -2.000000e+01 : f32
      %jit3A_397 = arith.constant 2.000000e+01 : f32
      %max3A_398 = vector.broadcast %jit3A_396 : f32 to vector<16xf32>
      %max3A_399 = arith.maximumf %max3A_398, %add3A_395 : vector<16xf32>
      %min3A_400 = vector.broadcast %jit3A_397 : f32 to vector<16xf32>
      %min3A_401 = arith.minimumf %min3A_400, %max3A_399 : vector<16xf32>
      %mul3A_402 = arith.constant 2.000000e+00 : f32
      %mul3A_403 = vector.broadcast %mul3A_402 : f32 to vector<16xf32>
      %mul3A_404 = arith.mulf %mul3A_403, %min3A_401 : vector<16xf32>
      %exp3A_405 = math.exp %mul3A_404 : vector<16xf32>
      %sub3A_406 = arith.constant 1.000000e+00 : f32
      %sub3A_407 = vector.broadcast %sub3A_406 : f32 to vector<16xf32>
      %sub3A_408 = arith.subf %exp3A_405, %sub3A_407 : vector<16xf32>
      %add3A_409 = arith.constant 1.000000e+00 : f32
      %add3A_410 = vector.broadcast %add3A_409 : f32 to vector<16xf32>
      %add3A_411 = arith.addf %exp3A_405, %add3A_410 : vector<16xf32>
      %div3A_412 = arith.divf %sub3A_408, %add3A_411 : vector<16xf32>
      %mul3A_413 = arith.mulf %get3A_393, %div3A_412 : vector<16xf32>
      %add3A_414 = arith.addf %add3A_387, %mul3A_413 : vector<16xf32>
      %get3A_415 = arith.constant 224 : index
      %get3A_416 = tpu.vector_load %arg14[%get3A_415] {strides = array<i32>} : memref<1024xf32, #tpu.memory_space<vmem>>, vector<16xf32>,
      %get3A_417 = arith.constant 480 : index
      %get3A_418 = tpu.vector_load %arg14[%get3A_417] {strides = array<i32>} : memref<1024xf32, #tpu.memory_space<vmem>>, vector<16xf32>,
      %get3A_419 = arith.constant 736 : index
      %get3A_420 = tpu.vector_load %arg14[%get3A_419] {strides = array<i32>} : memref<1024xf32, #tpu.memory_space<vmem>>, vector<16xf32>,
      %mul3A_421 = arith.mulf %mul3A_40, %get3A_416 : vector<16xf32>
      %add3A_422 = arith.addf %mul3A_421, %get3A_418 : vector<16xf32>
      %jit3A_423 = arith.constant -2.000000e+01 : f32
      %jit3A_424 = arith.constant 2.000000e+01 : f32
      %max3A_425 = vector.broadcast %jit3A_423 : f32 to vector<16xf32>
      %max3A_426 = arith.maximumf %max3A_425, %add3A_422 : vector<16xf32>
      %min3A_427 = vector.broadcast %jit3A_424 : f32 to vector<16xf32>
      %min3A_428 = arith.minimumf %min3A_427, %max3A_426 : vector<16xf32>
      %mul3A_429 = arith.constant 2.000000e+00 : f32
      %mul3A_430 = vector.broadcast %mul3A_429 : f32 to vector<16xf32>
      %mul3A_431 = arith.mulf %mul3A_430, %min3A_428 : vector<16xf32>
      %exp3A_432 = math.exp %mul3A_431 : vector<16xf32>
      %sub3A_433 = arith.constant 1.000000e+00 : f32
      %sub3A_434 = vector.broadcast %sub3A_433 : f32 to vector<16xf32>
      %sub3A_435 = arith.subf %exp3A_432, %sub3A_434 : vector<16xf32>
      %add3A_436 = arith.constant 1.000000e+00 : f32
      %add3A_437 = vector.broadcast %add3A_436 : f32 to vector<16xf32>
      %add3A_438 = arith.addf %exp3A_432, %add3A_437 : vector<16xf32>
      %div3A_439 = arith.divf %sub3A_435, %add3A_438 : vector<16xf32>
      %mul3A_440 = arith.mulf %get3A_420, %div3A_439 : vector<16xf32>
      %add3A_441 = arith.addf %add3A_414, %mul3A_440 : vector<16xf32>
      %get3A_442 = arith.constant 240 : index
      %get3A_443 = tpu.vector_load %arg14[%get3A_442] {strides = array<i32>} : memref<1024xf32, #tpu.memory_space<vmem>>, vector<16xf32>,
      %get3A_444 = arith.constant 496 : index
      %get3A_445 = tpu.vector_load %arg14[%get3A_444] {strides = array<i32>} : memref<1024xf32, #tpu.memory_space<vmem>>, vector<16xf32>,
      %get3A_446 = arith.constant 752 : index
      %get3A_447 = tpu.vector_load %arg14[%get3A_446] {strides = array<i32>} : memref<1024xf32, #tpu.memory_space<vmem>>, vector<16xf32>,
      %mul3A_448 = arith.mulf %mul3A_40, %get3A_443 : vector<16xf32>
      %add3A_449 = arith.addf %mul3A_448, %get3A_445 : vector<16xf32>
      %jit3A_450 = arith.constant -2.000000e+01 : f32
      %jit3A_451 = arith.constant 2.000000e+01 : f32
      %max3A_452 = vector.broadcast %jit3A_450 : f32 to vector<16xf32>
      %max3A_453 = arith.maximumf %max3A_452, %add3A_449 : vector<16xf32>
      %min3A_454 = vector.broadcast %jit3A_451 : f32 to vector<16xf32>
      %min3A_455 = arith.minimumf %min3A_454, %max3A_453 : vector<16xf32>
      %mul3A_456 = arith.constant 2.000000e+00 : f32
      %mul3A_457 = vector.broadcast %mul3A_456 : f32 to vector<16xf32>
      %mul3A_458 = arith.mulf %mul3A_457, %min3A_455 : vector<16xf32>
      %exp3A_459 = math.exp %mul3A_458 : vector<16xf32>
      %sub3A_460 = arith.constant 1.000000e+00 : f32
      %sub3A_461 = vector.broadcast %sub3A_460 : f32 to vector<16xf32>
      %sub3A_462 = arith.subf %exp3A_459, %sub3A_461 : vector<16xf32>
      %add3A_463 = arith.constant 1.000000e+00 : f32
      %add3A_464 = vector.broadcast %add3A_463 : f32 to vector<16xf32>
      %add3A_465 = arith.addf %exp3A_459, %add3A_464 : vector<16xf32>
      %div3A_466 = arith.divf %sub3A_462, %add3A_465 : vector<16xf32>
      %mul3A_467 = arith.mulf %get3A_447, %div3A_466 : vector<16xf32>
      %add3A_468 = arith.addf %add3A_441, %mul3A_467 : vector<16xf32>
      %mul3A_469 = arith.constant 5.961620e-01 : f32
      %mul3A_470 = vector.broadcast %mul3A_469 : f32 to vector<16xf32>
      %mul3A_471 = arith.mulf %add3A_468, %mul3A_470 : vector<16xf32>
      %mul3A_472 = arith.constant 16 : i32
      %mul3A_473 = arith.muli %scan3A_33, %mul3A_472 : i32
      %swap3A_474 = arith.index_cast %mul3A_473 : i32 to index
      %swap3A_475 = tpu.vector_load %arg7[%swap3A_474] {strides = array<i32>} : memref<8192xf32, #tpu.memory_space<vmem>>, vector<16xf32>,
      tpu.vector_store %arg7[%swap3A_474], %mul3A_471 {strides = array<i32>} : memref<8192xf32, #tpu.memory_space<vmem>>, vector<16xf32>,
    }
    %scan3A_6 = arith.constant 512 : i32
    %get3A = arith.constant 784 : index
    %get3A_7 = tpu.vector_load %arg14[%get3A] {strides = array<i32>} : memref<1024xf32, #tpu.memory_space<vmem>>, vector<16xf32>,
    %get3A_8 = arith.constant 800 : index
    %get3A_9 = tpu.vector_load %arg14[%get3A_8] {strides = array<i32>} : memref<1024xf32, #tpu.memory_space<vmem>>, vector<16xf32>,
    %get3A_10 = arith.constant 816 : index
    %get3A_11 = tpu.vector_load %arg14[%get3A_10] {strides = array<i32>} : memref<1024xf32, #tpu.memory_space<vmem>>, vector<16xf32>,
    %get3A_12 = arith.constant 832 : index
    %get3A_13 = tpu.vector_load %arg14[%get3A_12] {strides = array<i32>} : memref<1024xf32, #tpu.memory_space<vmem>>, vector<16xf32>,
    %get3A_14 = arith.constant 848 : index
    %get3A_15 = tpu.vector_load %arg14[%get3A_14] {strides = array<i32>} : memref<1024xf32, #tpu.memory_space<vmem>>, vector<16xf32>,
    %get3A_16 = arith.constant 864 : index
    %get3A_17 = tpu.vector_load %arg14[%get3A_16] {strides = array<i32>} : memref<1024xf32, #tpu.memory_space<vmem>>, vector<16xf32>,
    %get3A_18 = arith.constant 880 : index
    %get3A_19 = tpu.vector_load %arg14[%get3A_18] {strides = array<i32>} : memref<1024xf32, #tpu.memory_space<vmem>>, vector<16xf32>,
    %get3A_20 = arith.constant 896 : index
    %get3A_21 = tpu.vector_load %arg14[%get3A_20] {strides = array<i32>} : memref<1024xf32, #tpu.memory_space<vmem>>, vector<16xf32>,
    %get3A_22 = arith.constant 912 : index
    %get3A_23 = tpu.vector_load %arg14[%get3A_22] {strides = array<i32>} : memref<1024xf32, #tpu.memory_space<vmem>>, vector<16xf32>,
    %broadcast_in_dim3A_24 = arith.constant 0.000000e+00 : f32
    %broadcast_in_dim3A_25 = vector.broadcast %broadcast_in_dim3A_24 : f32 to vector<16xf32>
    %scan3A_26 = arith.constant 0 : i32
    %scan3A_27 = arith.constant 100 : i32
    %scan3A_28 = arith.addi %scan3A_26, %scan3A_27 : i32
    %scan3A_29 = arith.constant 1 : i32
    %scan3A_30 = scf.for %scan3A_33 = %scan3A_26 to %scan3A_28 step %scan3A_29 iter_args(%scan3A_34 = %broadcast_in_dim3A_25) -> (vector<16xf32>)  : i32 {
      %mul3A_35 = arith.constant 200000 : i32
      %mul3A_36 = arith.muli %add3A, %mul3A_35 : i32
      %mul3A_37 = arith.constant 2000 : i32
      %mul3A_38 = arith.muli %scan3A_33, %mul3A_37 : i32
      %add3A_39 = arith.addi %mul3A_36, %mul3A_38 : i32
      "tpu.region"() ({
        %run_scoped3A = tpu.sem_alloc : memref<!tpu.dma_semaphore, #tpu.memory_space<semaphore_mem>>
        %dma_start3A_562 = arith.constant 0 : i32
        %dma_start3A_563 = tpu.memref_slice %arg3[%add3A_39, %dma_start3A_562] : memref<6400000x2xi32, #tpu.memory_space<hbm>> -> memref<2000x2xi32, #tpu.memory_space<hbm>>
        %dma_start3A_564 = arith.constant 0 : i32
        %dma_start3A_565 = tpu.memref_slice %arg3[%add3A_39, %dma_start3A_564] : memref<6400000x2xi32, #tpu.memory_space<hbm>> -> memref<2000x2xi32, #tpu.memory_space<hbm>>
        tpu.enqueue_dma source(%dma_start3A_565 : memref<2000x2xi32, #tpu.memory_space<hbm>>) target(%arg8 : memref<2000x2xi32, #tpu.memory_space<vmem>>) target_semaphore(%run_scoped3A : memref<!tpu.dma_semaphore, #tpu.memory_space<semaphore_mem>>)
        %dma_wait3A_566 = arith.constant 0 : i32
        %dma_wait3A_567 = tpu.memref_slice %arg3[%add3A_39, %dma_wait3A_566] : memref<6400000x2xi32, #tpu.memory_space<hbm>> -> memref<2000x2xi32, #tpu.memory_space<hbm>>
        %dma_wait3A_568 = arith.constant 0 : i32
        %dma_wait3A_569 = tpu.memref_slice %arg3[%add3A_39, %dma_wait3A_568] : memref<6400000x2xi32, #tpu.memory_space<hbm>> -> memref<2000x2xi32, #tpu.memory_space<hbm>>
        tpu.wait_dma2 semaphore(%run_scoped3A : memref<!tpu.dma_semaphore, #tpu.memory_space<semaphore_mem>>) src(%dma_wait3A_569 : memref<2000x2xi32, #tpu.memory_space<hbm>>) dst(%arg8 : memref<2000x2xi32, #tpu.memory_space<vmem>>)
        tpu.yield
      }) : () -> ()
      "tpu.region"() ({
        %run_scoped3A = tpu.sem_alloc : memref<!tpu.dma_semaphore, #tpu.memory_space<semaphore_mem>>
        %dma_start3A_562 = arith.constant 0 : i32
        %dma_start3A_563 = tpu.memref_slice %arg4[%add3A_39, %dma_start3A_562] : memref<6400000x3xi32, #tpu.memory_space<hbm>> -> memref<2000x3xi32, #tpu.memory_space<hbm>>
        %dma_start3A_564 = arith.constant 0 : i32
        %dma_start3A_565 = tpu.memref_slice %arg4[%add3A_39, %dma_start3A_564] : memref<6400000x3xi32, #tpu.memory_space<hbm>> -> memref<2000x3xi32, #tpu.memory_space<hbm>>
        tpu.enqueue_dma source(%dma_start3A_565 : memref<2000x3xi32, #tpu.memory_space<hbm>>) target(%arg9 : memref<2000x3xi32, #tpu.memory_space<vmem>>) target_semaphore(%run_scoped3A : memref<!tpu.dma_semaphore, #tpu.memory_space<semaphore_mem>>)
        %dma_wait3A_566 = arith.constant 0 : i32
        %dma_wait3A_567 = tpu.memref_slice %arg4[%add3A_39, %dma_wait3A_566] : memref<6400000x3xi32, #tpu.memory_space<hbm>> -> memref<2000x3xi32, #tpu.memory_space<hbm>>
        %dma_wait3A_568 = arith.constant 0 : i32
        %dma_wait3A_569 = tpu.memref_slice %arg4[%add3A_39, %dma_wait3A_568] : memref<6400000x3xi32, #tpu.memory_space<hbm>> -> memref<2000x3xi32, #tpu.memory_space<hbm>>
        tpu.wait_dma2 semaphore(%run_scoped3A : memref<!tpu.dma_semaphore, #tpu.memory_space<semaphore_mem>>) src(%dma_wait3A_569 : memref<2000x3xi32, #tpu.memory_space<hbm>>) dst(%arg9 : memref<2000x3xi32, #tpu.memory_space<vmem>>)
        tpu.yield
      }) : () -> ()
      %scan3A_40 = arith.constant 0 : i32
      %scan3A_41 = arith.constant 0 : i32
      %scan3A_42 = arith.constant 125 : i32
      %scan3A_43 = arith.addi %scan3A_41, %scan3A_42 : i32
      %scan3A_44 = arith.constant 1 : i32
      scf.for %scan3A_562 = %scan3A_41 to %scan3A_43 step %scan3A_44  : i32 {
        %mul3A_563 = arith.constant 16 : i32
        %mul3A_564 = arith.muli %scan3A_562, %mul3A_563 : i32
        %add3A_565 = vector.broadcast %mul3A_564 : i32 to vector<16xi32>
        %add3A_566 = arith.addi %add3A_565, %iota3A : vector<16xi32>
        %gather3A = tpu.vector_load_idx %arg8[%add3A_566, %broadcast_in_dim3A_1] : memref<2000x2xi32, #tpu.memory_space<vmem>>[vector<16xi32>, vector<16xi32>], vector<16xi32>,
        %mul3A_567 = arith.constant 16 : i32
        %mul3A_568 = arith.muli %scan3A_562, %mul3A_567 : i32
        %swap3A_569 = arith.index_cast %mul3A_568 : i32 to index
        %swap3A_570 = tpu.vector_load %arg10[%swap3A_569] {strides = array<i32>} : memref<2000xi32, #tpu.memory_space<vmem>>, vector<16xi32>,
        tpu.vector_store %arg10[%swap3A_569], %gather3A {strides = array<i32>} : memref<2000xi32, #tpu.memory_space<vmem>>, vector<16xi32>,
        %add3A_571 = arith.constant 1 : i32
        %add3A_572 = vector.broadcast %add3A_571 : i32 to vector<16xi32>
        %add3A_573 = arith.addi %broadcast_in_dim3A_1, %add3A_572 : vector<16xi32>
        %gather3A_574 = tpu.vector_load_idx %arg8[%add3A_566, %add3A_573] : memref<2000x2xi32, #tpu.memory_space<vmem>>[vector<16xi32>, vector<16xi32>], vector<16xi32>,
        %mul3A_575 = arith.constant 16 : i32
        %mul3A_576 = arith.muli %scan3A_562, %mul3A_575 : i32
        %swap3A_577 = arith.index_cast %mul3A_576 : i32 to index
        %swap3A_578 = tpu.vector_load %arg11[%swap3A_577] {strides = array<i32>} : memref<2000xi32, #tpu.memory_space<vmem>>, vector<16xi32>,
        tpu.vector_store %arg11[%swap3A_577], %gather3A_574 {strides = array<i32>} : memref<2000xi32, #tpu.memory_space<vmem>>, vector<16xi32>,
      }
      %scan3A_45 = arith.constant 125 : i32
      %dma_start3A = arith.constant 0 : i32
      %dma_start3A_46 = arith.constant 0 : i32
      %dma_start3A_47 = tpu.memref_slice %arg12[%dma_start3A, %dma_start3A_46] : memref<2000x16xf32, #tpu.memory_space<vmem>> -> memref<128x16xf32, #tpu.memory_space<vmem>>
      %dma_start3A_48 = arith.constant 0 : i32
      %dma_start3A_49 = tpu.memref_slice %arg10[%dma_start3A_48] : memref<2000xi32, #tpu.memory_space<vmem>> -> memref<128xi32, #tpu.memory_space<vmem>>
      %dma_start3A_50 = arith.constant 0 : i32
      %dma_start3A_51 = arith.constant 0 : i32
      %dma_start3A_52 = tpu.memref_slice %arg2[%dma_start3A_50, %dma_start3A_51] : memref<100000x16xf32, #tpu.memory_space<hbm>> -> memref<100000x16xf32, #tpu.memory_space<hbm>>
      tpu.enqueue_indirect_dma source(%dma_start3A_52 : memref<100000x16xf32, #tpu.memory_space<hbm>>) target(%dma_start3A_47 : memref<128x16xf32, #tpu.memory_space<vmem>>) offsets(%dma_start3A_49 : memref<128xi32, #tpu.memory_space<vmem>>) semaphore(%arg16 : memref<!tpu.dma_semaphore, #tpu.memory_space<semaphore_mem>>)
      %dma_start3A_53 = arith.constant 0 : i32
      %dma_start3A_54 = arith.constant 0 : i32
      %dma_start3A_55 = tpu.memref_slice %arg13[%dma_start3A_53, %dma_start3A_54] : memref<2000x16xf32, #tpu.memory_space<vmem>> -> memref<128x16xf32, #tpu.memory_space<vmem>>
      %dma_start3A_56 = arith.constant 0 : i32
      %dma_start3A_57 = tpu.memref_slice %arg11[%dma_start3A_56] : memref<2000xi32, #tpu.memory_space<vmem>> -> memref<128xi32, #tpu.memory_space<vmem>>
      %dma_start3A_58 = arith.constant 0 : i32
      %dma_start3A_59 = arith.constant 0 : i32
      %dma_start3A_60 = tpu.memref_slice %arg2[%dma_start3A_58, %dma_start3A_59] : memref<100000x16xf32, #tpu.memory_space<hbm>> -> memref<100000x16xf32, #tpu.memory_space<hbm>>
      tpu.enqueue_indirect_dma source(%dma_start3A_60 : memref<100000x16xf32, #tpu.memory_space<hbm>>) target(%dma_start3A_55 : memref<128x16xf32, #tpu.memory_space<vmem>>) offsets(%dma_start3A_57 : memref<128xi32, #tpu.memory_space<vmem>>) semaphore(%arg16 : memref<!tpu.dma_semaphore, #tpu.memory_space<semaphore_mem>>)
      %dma_start3A_61 = arith.constant 128 : i32
      %dma_start3A_62 = arith.constant 0 : i32
      %dma_start3A_63 = tpu.memref_slice %arg12[%dma_start3A_61, %dma_start3A_62] : memref<2000x16xf32, #tpu.memory_space<vmem>> -> memref<128x16xf32, #tpu.memory_space<vmem>>
      %dma_start3A_64 = arith.constant 128 : i32
      %dma_start3A_65 = tpu.memref_slice %arg10[%dma_start3A_64] : memref<2000xi32, #tpu.memory_space<vmem>> -> memref<128xi32, #tpu.memory_space<vmem>>
      %dma_start3A_66 = arith.constant 0 : i32
      %dma_start3A_67 = arith.constant 0 : i32
      %dma_start3A_68 = tpu.memref_slice %arg2[%dma_start3A_66, %dma_start3A_67] : memref<100000x16xf32, #tpu.memory_space<hbm>> -> memref<100000x16xf32, #tpu.memory_space<hbm>>
      tpu.enqueue_indirect_dma source(%dma_start3A_68 : memref<100000x16xf32, #tpu.memory_space<hbm>>) target(%dma_start3A_63 : memref<128x16xf32, #tpu.memory_space<vmem>>) offsets(%dma_start3A_65 : memref<128xi32, #tpu.memory_space<vmem>>) semaphore(%arg16 : memref<!tpu.dma_semaphore, #tpu.memory_space<semaphore_mem>>)
      %dma_start3A_69 = arith.constant 128 : i32
      %dma_start3A_70 = arith.constant 0 : i32
      %dma_start3A_71 = tpu.memref_slice %arg13[%dma_start3A_69, %dma_start3A_70] : memref<2000x16xf32, #tpu.memory_space<vmem>> -> memref<128x16xf32, #tpu.memory_space<vmem>>
      %dma_start3A_72 = arith.constant 128 : i32
      %dma_start3A_73 = tpu.memref_slice %arg11[%dma_start3A_72] : memref<2000xi32, #tpu.memory_space<vmem>> -> memref<128xi32, #tpu.memory_space<vmem>>
      %dma_start3A_74 = arith.constant 0 : i32
      %dma_start3A_75 = arith.constant 0 : i32
      %dma_start3A_76 = tpu.memref_slice %arg2[%dma_start3A_74, %dma_start3A_75] : memref<100000x16xf32, #tpu.memory_space<hbm>> -> memref<100000x16xf32, #tpu.memory_space<hbm>>
      tpu.enqueue_indirect_dma source(%dma_start3A_76 : memref<100000x16xf32, #tpu.memory_space<hbm>>) target(%dma_start3A_71 : memref<128x16xf32, #tpu.memory_space<vmem>>) offsets(%dma_start3A_73 : memref<128xi32, #tpu.memory_space<vmem>>) semaphore(%arg16 : memref<!tpu.dma_semaphore, #tpu.memory_space<semaphore_mem>>)
      %dma_start3A_77 = arith.constant 256 : i32
      %dma_start3A_78 = arith.constant 0 : i32
      %dma_start3A_79 = tpu.memref_slice %arg12[%dma_start3A_77, %dma_start3A_78] : memref<2000x16xf32, #tpu.memory_space<vmem>> -> memref<128x16xf32, #tpu.memory_space<vmem>>
      %dma_start3A_80 = arith.constant 256 : i32
      %dma_start3A_81 = tpu.memref_slice %arg10[%dma_start3A_80] : memref<2000xi32, #tpu.memory_space<vmem>> -> memref<128xi32, #tpu.memory_space<vmem>>
      %dma_start3A_82 = arith.constant 0 : i32
      %dma_start3A_83 = arith.constant 0 : i32
      %dma_start3A_84 = tpu.memref_slice %arg2[%dma_start3A_82, %dma_start3A_83] : memref<100000x16xf32, #tpu.memory_space<hbm>> -> memref<100000x16xf32, #tpu.memory_space<hbm>>
      tpu.enqueue_indirect_dma source(%dma_start3A_84 : memref<100000x16xf32, #tpu.memory_space<hbm>>) target(%dma_start3A_79 : memref<128x16xf32, #tpu.memory_space<vmem>>) offsets(%dma_start3A_81 : memref<128xi32, #tpu.memory_space<vmem>>) semaphore(%arg16 : memref<!tpu.dma_semaphore, #tpu.memory_space<semaphore_mem>>)
      %dma_start3A_85 = arith.constant 256 : i32
      %dma_start3A_86 = arith.constant 0 : i32
      %dma_start3A_87 = tpu.memref_slice %arg13[%dma_start3A_85, %dma_start3A_86] : memref<2000x16xf32, #tpu.memory_space<vmem>> -> memref<128x16xf32, #tpu.memory_space<vmem>>
      %dma_start3A_88 = arith.constant 256 : i32
      %dma_start3A_89 = tpu.memref_slice %arg11[%dma_start3A_88] : memref<2000xi32, #tpu.memory_space<vmem>> -> memref<128xi32, #tpu.memory_space<vmem>>
      %dma_start3A_90 = arith.constant 0 : i32
      %dma_start3A_91 = arith.constant 0 : i32
      %dma_start3A_92 = tpu.memref_slice %arg2[%dma_start3A_90, %dma_start3A_91] : memref<100000x16xf32, #tpu.memory_space<hbm>> -> memref<100000x16xf32, #tpu.memory_space<hbm>>
      tpu.enqueue_indirect_dma source(%dma_start3A_92 : memref<100000x16xf32, #tpu.memory_space<hbm>>) target(%dma_start3A_87 : memref<128x16xf32, #tpu.memory_space<vmem>>) offsets(%dma_start3A_89 : memref<128xi32, #tpu.memory_space<vmem>>) semaphore(%arg16 : memref<!tpu.dma_semaphore, #tpu.memory_space<semaphore_mem>>)
      %dma_start3A_93 = arith.constant 384 : i32
      %dma_start3A_94 = arith.constant 0 : i32
      %dma_start3A_95 = tpu.memref_slice %arg12[%dma_start3A_93, %dma_start3A_94] : memref<2000x16xf32, #tpu.memory_space<vmem>> -> memref<128x16xf32, #tpu.memory_space<vmem>>
      %dma_start3A_96 = arith.constant 384 : i32
      %dma_start3A_97 = tpu.memref_slice %arg10[%dma_start3A_96] : memref<2000xi32, #tpu.memory_space<vmem>> -> memref<128xi32, #tpu.memory_space<vmem>>
      %dma_start3A_98 = arith.constant 0 : i32
      %dma_start3A_99 = arith.constant 0 : i32
      %dma_start3A_100 = tpu.memref_slice %arg2[%dma_start3A_98, %dma_start3A_99] : memref<100000x16xf32, #tpu.memory_space<hbm>> -> memref<100000x16xf32, #tpu.memory_space<hbm>>
      tpu.enqueue_indirect_dma source(%dma_start3A_100 : memref<100000x16xf32, #tpu.memory_space<hbm>>) target(%dma_start3A_95 : memref<128x16xf32, #tpu.memory_space<vmem>>) offsets(%dma_start3A_97 : memref<128xi32, #tpu.memory_space<vmem>>) semaphore(%arg16 : memref<!tpu.dma_semaphore, #tpu.memory_space<semaphore_mem>>)
      %dma_start3A_101 = arith.constant 384 : i32
      %dma_start3A_102 = arith.constant 0 : i32
      %dma_start3A_103 = tpu.memref_slice %arg13[%dma_start3A_101, %dma_start3A_102] : memref<2000x16xf32, #tpu.memory_space<vmem>> -> memref<128x16xf32, #tpu.memory_space<vmem>>
      %dma_start3A_104 = arith.constant 384 : i32
      %dma_start3A_105 = tpu.memref_slice %arg11[%dma_start3A_104] : memref<2000xi32, #tpu.memory_space<vmem>> -> memref<128xi32, #tpu.memory_space<vmem>>
      %dma_start3A_106 = arith.constant 0 : i32
      %dma_start3A_107 = arith.constant 0 : i32
      %dma_start3A_108 = tpu.memref_slice %arg2[%dma_start3A_106, %dma_start3A_107] : memref<100000x16xf32, #tpu.memory_space<hbm>> -> memref<100000x16xf32, #tpu.memory_space<hbm>>
      tpu.enqueue_indirect_dma source(%dma_start3A_108 : memref<100000x16xf32, #tpu.memory_space<hbm>>) target(%dma_start3A_103 : memref<128x16xf32, #tpu.memory_space<vmem>>) offsets(%dma_start3A_105 : memref<128xi32, #tpu.memory_space<vmem>>) semaphore(%arg16 : memref<!tpu.dma_semaphore, #tpu.memory_space<semaphore_mem>>)
      %dma_start3A_109 = arith.constant 512 : i32
      %dma_start3A_110 = arith.constant 0 : i32
      %dma_start3A_111 = tpu.memref_slice %arg12[%dma_start3A_109, %dma_start3A_110] : memref<2000x16xf32, #tpu.memory_space<vmem>> -> memref<128x16xf32, #tpu.memory_space<vmem>>
      %dma_start3A_112 = arith.constant 512 : i32
      %dma_start3A_113 = tpu.memref_slice %arg10[%dma_start3A_112] : memref<2000xi32, #tpu.memory_space<vmem>> -> memref<128xi32, #tpu.memory_space<vmem>>
      %dma_start3A_114 = arith.constant 0 : i32
      %dma_start3A_115 = arith.constant 0 : i32
      %dma_start3A_116 = tpu.memref_slice %arg2[%dma_start3A_114, %dma_start3A_115] : memref<100000x16xf32, #tpu.memory_space<hbm>> -> memref<100000x16xf32, #tpu.memory_space<hbm>>
      tpu.enqueue_indirect_dma source(%dma_start3A_116 : memref<100000x16xf32, #tpu.memory_space<hbm>>) target(%dma_start3A_111 : memref<128x16xf32, #tpu.memory_space<vmem>>) offsets(%dma_start3A_113 : memref<128xi32, #tpu.memory_space<vmem>>) semaphore(%arg16 : memref<!tpu.dma_semaphore, #tpu.memory_space<semaphore_mem>>)
      %dma_start3A_117 = arith.constant 512 : i32
      %dma_start3A_118 = arith.constant 0 : i32
      %dma_start3A_119 = tpu.memref_slice %arg13[%dma_start3A_117, %dma_start3A_118] : memref<2000x16xf32, #tpu.memory_space<vmem>> -> memref<128x16xf32, #tpu.memory_space<vmem>>
      %dma_start3A_120 = arith.constant 512 : i32
      %dma_start3A_121 = tpu.memref_slice %arg11[%dma_start3A_120] : memref<2000xi32, #tpu.memory_space<vmem>> -> memref<128xi32, #tpu.memory_space<vmem>>
      %dma_start3A_122 = arith.constant 0 : i32
      %dma_start3A_123 = arith.constant 0 : i32
      %dma_start3A_124 = tpu.memref_slice %arg2[%dma_start3A_122, %dma_start3A_123] : memref<100000x16xf32, #tpu.memory_space<hbm>> -> memref<100000x16xf32, #tpu.memory_space<hbm>>
      tpu.enqueue_indirect_dma source(%dma_start3A_124 : memref<100000x16xf32, #tpu.memory_space<hbm>>) target(%dma_start3A_119 : memref<128x16xf32, #tpu.memory_space<vmem>>) offsets(%dma_start3A_121 : memref<128xi32, #tpu.memory_space<vmem>>) semaphore(%arg16 : memref<!tpu.dma_semaphore, #tpu.memory_space<semaphore_mem>>)
      %dma_start3A_125 = arith.constant 640 : i32
      %dma_start3A_126 = arith.constant 0 : i32
      %dma_start3A_127 = tpu.memref_slice %arg12[%dma_start3A_125, %dma_start3A_126] : memref<2000x16xf32, #tpu.memory_space<vmem>> -> memref<128x16xf32, #tpu.memory_space<vmem>>
      %dma_start3A_128 = arith.constant 640 : i32
      %dma_start3A_129 = tpu.memref_slice %arg10[%dma_start3A_128] : memref<2000xi32, #tpu.memory_space<vmem>> -> memref<128xi32, #tpu.memory_space<vmem>>
      %dma_start3A_130 = arith.constant 0 : i32
      %dma_start3A_131 = arith.constant 0 : i32
      %dma_start3A_132 = tpu.memref_slice %arg2[%dma_start3A_130, %dma_start3A_131] : memref<100000x16xf32, #tpu.memory_space<hbm>> -> memref<100000x16xf32, #tpu.memory_space<hbm>>
      tpu.enqueue_indirect_dma source(%dma_start3A_132 : memref<100000x16xf32, #tpu.memory_space<hbm>>) target(%dma_start3A_127 : memref<128x16xf32, #tpu.memory_space<vmem>>) offsets(%dma_start3A_129 : memref<128xi32, #tpu.memory_space<vmem>>) semaphore(%arg16 : memref<!tpu.dma_semaphore, #tpu.memory_space<semaphore_mem>>)
      %dma_start3A_133 = arith.constant 640 : i32
      %dma_start3A_134 = arith.constant 0 : i32
      %dma_start3A_135 = tpu.memref_slice %arg13[%dma_start3A_133, %dma_start3A_134] : memref<2000x16xf32, #tpu.memory_space<vmem>> -> memref<128x16xf32, #tpu.memory_space<vmem>>
      %dma_start3A_136 = arith.constant 640 : i32
      %dma_start3A_137 = tpu.memref_slice %arg11[%dma_start3A_136] : memref<2000xi32, #tpu.memory_space<vmem>> -> memref<128xi32, #tpu.memory_space<vmem>>
      %dma_start3A_138 = arith.constant 0 : i32
      %dma_start3A_139 = arith.constant 0 : i32
      %dma_start3A_140 = tpu.memref_slice %arg2[%dma_start3A_138, %dma_start3A_139] : memref<100000x16xf32, #tpu.memory_space<hbm>> -> memref<100000x16xf32, #tpu.memory_space<hbm>>
      tpu.enqueue_indirect_dma source(%dma_start3A_140 : memref<100000x16xf32, #tpu.memory_space<hbm>>) target(%dma_start3A_135 : memref<128x16xf32, #tpu.memory_space<vmem>>) offsets(%dma_start3A_137 : memref<128xi32, #tpu.memory_space<vmem>>) semaphore(%arg16 : memref<!tpu.dma_semaphore, #tpu.memory_space<semaphore_mem>>)
      %dma_start3A_141 = arith.constant 768 : i32
      %dma_start3A_142 = arith.constant 0 : i32
      %dma_start3A_143 = tpu.memref_slice %arg12[%dma_start3A_141, %dma_start3A_142] : memref<2000x16xf32, #tpu.memory_space<vmem>> -> memref<128x16xf32, #tpu.memory_space<vmem>>
      %dma_start3A_144 = arith.constant 768 : i32
      %dma_start3A_145 = tpu.memref_slice %arg10[%dma_start3A_144] : memref<2000xi32, #tpu.memory_space<vmem>> -> memref<128xi32, #tpu.memory_space<vmem>>
      %dma_start3A_146 = arith.constant 0 : i32
      %dma_start3A_147 = arith.constant 0 : i32
      %dma_start3A_148 = tpu.memref_slice %arg2[%dma_start3A_146, %dma_start3A_147] : memref<100000x16xf32, #tpu.memory_space<hbm>> -> memref<100000x16xf32, #tpu.memory_space<hbm>>
      tpu.enqueue_indirect_dma source(%dma_start3A_148 : memref<100000x16xf32, #tpu.memory_space<hbm>>) target(%dma_start3A_143 : memref<128x16xf32, #tpu.memory_space<vmem>>) offsets(%dma_start3A_145 : memref<128xi32, #tpu.memory_space<vmem>>) semaphore(%arg16 : memref<!tpu.dma_semaphore, #tpu.memory_space<semaphore_mem>>)
      %dma_start3A_149 = arith.constant 768 : i32
      %dma_start3A_150 = arith.constant 0 : i32
      %dma_start3A_151 = tpu.memref_slice %arg13[%dma_start3A_149, %dma_start3A_150] : memref<2000x16xf32, #tpu.memory_space<vmem>> -> memref<128x16xf32, #tpu.memory_space<vmem>>
      %dma_start3A_152 = arith.constant 768 : i32
      %dma_start3A_153 = tpu.memref_slice %arg11[%dma_start3A_152] : memref<2000xi32, #tpu.memory_space<vmem>> -> memref<128xi32, #tpu.memory_space<vmem>>
      %dma_start3A_154 = arith.constant 0 : i32
      %dma_start3A_155 = arith.constant 0 : i32
      %dma_start3A_156 = tpu.memref_slice %arg2[%dma_start3A_154, %dma_start3A_155] : memref<100000x16xf32, #tpu.memory_space<hbm>> -> memref<100000x16xf32, #tpu.memory_space<hbm>>
      tpu.enqueue_indirect_dma source(%dma_start3A_156 : memref<100000x16xf32, #tpu.memory_space<hbm>>) target(%dma_start3A_151 : memref<128x16xf32, #tpu.memory_space<vmem>>) offsets(%dma_start3A_153 : memref<128xi32, #tpu.memory_space<vmem>>) semaphore(%arg16 : memref<!tpu.dma_semaphore, #tpu.memory_space<semaphore_mem>>)
      %dma_start3A_157 = arith.constant 896 : i32
      %dma_start3A_158 = arith.constant 0 : i32
      %dma_start3A_159 = tpu.memref_slice %arg12[%dma_start3A_157, %dma_start3A_158] : memref<2000x16xf32, #tpu.memory_space<vmem>> -> memref<128x16xf32, #tpu.memory_space<vmem>>
      %dma_start3A_160 = arith.constant 896 : i32
      %dma_start3A_161 = tpu.memref_slice %arg10[%dma_start3A_160] : memref<2000xi32, #tpu.memory_space<vmem>> -> memref<128xi32, #tpu.memory_space<vmem>>
      %dma_start3A_162 = arith.constant 0 : i32
      %dma_start3A_163 = arith.constant 0 : i32
      %dma_start3A_164 = tpu.memref_slice %arg2[%dma_start3A_162, %dma_start3A_163] : memref<100000x16xf32, #tpu.memory_space<hbm>> -> memref<100000x16xf32, #tpu.memory_space<hbm>>
      tpu.enqueue_indirect_dma source(%dma_start3A_164 : memref<100000x16xf32, #tpu.memory_space<hbm>>) target(%dma_start3A_159 : memref<128x16xf32, #tpu.memory_space<vmem>>) offsets(%dma_start3A_161 : memref<128xi32, #tpu.memory_space<vmem>>) semaphore(%arg16 : memref<!tpu.dma_semaphore, #tpu.memory_space<semaphore_mem>>)
      %dma_start3A_165 = arith.constant 896 : i32
      %dma_start3A_166 = arith.constant 0 : i32
      %dma_start3A_167 = tpu.memref_slice %arg13[%dma_start3A_165, %dma_start3A_166] : memref<2000x16xf32, #tpu.memory_space<vmem>> -> memref<128x16xf32, #tpu.memory_space<vmem>>
      %dma_start3A_168 = arith.constant 896 : i32
      %dma_start3A_169 = tpu.memref_slice %arg11[%dma_start3A_168] : memref<2000xi32, #tpu.memory_space<vmem>> -> memref<128xi32, #tpu.memory_space<vmem>>
      %dma_start3A_170 = arith.constant 0 : i32
      %dma_start3A_171 = arith.constant 0 : i32
      %dma_start3A_172 = tpu.memref_slice %arg2[%dma_start3A_170, %dma_start3A_171] : memref<100000x16xf32, #tpu.memory_space<hbm>> -> memref<100000x16xf32, #tpu.memory_space<hbm>>
      tpu.enqueue_indirect_dma source(%dma_start3A_172 : memref<100000x16xf32, #tpu.memory_space<hbm>>) target(%dma_start3A_167 : memref<128x16xf32, #tpu.memory_space<vmem>>) offsets(%dma_start3A_169 : memref<128xi32, #tpu.memory_space<vmem>>) semaphore(%arg16 : memref<!tpu.dma_semaphore, #tpu.memory_space<semaphore_mem>>)
      %dma_start3A_173 = arith.constant 1024 : i32
      %dma_start3A_174 = arith.constant 0 : i32
      %dma_start3A_175 = tpu.memref_slice %arg12[%dma_start3A_173, %dma_start3A_174] : memref<2000x16xf32, #tpu.memory_space<vmem>> -> memref<128x16xf32, #tpu.memory_space<vmem>>
      %dma_start3A_176 = arith.constant 1024 : i32
      %dma_start3A_177 = tpu.memref_slice %arg10[%dma_start3A_176] : memref<2000xi32, #tpu.memory_space<vmem>> -> memref<128xi32, #tpu.memory_space<vmem>>
      %dma_start3A_178 = arith.constant 0 : i32
      %dma_start3A_179 = arith.constant 0 : i32
      %dma_start3A_180 = tpu.memref_slice %arg2[%dma_start3A_178, %dma_start3A_179] : memref<100000x16xf32, #tpu.memory_space<hbm>> -> memref<100000x16xf32, #tpu.memory_space<hbm>>
      tpu.enqueue_indirect_dma source(%dma_start3A_180 : memref<100000x16xf32, #tpu.memory_space<hbm>>) target(%dma_start3A_175 : memref<128x16xf32, #tpu.memory_space<vmem>>) offsets(%dma_start3A_177 : memref<128xi32, #tpu.memory_space<vmem>>) semaphore(%arg16 : memref<!tpu.dma_semaphore, #tpu.memory_space<semaphore_mem>>)
      %dma_start3A_181 = arith.constant 1024 : i32
      %dma_start3A_182 = arith.constant 0 : i32
      %dma_start3A_183 = tpu.memref_slice %arg13[%dma_start3A_181, %dma_start3A_182] : memref<2000x16xf32, #tpu.memory_space<vmem>> -> memref<128x16xf32, #tpu.memory_space<vmem>>
      %dma_start3A_184 = arith.constant 1024 : i32
      %dma_start3A_185 = tpu.memref_slice %arg11[%dma_start3A_184] : memref<2000xi32, #tpu.memory_space<vmem>> -> memref<128xi32, #tpu.memory_space<vmem>>
      %dma_start3A_186 = arith.constant 0 : i32
      %dma_start3A_187 = arith.constant 0 : i32
      %dma_start3A_188 = tpu.memref_slice %arg2[%dma_start3A_186, %dma_start3A_187] : memref<100000x16xf32, #tpu.memory_space<hbm>> -> memref<100000x16xf32, #tpu.memory_space<hbm>>
      tpu.enqueue_indirect_dma source(%dma_start3A_188 : memref<100000x16xf32, #tpu.memory_space<hbm>>) target(%dma_start3A_183 : memref<128x16xf32, #tpu.memory_space<vmem>>) offsets(%dma_start3A_185 : memref<128xi32, #tpu.memory_space<vmem>>) semaphore(%arg16 : memref<!tpu.dma_semaphore, #tpu.memory_space<semaphore_mem>>)
      %dma_start3A_189 = arith.constant 1152 : i32
      %dma_start3A_190 = arith.constant 0 : i32
      %dma_start3A_191 = tpu.memref_slice %arg12[%dma_start3A_189, %dma_start3A_190] : memref<2000x16xf32, #tpu.memory_space<vmem>> -> memref<128x16xf32, #tpu.memory_space<vmem>>
      %dma_start3A_192 = arith.constant 1152 : i32
      %dma_start3A_193 = tpu.memref_slice %arg10[%dma_start3A_192] : memref<2000xi32, #tpu.memory_space<vmem>> -> memref<128xi32, #tpu.memory_space<vmem>>
      %dma_start3A_194 = arith.constant 0 : i32
      %dma_start3A_195 = arith.constant 0 : i32
      %dma_start3A_196 = tpu.memref_slice %arg2[%dma_start3A_194, %dma_start3A_195] : memref<100000x16xf32, #tpu.memory_space<hbm>> -> memref<100000x16xf32, #tpu.memory_space<hbm>>
      tpu.enqueue_indirect_dma source(%dma_start3A_196 : memref<100000x16xf32, #tpu.memory_space<hbm>>) target(%dma_start3A_191 : memref<128x16xf32, #tpu.memory_space<vmem>>) offsets(%dma_start3A_193 : memref<128xi32, #tpu.memory_space<vmem>>) semaphore(%arg16 : memref<!tpu.dma_semaphore, #tpu.memory_space<semaphore_mem>>)
      %dma_start3A_197 = arith.constant 1152 : i32
      %dma_start3A_198 = arith.constant 0 : i32
      %dma_start3A_199 = tpu.memref_slice %arg13[%dma_start3A_197, %dma_start3A_198] : memref<2000x16xf32, #tpu.memory_space<vmem>> -> memref<128x16xf32, #tpu.memory_space<vmem>>
      %dma_start3A_200 = arith.constant 1152 : i32
      %dma_start3A_201 = tpu.memref_slice %arg11[%dma_start3A_200] : memref<2000xi32, #tpu.memory_space<vmem>> -> memref<128xi32, #tpu.memory_space<vmem>>
      %dma_start3A_202 = arith.constant 0 : i32
      %dma_start3A_203 = arith.constant 0 : i32
      %dma_start3A_204 = tpu.memref_slice %arg2[%dma_start3A_202, %dma_start3A_203] : memref<100000x16xf32, #tpu.memory_space<hbm>> -> memref<100000x16xf32, #tpu.memory_space<hbm>>
      tpu.enqueue_indirect_dma source(%dma_start3A_204 : memref<100000x16xf32, #tpu.memory_space<hbm>>) target(%dma_start3A_199 : memref<128x16xf32, #tpu.memory_space<vmem>>) offsets(%dma_start3A_201 : memref<128xi32, #tpu.memory_space<vmem>>) semaphore(%arg16 : memref<!tpu.dma_semaphore, #tpu.memory_space<semaphore_mem>>)
      %dma_start3A_205 = arith.constant 1280 : i32
      %dma_start3A_206 = arith.constant 0 : i32
      %dma_start3A_207 = tpu.memref_slice %arg12[%dma_start3A_205, %dma_start3A_206] : memref<2000x16xf32, #tpu.memory_space<vmem>> -> memref<128x16xf32, #tpu.memory_space<vmem>>
      %dma_start3A_208 = arith.constant 1280 : i32
      %dma_start3A_209 = tpu.memref_slice %arg10[%dma_start3A_208] : memref<2000xi32, #tpu.memory_space<vmem>> -> memref<128xi32, #tpu.memory_space<vmem>>
      %dma_start3A_210 = arith.constant 0 : i32
      %dma_start3A_211 = arith.constant 0 : i32
      %dma_start3A_212 = tpu.memref_slice %arg2[%dma_start3A_210, %dma_start3A_211] : memref<100000x16xf32, #tpu.memory_space<hbm>> -> memref<100000x16xf32, #tpu.memory_space<hbm>>
      tpu.enqueue_indirect_dma source(%dma_start3A_212 : memref<100000x16xf32, #tpu.memory_space<hbm>>) target(%dma_start3A_207 : memref<128x16xf32, #tpu.memory_space<vmem>>) offsets(%dma_start3A_209 : memref<128xi32, #tpu.memory_space<vmem>>) semaphore(%arg16 : memref<!tpu.dma_semaphore, #tpu.memory_space<semaphore_mem>>)
      %dma_start3A_213 = arith.constant 1280 : i32
      %dma_start3A_214 = arith.constant 0 : i32
      %dma_start3A_215 = tpu.memref_slice %arg13[%dma_start3A_213, %dma_start3A_214] : memref<2000x16xf32, #tpu.memory_space<vmem>> -> memref<128x16xf32, #tpu.memory_space<vmem>>
      %dma_start3A_216 = arith.constant 1280 : i32
      %dma_start3A_217 = tpu.memref_slice %arg11[%dma_start3A_216] : memref<2000xi32, #tpu.memory_space<vmem>> -> memref<128xi32, #tpu.memory_space<vmem>>
      %dma_start3A_218 = arith.constant 0 : i32
      %dma_start3A_219 = arith.constant 0 : i32
      %dma_start3A_220 = tpu.memref_slice %arg2[%dma_start3A_218, %dma_start3A_219] : memref<100000x16xf32, #tpu.memory_space<hbm>> -> memref<100000x16xf32, #tpu.memory_space<hbm>>
      tpu.enqueue_indirect_dma source(%dma_start3A_220 : memref<100000x16xf32, #tpu.memory_space<hbm>>) target(%dma_start3A_215 : memref<128x16xf32, #tpu.memory_space<vmem>>) offsets(%dma_start3A_217 : memref<128xi32, #tpu.memory_space<vmem>>) semaphore(%arg16 : memref<!tpu.dma_semaphore, #tpu.memory_space<semaphore_mem>>)
      %dma_start3A_221 = arith.constant 1408 : i32
      %dma_start3A_222 = arith.constant 0 : i32
      %dma_start3A_223 = tpu.memref_slice %arg12[%dma_start3A_221, %dma_start3A_222] : memref<2000x16xf32, #tpu.memory_space<vmem>> -> memref<128x16xf32, #tpu.memory_space<vmem>>
      %dma_start3A_224 = arith.constant 1408 : i32
      %dma_start3A_225 = tpu.memref_slice %arg10[%dma_start3A_224] : memref<2000xi32, #tpu.memory_space<vmem>> -> memref<128xi32, #tpu.memory_space<vmem>>
      %dma_start3A_226 = arith.constant 0 : i32
      %dma_start3A_227 = arith.constant 0 : i32
      %dma_start3A_228 = tpu.memref_slice %arg2[%dma_start3A_226, %dma_start3A_227] : memref<100000x16xf32, #tpu.memory_space<hbm>> -> memref<100000x16xf32, #tpu.memory_space<hbm>>
      tpu.enqueue_indirect_dma source(%dma_start3A_228 : memref<100000x16xf32, #tpu.memory_space<hbm>>) target(%dma_start3A_223 : memref<128x16xf32, #tpu.memory_space<vmem>>) offsets(%dma_start3A_225 : memref<128xi32, #tpu.memory_space<vmem>>) semaphore(%arg16 : memref<!tpu.dma_semaphore, #tpu.memory_space<semaphore_mem>>)
      %dma_start3A_229 = arith.constant 1408 : i32
      %dma_start3A_230 = arith.constant 0 : i32
      %dma_start3A_231 = tpu.memref_slice %arg13[%dma_start3A_229, %dma_start3A_230] : memref<2000x16xf32, #tpu.memory_space<vmem>> -> memref<128x16xf32, #tpu.memory_space<vmem>>
      %dma_start3A_232 = arith.constant 1408 : i32
      %dma_start3A_233 = tpu.memref_slice %arg11[%dma_start3A_232] : memref<2000xi32, #tpu.memory_space<vmem>> -> memref<128xi32, #tpu.memory_space<vmem>>
      %dma_start3A_234 = arith.constant 0 : i32
      %dma_start3A_235 = arith.constant 0 : i32
      %dma_start3A_236 = tpu.memref_slice %arg2[%dma_start3A_234, %dma_start3A_235] : memref<100000x16xf32, #tpu.memory_space<hbm>> -> memref<100000x16xf32, #tpu.memory_space<hbm>>
      tpu.enqueue_indirect_dma source(%dma_start3A_236 : memref<100000x16xf32, #tpu.memory_space<hbm>>) target(%dma_start3A_231 : memref<128x16xf32, #tpu.memory_space<vmem>>) offsets(%dma_start3A_233 : memref<128xi32, #tpu.memory_space<vmem>>) semaphore(%arg16 : memref<!tpu.dma_semaphore, #tpu.memory_space<semaphore_mem>>)
      %dma_start3A_237 = arith.constant 1536 : i32
      %dma_start3A_238 = arith.constant 0 : i32
      %dma_start3A_239 = tpu.memref_slice %arg12[%dma_start3A_237, %dma_start3A_238] : memref<2000x16xf32, #tpu.memory_space<vmem>> -> memref<128x16xf32, #tpu.memory_space<vmem>>
      %dma_start3A_240 = arith.constant 1536 : i32
      %dma_start3A_241 = tpu.memref_slice %arg10[%dma_start3A_240] : memref<2000xi32, #tpu.memory_space<vmem>> -> memref<128xi32, #tpu.memory_space<vmem>>
      %dma_start3A_242 = arith.constant 0 : i32
      %dma_start3A_243 = arith.constant 0 : i32
      %dma_start3A_244 = tpu.memref_slice %arg2[%dma_start3A_242, %dma_start3A_243] : memref<100000x16xf32, #tpu.memory_space<hbm>> -> memref<100000x16xf32, #tpu.memory_space<hbm>>
      tpu.enqueue_indirect_dma source(%dma_start3A_244 : memref<100000x16xf32, #tpu.memory_space<hbm>>) target(%dma_start3A_239 : memref<128x16xf32, #tpu.memory_space<vmem>>) offsets(%dma_start3A_241 : memref<128xi32, #tpu.memory_space<vmem>>) semaphore(%arg16 : memref<!tpu.dma_semaphore, #tpu.memory_space<semaphore_mem>>)
      %dma_start3A_245 = arith.constant 1536 : i32
      %dma_start3A_246 = arith.constant 0 : i32
      %dma_start3A_247 = tpu.memref_slice %arg13[%dma_start3A_245, %dma_start3A_246] : memref<2000x16xf32, #tpu.memory_space<vmem>> -> memref<128x16xf32, #tpu.memory_space<vmem>>
      %dma_start3A_248 = arith.constant 1536 : i32
      %dma_start3A_249 = tpu.memref_slice %arg11[%dma_start3A_248] : memref<2000xi32, #tpu.memory_space<vmem>> -> memref<128xi32, #tpu.memory_space<vmem>>
      %dma_start3A_250 = arith.constant 0 : i32
      %dma_start3A_251 = arith.constant 0 : i32
      %dma_start3A_252 = tpu.memref_slice %arg2[%dma_start3A_250, %dma_start3A_251] : memref<100000x16xf32, #tpu.memory_space<hbm>> -> memref<100000x16xf32, #tpu.memory_space<hbm>>
      tpu.enqueue_indirect_dma source(%dma_start3A_252 : memref<100000x16xf32, #tpu.memory_space<hbm>>) target(%dma_start3A_247 : memref<128x16xf32, #tpu.memory_space<vmem>>) offsets(%dma_start3A_249 : memref<128xi32, #tpu.memory_space<vmem>>) semaphore(%arg16 : memref<!tpu.dma_semaphore, #tpu.memory_space<semaphore_mem>>)
      %dma_start3A_253 = arith.constant 1664 : i32
      %dma_start3A_254 = arith.constant 0 : i32
      %dma_start3A_255 = tpu.memref_slice %arg12[%dma_start3A_253, %dma_start3A_254] : memref<2000x16xf32, #tpu.memory_space<vmem>> -> memref<128x16xf32, #tpu.memory_space<vmem>>
      %dma_start3A_256 = arith.constant 1664 : i32
      %dma_start3A_257 = tpu.memref_slice %arg10[%dma_start3A_256] : memref<2000xi32, #tpu.memory_space<vmem>> -> memref<128xi32, #tpu.memory_space<vmem>>
      %dma_start3A_258 = arith.constant 0 : i32
      %dma_start3A_259 = arith.constant 0 : i32
      %dma_start3A_260 = tpu.memref_slice %arg2[%dma_start3A_258, %dma_start3A_259] : memref<100000x16xf32, #tpu.memory_space<hbm>> -> memref<100000x16xf32, #tpu.memory_space<hbm>>
      tpu.enqueue_indirect_dma source(%dma_start3A_260 : memref<100000x16xf32, #tpu.memory_space<hbm>>) target(%dma_start3A_255 : memref<128x16xf32, #tpu.memory_space<vmem>>) offsets(%dma_start3A_257 : memref<128xi32, #tpu.memory_space<vmem>>) semaphore(%arg16 : memref<!tpu.dma_semaphore, #tpu.memory_space<semaphore_mem>>)
      %dma_start3A_261 = arith.constant 1664 : i32
      %dma_start3A_262 = arith.constant 0 : i32
      %dma_start3A_263 = tpu.memref_slice %arg13[%dma_start3A_261, %dma_start3A_262] : memref<2000x16xf32, #tpu.memory_space<vmem>> -> memref<128x16xf32, #tpu.memory_space<vmem>>
      %dma_start3A_264 = arith.constant 1664 : i32
      %dma_start3A_265 = tpu.memref_slice %arg11[%dma_start3A_264] : memref<2000xi32, #tpu.memory_space<vmem>> -> memref<128xi32, #tpu.memory_space<vmem>>
      %dma_start3A_266 = arith.constant 0 : i32
      %dma_start3A_267 = arith.constant 0 : i32
      %dma_start3A_268 = tpu.memref_slice %arg2[%dma_start3A_266, %dma_start3A_267] : memref<100000x16xf32, #tpu.memory_space<hbm>> -> memref<100000x16xf32, #tpu.memory_space<hbm>>
      tpu.enqueue_indirect_dma source(%dma_start3A_268 : memref<100000x16xf32, #tpu.memory_space<hbm>>) target(%dma_start3A_263 : memref<128x16xf32, #tpu.memory_space<vmem>>) offsets(%dma_start3A_265 : memref<128xi32, #tpu.memory_space<vmem>>) semaphore(%arg16 : memref<!tpu.dma_semaphore, #tpu.memory_space<semaphore_mem>>)
      %dma_start3A_269 = arith.constant 1792 : i32
      %dma_start3A_270 = arith.constant 0 : i32
      %dma_start3A_271 = tpu.memref_slice %arg12[%dma_start3A_269, %dma_start3A_270] : memref<2000x16xf32, #tpu.memory_space<vmem>> -> memref<128x16xf32, #tpu.memory_space<vmem>>
      %dma_start3A_272 = arith.constant 1792 : i32
      %dma_start3A_273 = tpu.memref_slice %arg10[%dma_start3A_272] : memref<2000xi32, #tpu.memory_space<vmem>> -> memref<128xi32, #tpu.memory_space<vmem>>
      %dma_start3A_274 = arith.constant 0 : i32
      %dma_start3A_275 = arith.constant 0 : i32
      %dma_start3A_276 = tpu.memref_slice %arg2[%dma_start3A_274, %dma_start3A_275] : memref<100000x16xf32, #tpu.memory_space<hbm>> -> memref<100000x16xf32, #tpu.memory_space<hbm>>
      tpu.enqueue_indirect_dma source(%dma_start3A_276 : memref<100000x16xf32, #tpu.memory_space<hbm>>) target(%dma_start3A_271 : memref<128x16xf32, #tpu.memory_space<vmem>>) offsets(%dma_start3A_273 : memref<128xi32, #tpu.memory_space<vmem>>) semaphore(%arg16 : memref<!tpu.dma_semaphore, #tpu.memory_space<semaphore_mem>>)
      %dma_start3A_277 = arith.constant 1792 : i32
      %dma_start3A_278 = arith.constant 0 : i32
      %dma_start3A_279 = tpu.memref_slice %arg13[%dma_start3A_277, %dma_start3A_278] : memref<2000x16xf32, #tpu.memory_space<vmem>> -> memref<128x16xf32, #tpu.memory_space<vmem>>
      %dma_start3A_280 = arith.constant 1792 : i32
      %dma_start3A_281 = tpu.memref_slice %arg11[%dma_start3A_280] : memref<2000xi32, #tpu.memory_space<vmem>> -> memref<128xi32, #tpu.memory_space<vmem>>
      %dma_start3A_282 = arith.constant 0 : i32
      %dma_start3A_283 = arith.constant 0 : i32
      %dma_start3A_284 = tpu.memref_slice %arg2[%dma_start3A_282, %dma_start3A_283] : memref<100000x16xf32, #tpu.memory_space<hbm>> -> memref<100000x16xf32, #tpu.memory_space<hbm>>
      tpu.enqueue_indirect_dma source(%dma_start3A_284 : memref<100000x16xf32, #tpu.memory_space<hbm>>) target(%dma_start3A_279 : memref<128x16xf32, #tpu.memory_space<vmem>>) offsets(%dma_start3A_281 : memref<128xi32, #tpu.memory_space<vmem>>) semaphore(%arg16 : memref<!tpu.dma_semaphore, #tpu.memory_space<semaphore_mem>>)
      %dma_start3A_285 = arith.constant 1920 : i32
      %dma_start3A_286 = arith.constant 0 : i32
      %dma_start3A_287 = tpu.memref_slice %arg12[%dma_start3A_285, %dma_start3A_286] : memref<2000x16xf32, #tpu.memory_space<vmem>> -> memref<80x16xf32, #tpu.memory_space<vmem>>
      %dma_start3A_288 = arith.constant 1920 : i32
      %dma_start3A_289 = tpu.memref_slice %arg10[%dma_start3A_288] : memref<2000xi32, #tpu.memory_space<vmem>> -> memref<80xi32, #tpu.memory_space<vmem>>
      %dma_start3A_290 = arith.constant 0 : i32
      %dma_start3A_291 = arith.constant 0 : i32
      %dma_start3A_292 = tpu.memref_slice %arg2[%dma_start3A_290, %dma_start3A_291] : memref<100000x16xf32, #tpu.memory_space<hbm>> -> memref<100000x16xf32, #tpu.memory_space<hbm>>
      tpu.enqueue_indirect_dma source(%dma_start3A_292 : memref<100000x16xf32, #tpu.memory_space<hbm>>) target(%dma_start3A_287 : memref<80x16xf32, #tpu.memory_space<vmem>>) offsets(%dma_start3A_289 : memref<80xi32, #tpu.memory_space<vmem>>) semaphore(%arg16 : memref<!tpu.dma_semaphore, #tpu.memory_space<semaphore_mem>>)
      %dma_start3A_293 = arith.constant 1920 : i32
      %dma_start3A_294 = arith.constant 0 : i32
      %dma_start3A_295 = tpu.memref_slice %arg13[%dma_start3A_293, %dma_start3A_294] : memref<2000x16xf32, #tpu.memory_space<vmem>> -> memref<80x16xf32, #tpu.memory_space<vmem>>
      %dma_start3A_296 = arith.constant 1920 : i32
      %dma_start3A_297 = tpu.memref_slice %arg11[%dma_start3A_296] : memref<2000xi32, #tpu.memory_space<vmem>> -> memref<80xi32, #tpu.memory_space<vmem>>
      %dma_start3A_298 = arith.constant 0 : i32
      %dma_start3A_299 = arith.constant 0 : i32
      %dma_start3A_300 = tpu.memref_slice %arg2[%dma_start3A_298, %dma_start3A_299] : memref<100000x16xf32, #tpu.memory_space<hbm>> -> memref<100000x16xf32, #tpu.memory_space<hbm>>
      tpu.enqueue_indirect_dma source(%dma_start3A_300 : memref<100000x16xf32, #tpu.memory_space<hbm>>) target(%dma_start3A_295 : memref<80x16xf32, #tpu.memory_space<vmem>>) offsets(%dma_start3A_297 : memref<80xi32, #tpu.memory_space<vmem>>) semaphore(%arg16 : memref<!tpu.dma_semaphore, #tpu.memory_space<semaphore_mem>>)
      %dma_wait3A = arith.constant 0 : i32
      %dma_wait3A_301 = arith.constant 0 : i32
      %dma_wait3A_302 = tpu.memref_slice %arg12[%dma_wait3A, %dma_wait3A_301] : memref<2000x16xf32, #tpu.memory_space<vmem>> -> memref<128x16xf32, #tpu.memory_space<vmem>>
      %dma_wait3A_303 = arith.constant 0 : i32
      %dma_wait3A_304 = tpu.memref_slice %arg10[%dma_wait3A_303] : memref<2000xi32, #tpu.memory_space<vmem>> -> memref<128xi32, #tpu.memory_space<vmem>>
      %dma_wait3A_305 = arith.constant 0 : i32
      %dma_wait3A_306 = arith.constant 0 : i32
      %dma_wait3A_307 = tpu.memref_slice %arg2[%dma_wait3A_305, %dma_wait3A_306] : memref<100000x16xf32, #tpu.memory_space<hbm>> -> memref<100000x16xf32, #tpu.memory_space<hbm>>
      tpu.wait_indirect_dma semaphore(%arg16 : memref<!tpu.dma_semaphore, #tpu.memory_space<semaphore_mem>>) src(%dma_wait3A_307 : memref<100000x16xf32, #tpu.memory_space<hbm>>) dst(%dma_wait3A_302 : memref<128x16xf32, #tpu.memory_space<vmem>>)
      %dma_wait3A_308 = arith.constant 0 : i32
      %dma_wait3A_309 = arith.constant 0 : i32
      %dma_wait3A_310 = tpu.memref_slice %arg13[%dma_wait3A_308, %dma_wait3A_309] : memref<2000x16xf32, #tpu.memory_space<vmem>> -> memref<128x16xf32, #tpu.memory_space<vmem>>
      %dma_wait3A_311 = arith.constant 0 : i32
      %dma_wait3A_312 = tpu.memref_slice %arg11[%dma_wait3A_311] : memref<2000xi32, #tpu.memory_space<vmem>> -> memref<128xi32, #tpu.memory_space<vmem>>
      %dma_wait3A_313 = arith.constant 0 : i32
      %dma_wait3A_314 = arith.constant 0 : i32
      %dma_wait3A_315 = tpu.memref_slice %arg2[%dma_wait3A_313, %dma_wait3A_314] : memref<100000x16xf32, #tpu.memory_space<hbm>> -> memref<100000x16xf32, #tpu.memory_space<hbm>>
      tpu.wait_indirect_dma semaphore(%arg16 : memref<!tpu.dma_semaphore, #tpu.memory_space<semaphore_mem>>) src(%dma_wait3A_315 : memref<100000x16xf32, #tpu.memory_space<hbm>>) dst(%dma_wait3A_310 : memref<128x16xf32, #tpu.memory_space<vmem>>)
      %dma_wait3A_316 = arith.constant 128 : i32
      %dma_wait3A_317 = arith.constant 0 : i32
      %dma_wait3A_318 = tpu.memref_slice %arg12[%dma_wait3A_316, %dma_wait3A_317] : memref<2000x16xf32, #tpu.memory_space<vmem>> -> memref<128x16xf32, #tpu.memory_space<vmem>>
      %dma_wait3A_319 = arith.constant 128 : i32
      %dma_wait3A_320 = tpu.memref_slice %arg10[%dma_wait3A_319] : memref<2000xi32, #tpu.memory_space<vmem>> -> memref<128xi32, #tpu.memory_space<vmem>>
      %dma_wait3A_321 = arith.constant 0 : i32
      %dma_wait3A_322 = arith.constant 0 : i32
      %dma_wait3A_323 = tpu.memref_slice %arg2[%dma_wait3A_321, %dma_wait3A_322] : memref<100000x16xf32, #tpu.memory_space<hbm>> -> memref<100000x16xf32, #tpu.memory_space<hbm>>
      tpu.wait_indirect_dma semaphore(%arg16 : memref<!tpu.dma_semaphore, #tpu.memory_space<semaphore_mem>>) src(%dma_wait3A_323 : memref<100000x16xf32, #tpu.memory_space<hbm>>) dst(%dma_wait3A_318 : memref<128x16xf32, #tpu.memory_space<vmem>>)
      %dma_wait3A_324 = arith.constant 128 : i32
      %dma_wait3A_325 = arith.constant 0 : i32
      %dma_wait3A_326 = tpu.memref_slice %arg13[%dma_wait3A_324, %dma_wait3A_325] : memref<2000x16xf32, #tpu.memory_space<vmem>> -> memref<128x16xf32, #tpu.memory_space<vmem>>
      %dma_wait3A_327 = arith.constant 128 : i32
      %dma_wait3A_328 = tpu.memref_slice %arg11[%dma_wait3A_327] : memref<2000xi32, #tpu.memory_space<vmem>> -> memref<128xi32, #tpu.memory_space<vmem>>
      %dma_wait3A_329 = arith.constant 0 : i32
      %dma_wait3A_330 = arith.constant 0 : i32
      %dma_wait3A_331 = tpu.memref_slice %arg2[%dma_wait3A_329, %dma_wait3A_330] : memref<100000x16xf32, #tpu.memory_space<hbm>> -> memref<100000x16xf32, #tpu.memory_space<hbm>>
      tpu.wait_indirect_dma semaphore(%arg16 : memref<!tpu.dma_semaphore, #tpu.memory_space<semaphore_mem>>) src(%dma_wait3A_331 : memref<100000x16xf32, #tpu.memory_space<hbm>>) dst(%dma_wait3A_326 : memref<128x16xf32, #tpu.memory_space<vmem>>)
      %dma_wait3A_332 = arith.constant 256 : i32
      %dma_wait3A_333 = arith.constant 0 : i32
      %dma_wait3A_334 = tpu.memref_slice %arg12[%dma_wait3A_332, %dma_wait3A_333] : memref<2000x16xf32, #tpu.memory_space<vmem>> -> memref<128x16xf32, #tpu.memory_space<vmem>>
      %dma_wait3A_335 = arith.constant 256 : i32
      %dma_wait3A_336 = tpu.memref_slice %arg10[%dma_wait3A_335] : memref<2000xi32, #tpu.memory_space<vmem>> -> memref<128xi32, #tpu.memory_space<vmem>>
      %dma_wait3A_337 = arith.constant 0 : i32
      %dma_wait3A_338 = arith.constant 0 : i32
      %dma_wait3A_339 = tpu.memref_slice %arg2[%dma_wait3A_337, %dma_wait3A_338] : memref<100000x16xf32, #tpu.memory_space<hbm>> -> memref<100000x16xf32, #tpu.memory_space<hbm>>
      tpu.wait_indirect_dma semaphore(%arg16 : memref<!tpu.dma_semaphore, #tpu.memory_space<semaphore_mem>>) src(%dma_wait3A_339 : memref<100000x16xf32, #tpu.memory_space<hbm>>) dst(%dma_wait3A_334 : memref<128x16xf32, #tpu.memory_space<vmem>>)
      %dma_wait3A_340 = arith.constant 256 : i32
      %dma_wait3A_341 = arith.constant 0 : i32
      %dma_wait3A_342 = tpu.memref_slice %arg13[%dma_wait3A_340, %dma_wait3A_341] : memref<2000x16xf32, #tpu.memory_space<vmem>> -> memref<128x16xf32, #tpu.memory_space<vmem>>
      %dma_wait3A_343 = arith.constant 256 : i32
      %dma_wait3A_344 = tpu.memref_slice %arg11[%dma_wait3A_343] : memref<2000xi32, #tpu.memory_space<vmem>> -> memref<128xi32, #tpu.memory_space<vmem>>
      %dma_wait3A_345 = arith.constant 0 : i32
      %dma_wait3A_346 = arith.constant 0 : i32
      %dma_wait3A_347 = tpu.memref_slice %arg2[%dma_wait3A_345, %dma_wait3A_346] : memref<100000x16xf32, #tpu.memory_space<hbm>> -> memref<100000x16xf32, #tpu.memory_space<hbm>>
      tpu.wait_indirect_dma semaphore(%arg16 : memref<!tpu.dma_semaphore, #tpu.memory_space<semaphore_mem>>) src(%dma_wait3A_347 : memref<100000x16xf32, #tpu.memory_space<hbm>>) dst(%dma_wait3A_342 : memref<128x16xf32, #tpu.memory_space<vmem>>)
      %dma_wait3A_348 = arith.constant 384 : i32
      %dma_wait3A_349 = arith.constant 0 : i32
      %dma_wait3A_350 = tpu.memref_slice %arg12[%dma_wait3A_348, %dma_wait3A_349] : memref<2000x16xf32, #tpu.memory_space<vmem>> -> memref<128x16xf32, #tpu.memory_space<vmem>>
      %dma_wait3A_351 = arith.constant 384 : i32
      %dma_wait3A_352 = tpu.memref_slice %arg10[%dma_wait3A_351] : memref<2000xi32, #tpu.memory_space<vmem>> -> memref<128xi32, #tpu.memory_space<vmem>>
      %dma_wait3A_353 = arith.constant 0 : i32
      %dma_wait3A_354 = arith.constant 0 : i32
      %dma_wait3A_355 = tpu.memref_slice %arg2[%dma_wait3A_353, %dma_wait3A_354] : memref<100000x16xf32, #tpu.memory_space<hbm>> -> memref<100000x16xf32, #tpu.memory_space<hbm>>
      tpu.wait_indirect_dma semaphore(%arg16 : memref<!tpu.dma_semaphore, #tpu.memory_space<semaphore_mem>>) src(%dma_wait3A_355 : memref<100000x16xf32, #tpu.memory_space<hbm>>) dst(%dma_wait3A_350 : memref<128x16xf32, #tpu.memory_space<vmem>>)
      %dma_wait3A_356 = arith.constant 384 : i32
      %dma_wait3A_357 = arith.constant 0 : i32
      %dma_wait3A_358 = tpu.memref_slice %arg13[%dma_wait3A_356, %dma_wait3A_357] : memref<2000x16xf32, #tpu.memory_space<vmem>> -> memref<128x16xf32, #tpu.memory_space<vmem>>
      %dma_wait3A_359 = arith.constant 384 : i32
      %dma_wait3A_360 = tpu.memref_slice %arg11[%dma_wait3A_359] : memref<2000xi32, #tpu.memory_space<vmem>> -> memref<128xi32, #tpu.memory_space<vmem>>
      %dma_wait3A_361 = arith.constant 0 : i32
      %dma_wait3A_362 = arith.constant 0 : i32
      %dma_wait3A_363 = tpu.memref_slice %arg2[%dma_wait3A_361, %dma_wait3A_362] : memref<100000x16xf32, #tpu.memory_space<hbm>> -> memref<100000x16xf32, #tpu.memory_space<hbm>>
      tpu.wait_indirect_dma semaphore(%arg16 : memref<!tpu.dma_semaphore, #tpu.memory_space<semaphore_mem>>) src(%dma_wait3A_363 : memref<100000x16xf32, #tpu.memory_space<hbm>>) dst(%dma_wait3A_358 : memref<128x16xf32, #tpu.memory_space<vmem>>)
      %dma_wait3A_364 = arith.constant 512 : i32
      %dma_wait3A_365 = arith.constant 0 : i32
      %dma_wait3A_366 = tpu.memref_slice %arg12[%dma_wait3A_364, %dma_wait3A_365] : memref<2000x16xf32, #tpu.memory_space<vmem>> -> memref<128x16xf32, #tpu.memory_space<vmem>>
      %dma_wait3A_367 = arith.constant 512 : i32
      %dma_wait3A_368 = tpu.memref_slice %arg10[%dma_wait3A_367] : memref<2000xi32, #tpu.memory_space<vmem>> -> memref<128xi32, #tpu.memory_space<vmem>>
      %dma_wait3A_369 = arith.constant 0 : i32
      %dma_wait3A_370 = arith.constant 0 : i32
      %dma_wait3A_371 = tpu.memref_slice %arg2[%dma_wait3A_369, %dma_wait3A_370] : memref<100000x16xf32, #tpu.memory_space<hbm>> -> memref<100000x16xf32, #tpu.memory_space<hbm>>
      tpu.wait_indirect_dma semaphore(%arg16 : memref<!tpu.dma_semaphore, #tpu.memory_space<semaphore_mem>>) src(%dma_wait3A_371 : memref<100000x16xf32, #tpu.memory_space<hbm>>) dst(%dma_wait3A_366 : memref<128x16xf32, #tpu.memory_space<vmem>>)
      %dma_wait3A_372 = arith.constant 512 : i32
      %dma_wait3A_373 = arith.constant 0 : i32
      %dma_wait3A_374 = tpu.memref_slice %arg13[%dma_wait3A_372, %dma_wait3A_373] : memref<2000x16xf32, #tpu.memory_space<vmem>> -> memref<128x16xf32, #tpu.memory_space<vmem>>
      %dma_wait3A_375 = arith.constant 512 : i32
      %dma_wait3A_376 = tpu.memref_slice %arg11[%dma_wait3A_375] : memref<2000xi32, #tpu.memory_space<vmem>> -> memref<128xi32, #tpu.memory_space<vmem>>
      %dma_wait3A_377 = arith.constant 0 : i32
      %dma_wait3A_378 = arith.constant 0 : i32
      %dma_wait3A_379 = tpu.memref_slice %arg2[%dma_wait3A_377, %dma_wait3A_378] : memref<100000x16xf32, #tpu.memory_space<hbm>> -> memref<100000x16xf32, #tpu.memory_space<hbm>>
      tpu.wait_indirect_dma semaphore(%arg16 : memref<!tpu.dma_semaphore, #tpu.memory_space<semaphore_mem>>) src(%dma_wait3A_379 : memref<100000x16xf32, #tpu.memory_space<hbm>>) dst(%dma_wait3A_374 : memref<128x16xf32, #tpu.memory_space<vmem>>)
      %dma_wait3A_380 = arith.constant 640 : i32
      %dma_wait3A_381 = arith.constant 0 : i32
      %dma_wait3A_382 = tpu.memref_slice %arg12[%dma_wait3A_380, %dma_wait3A_381] : memref<2000x16xf32, #tpu.memory_space<vmem>> -> memref<128x16xf32, #tpu.memory_space<vmem>>
      %dma_wait3A_383 = arith.constant 640 : i32
      %dma_wait3A_384 = tpu.memref_slice %arg10[%dma_wait3A_383] : memref<2000xi32, #tpu.memory_space<vmem>> -> memref<128xi32, #tpu.memory_space<vmem>>
      %dma_wait3A_385 = arith.constant 0 : i32
      %dma_wait3A_386 = arith.constant 0 : i32
      %dma_wait3A_387 = tpu.memref_slice %arg2[%dma_wait3A_385, %dma_wait3A_386] : memref<100000x16xf32, #tpu.memory_space<hbm>> -> memref<100000x16xf32, #tpu.memory_space<hbm>>
      tpu.wait_indirect_dma semaphore(%arg16 : memref<!tpu.dma_semaphore, #tpu.memory_space<semaphore_mem>>) src(%dma_wait3A_387 : memref<100000x16xf32, #tpu.memory_space<hbm>>) dst(%dma_wait3A_382 : memref<128x16xf32, #tpu.memory_space<vmem>>)
      %dma_wait3A_388 = arith.constant 640 : i32
      %dma_wait3A_389 = arith.constant 0 : i32
      %dma_wait3A_390 = tpu.memref_slice %arg13[%dma_wait3A_388, %dma_wait3A_389] : memref<2000x16xf32, #tpu.memory_space<vmem>> -> memref<128x16xf32, #tpu.memory_space<vmem>>
      %dma_wait3A_391 = arith.constant 640 : i32
      %dma_wait3A_392 = tpu.memref_slice %arg11[%dma_wait3A_391] : memref<2000xi32, #tpu.memory_space<vmem>> -> memref<128xi32, #tpu.memory_space<vmem>>
      %dma_wait3A_393 = arith.constant 0 : i32
      %dma_wait3A_394 = arith.constant 0 : i32
      %dma_wait3A_395 = tpu.memref_slice %arg2[%dma_wait3A_393, %dma_wait3A_394] : memref<100000x16xf32, #tpu.memory_space<hbm>> -> memref<100000x16xf32, #tpu.memory_space<hbm>>
      tpu.wait_indirect_dma semaphore(%arg16 : memref<!tpu.dma_semaphore, #tpu.memory_space<semaphore_mem>>) src(%dma_wait3A_395 : memref<100000x16xf32, #tpu.memory_space<hbm>>) dst(%dma_wait3A_390 : memref<128x16xf32, #tpu.memory_space<vmem>>)
      %dma_wait3A_396 = arith.constant 768 : i32
      %dma_wait3A_397 = arith.constant 0 : i32
      %dma_wait3A_398 = tpu.memref_slice %arg12[%dma_wait3A_396, %dma_wait3A_397] : memref<2000x16xf32, #tpu.memory_space<vmem>> -> memref<128x16xf32, #tpu.memory_space<vmem>>
      %dma_wait3A_399 = arith.constant 768 : i32
      %dma_wait3A_400 = tpu.memref_slice %arg10[%dma_wait3A_399] : memref<2000xi32, #tpu.memory_space<vmem>> -> memref<128xi32, #tpu.memory_space<vmem>>
      %dma_wait3A_401 = arith.constant 0 : i32
      %dma_wait3A_402 = arith.constant 0 : i32
      %dma_wait3A_403 = tpu.memref_slice %arg2[%dma_wait3A_401, %dma_wait3A_402] : memref<100000x16xf32, #tpu.memory_space<hbm>> -> memref<100000x16xf32, #tpu.memory_space<hbm>>
      tpu.wait_indirect_dma semaphore(%arg16 : memref<!tpu.dma_semaphore, #tpu.memory_space<semaphore_mem>>) src(%dma_wait3A_403 : memref<100000x16xf32, #tpu.memory_space<hbm>>) dst(%dma_wait3A_398 : memref<128x16xf32, #tpu.memory_space<vmem>>)
      %dma_wait3A_404 = arith.constant 768 : i32
      %dma_wait3A_405 = arith.constant 0 : i32
      %dma_wait3A_406 = tpu.memref_slice %arg13[%dma_wait3A_404, %dma_wait3A_405] : memref<2000x16xf32, #tpu.memory_space<vmem>> -> memref<128x16xf32, #tpu.memory_space<vmem>>
      %dma_wait3A_407 = arith.constant 768 : i32
      %dma_wait3A_408 = tpu.memref_slice %arg11[%dma_wait3A_407] : memref<2000xi32, #tpu.memory_space<vmem>> -> memref<128xi32, #tpu.memory_space<vmem>>
      %dma_wait3A_409 = arith.constant 0 : i32
      %dma_wait3A_410 = arith.constant 0 : i32
      %dma_wait3A_411 = tpu.memref_slice %arg2[%dma_wait3A_409, %dma_wait3A_410] : memref<100000x16xf32, #tpu.memory_space<hbm>> -> memref<100000x16xf32, #tpu.memory_space<hbm>>
      tpu.wait_indirect_dma semaphore(%arg16 : memref<!tpu.dma_semaphore, #tpu.memory_space<semaphore_mem>>) src(%dma_wait3A_411 : memref<100000x16xf32, #tpu.memory_space<hbm>>) dst(%dma_wait3A_406 : memref<128x16xf32, #tpu.memory_space<vmem>>)
      %dma_wait3A_412 = arith.constant 896 : i32
      %dma_wait3A_413 = arith.constant 0 : i32
      %dma_wait3A_414 = tpu.memref_slice %arg12[%dma_wait3A_412, %dma_wait3A_413] : memref<2000x16xf32, #tpu.memory_space<vmem>> -> memref<128x16xf32, #tpu.memory_space<vmem>>
      %dma_wait3A_415 = arith.constant 896 : i32
      %dma_wait3A_416 = tpu.memref_slice %arg10[%dma_wait3A_415] : memref<2000xi32, #tpu.memory_space<vmem>> -> memref<128xi32, #tpu.memory_space<vmem>>
      %dma_wait3A_417 = arith.constant 0 : i32
      %dma_wait3A_418 = arith.constant 0 : i32
      %dma_wait3A_419 = tpu.memref_slice %arg2[%dma_wait3A_417, %dma_wait3A_418] : memref<100000x16xf32, #tpu.memory_space<hbm>> -> memref<100000x16xf32, #tpu.memory_space<hbm>>
      tpu.wait_indirect_dma semaphore(%arg16 : memref<!tpu.dma_semaphore, #tpu.memory_space<semaphore_mem>>) src(%dma_wait3A_419 : memref<100000x16xf32, #tpu.memory_space<hbm>>) dst(%dma_wait3A_414 : memref<128x16xf32, #tpu.memory_space<vmem>>)
      %dma_wait3A_420 = arith.constant 896 : i32
      %dma_wait3A_421 = arith.constant 0 : i32
      %dma_wait3A_422 = tpu.memref_slice %arg13[%dma_wait3A_420, %dma_wait3A_421] : memref<2000x16xf32, #tpu.memory_space<vmem>> -> memref<128x16xf32, #tpu.memory_space<vmem>>
      %dma_wait3A_423 = arith.constant 896 : i32
      %dma_wait3A_424 = tpu.memref_slice %arg11[%dma_wait3A_423] : memref<2000xi32, #tpu.memory_space<vmem>> -> memref<128xi32, #tpu.memory_space<vmem>>
      %dma_wait3A_425 = arith.constant 0 : i32
      %dma_wait3A_426 = arith.constant 0 : i32
      %dma_wait3A_427 = tpu.memref_slice %arg2[%dma_wait3A_425, %dma_wait3A_426] : memref<100000x16xf32, #tpu.memory_space<hbm>> -> memref<100000x16xf32, #tpu.memory_space<hbm>>
      tpu.wait_indirect_dma semaphore(%arg16 : memref<!tpu.dma_semaphore, #tpu.memory_space<semaphore_mem>>) src(%dma_wait3A_427 : memref<100000x16xf32, #tpu.memory_space<hbm>>) dst(%dma_wait3A_422 : memref<128x16xf32, #tpu.memory_space<vmem>>)
      %dma_wait3A_428 = arith.constant 1024 : i32
      %dma_wait3A_429 = arith.constant 0 : i32
      %dma_wait3A_430 = tpu.memref_slice %arg12[%dma_wait3A_428, %dma_wait3A_429] : memref<2000x16xf32, #tpu.memory_space<vmem>> -> memref<128x16xf32, #tpu.memory_space<vmem>>
      %dma_wait3A_431 = arith.constant 1024 : i32
      %dma_wait3A_432 = tpu.memref_slice %arg10[%dma_wait3A_431] : memref<2000xi32, #tpu.memory_space<vmem>> -> memref<128xi32, #tpu.memory_space<vmem>>
      %dma_wait3A_433 = arith.constant 0 : i32
      %dma_wait3A_434 = arith.constant 0 : i32
      %dma_wait3A_435 = tpu.memref_slice %arg2[%dma_wait3A_433, %dma_wait3A_434] : memref<100000x16xf32, #tpu.memory_space<hbm>> -> memref<100000x16xf32, #tpu.memory_space<hbm>>
      tpu.wait_indirect_dma semaphore(%arg16 : memref<!tpu.dma_semaphore, #tpu.memory_space<semaphore_mem>>) src(%dma_wait3A_435 : memref<100000x16xf32, #tpu.memory_space<hbm>>) dst(%dma_wait3A_430 : memref<128x16xf32, #tpu.memory_space<vmem>>)
      %dma_wait3A_436 = arith.constant 1024 : i32
      %dma_wait3A_437 = arith.constant 0 : i32
      %dma_wait3A_438 = tpu.memref_slice %arg13[%dma_wait3A_436, %dma_wait3A_437] : memref<2000x16xf32, #tpu.memory_space<vmem>> -> memref<128x16xf32, #tpu.memory_space<vmem>>
      %dma_wait3A_439 = arith.constant 1024 : i32
      %dma_wait3A_440 = tpu.memref_slice %arg11[%dma_wait3A_439] : memref<2000xi32, #tpu.memory_space<vmem>> -> memref<128xi32, #tpu.memory_space<vmem>>
      %dma_wait3A_441 = arith.constant 0 : i32
      %dma_wait3A_442 = arith.constant 0 : i32
      %dma_wait3A_443 = tpu.memref_slice %arg2[%dma_wait3A_441, %dma_wait3A_442] : memref<100000x16xf32, #tpu.memory_space<hbm>> -> memref<100000x16xf32, #tpu.memory_space<hbm>>
      tpu.wait_indirect_dma semaphore(%arg16 : memref<!tpu.dma_semaphore, #tpu.memory_space<semaphore_mem>>) src(%dma_wait3A_443 : memref<100000x16xf32, #tpu.memory_space<hbm>>) dst(%dma_wait3A_438 : memref<128x16xf32, #tpu.memory_space<vmem>>)
      %dma_wait3A_444 = arith.constant 1152 : i32
      %dma_wait3A_445 = arith.constant 0 : i32
      %dma_wait3A_446 = tpu.memref_slice %arg12[%dma_wait3A_444, %dma_wait3A_445] : memref<2000x16xf32, #tpu.memory_space<vmem>> -> memref<128x16xf32, #tpu.memory_space<vmem>>
      %dma_wait3A_447 = arith.constant 1152 : i32
      %dma_wait3A_448 = tpu.memref_slice %arg10[%dma_wait3A_447] : memref<2000xi32, #tpu.memory_space<vmem>> -> memref<128xi32, #tpu.memory_space<vmem>>
      %dma_wait3A_449 = arith.constant 0 : i32
      %dma_wait3A_450 = arith.constant 0 : i32
      %dma_wait3A_451 = tpu.memref_slice %arg2[%dma_wait3A_449, %dma_wait3A_450] : memref<100000x16xf32, #tpu.memory_space<hbm>> -> memref<100000x16xf32, #tpu.memory_space<hbm>>
      tpu.wait_indirect_dma semaphore(%arg16 : memref<!tpu.dma_semaphore, #tpu.memory_space<semaphore_mem>>) src(%dma_wait3A_451 : memref<100000x16xf32, #tpu.memory_space<hbm>>) dst(%dma_wait3A_446 : memref<128x16xf32, #tpu.memory_space<vmem>>)
      %dma_wait3A_452 = arith.constant 1152 : i32
      %dma_wait3A_453 = arith.constant 0 : i32
      %dma_wait3A_454 = tpu.memref_slice %arg13[%dma_wait3A_452, %dma_wait3A_453] : memref<2000x16xf32, #tpu.memory_space<vmem>> -> memref<128x16xf32, #tpu.memory_space<vmem>>
      %dma_wait3A_455 = arith.constant 1152 : i32
      %dma_wait3A_456 = tpu.memref_slice %arg11[%dma_wait3A_455] : memref<2000xi32, #tpu.memory_space<vmem>> -> memref<128xi32, #tpu.memory_space<vmem>>
      %dma_wait3A_457 = arith.constant 0 : i32
      %dma_wait3A_458 = arith.constant 0 : i32
      %dma_wait3A_459 = tpu.memref_slice %arg2[%dma_wait3A_457, %dma_wait3A_458] : memref<100000x16xf32, #tpu.memory_space<hbm>> -> memref<100000x16xf32, #tpu.memory_space<hbm>>
      tpu.wait_indirect_dma semaphore(%arg16 : memref<!tpu.dma_semaphore, #tpu.memory_space<semaphore_mem>>) src(%dma_wait3A_459 : memref<100000x16xf32, #tpu.memory_space<hbm>>) dst(%dma_wait3A_454 : memref<128x16xf32, #tpu.memory_space<vmem>>)
      %dma_wait3A_460 = arith.constant 1280 : i32
      %dma_wait3A_461 = arith.constant 0 : i32
      %dma_wait3A_462 = tpu.memref_slice %arg12[%dma_wait3A_460, %dma_wait3A_461] : memref<2000x16xf32, #tpu.memory_space<vmem>> -> memref<128x16xf32, #tpu.memory_space<vmem>>
      %dma_wait3A_463 = arith.constant 1280 : i32
      %dma_wait3A_464 = tpu.memref_slice %arg10[%dma_wait3A_463] : memref<2000xi32, #tpu.memory_space<vmem>> -> memref<128xi32, #tpu.memory_space<vmem>>
      %dma_wait3A_465 = arith.constant 0 : i32
      %dma_wait3A_466 = arith.constant 0 : i32
      %dma_wait3A_467 = tpu.memref_slice %arg2[%dma_wait3A_465, %dma_wait3A_466] : memref<100000x16xf32, #tpu.memory_space<hbm>> -> memref<100000x16xf32, #tpu.memory_space<hbm>>
      tpu.wait_indirect_dma semaphore(%arg16 : memref<!tpu.dma_semaphore, #tpu.memory_space<semaphore_mem>>) src(%dma_wait3A_467 : memref<100000x16xf32, #tpu.memory_space<hbm>>) dst(%dma_wait3A_462 : memref<128x16xf32, #tpu.memory_space<vmem>>)
      %dma_wait3A_468 = arith.constant 1280 : i32
      %dma_wait3A_469 = arith.constant 0 : i32
      %dma_wait3A_470 = tpu.memref_slice %arg13[%dma_wait3A_468, %dma_wait3A_469] : memref<2000x16xf32, #tpu.memory_space<vmem>> -> memref<128x16xf32, #tpu.memory_space<vmem>>
      %dma_wait3A_471 = arith.constant 1280 : i32
      %dma_wait3A_472 = tpu.memref_slice %arg11[%dma_wait3A_471] : memref<2000xi32, #tpu.memory_space<vmem>> -> memref<128xi32, #tpu.memory_space<vmem>>
      %dma_wait3A_473 = arith.constant 0 : i32
      %dma_wait3A_474 = arith.constant 0 : i32
      %dma_wait3A_475 = tpu.memref_slice %arg2[%dma_wait3A_473, %dma_wait3A_474] : memref<100000x16xf32, #tpu.memory_space<hbm>> -> memref<100000x16xf32, #tpu.memory_space<hbm>>
      tpu.wait_indirect_dma semaphore(%arg16 : memref<!tpu.dma_semaphore, #tpu.memory_space<semaphore_mem>>) src(%dma_wait3A_475 : memref<100000x16xf32, #tpu.memory_space<hbm>>) dst(%dma_wait3A_470 : memref<128x16xf32, #tpu.memory_space<vmem>>)
      %dma_wait3A_476 = arith.constant 1408 : i32
      %dma_wait3A_477 = arith.constant 0 : i32
      %dma_wait3A_478 = tpu.memref_slice %arg12[%dma_wait3A_476, %dma_wait3A_477] : memref<2000x16xf32, #tpu.memory_space<vmem>> -> memref<128x16xf32, #tpu.memory_space<vmem>>
      %dma_wait3A_479 = arith.constant 1408 : i32
      %dma_wait3A_480 = tpu.memref_slice %arg10[%dma_wait3A_479] : memref<2000xi32, #tpu.memory_space<vmem>> -> memref<128xi32, #tpu.memory_space<vmem>>
      %dma_wait3A_481 = arith.constant 0 : i32
      %dma_wait3A_482 = arith.constant 0 : i32
      %dma_wait3A_483 = tpu.memref_slice %arg2[%dma_wait3A_481, %dma_wait3A_482] : memref<100000x16xf32, #tpu.memory_space<hbm>> -> memref<100000x16xf32, #tpu.memory_space<hbm>>
      tpu.wait_indirect_dma semaphore(%arg16 : memref<!tpu.dma_semaphore, #tpu.memory_space<semaphore_mem>>) src(%dma_wait3A_483 : memref<100000x16xf32, #tpu.memory_space<hbm>>) dst(%dma_wait3A_478 : memref<128x16xf32, #tpu.memory_space<vmem>>)
      %dma_wait3A_484 = arith.constant 1408 : i32
      %dma_wait3A_485 = arith.constant 0 : i32
      %dma_wait3A_486 = tpu.memref_slice %arg13[%dma_wait3A_484, %dma_wait3A_485] : memref<2000x16xf32, #tpu.memory_space<vmem>> -> memref<128x16xf32, #tpu.memory_space<vmem>>
      %dma_wait3A_487 = arith.constant 1408 : i32
      %dma_wait3A_488 = tpu.memref_slice %arg11[%dma_wait3A_487] : memref<2000xi32, #tpu.memory_space<vmem>> -> memref<128xi32, #tpu.memory_space<vmem>>
      %dma_wait3A_489 = arith.constant 0 : i32
      %dma_wait3A_490 = arith.constant 0 : i32
      %dma_wait3A_491 = tpu.memref_slice %arg2[%dma_wait3A_489, %dma_wait3A_490] : memref<100000x16xf32, #tpu.memory_space<hbm>> -> memref<100000x16xf32, #tpu.memory_space<hbm>>
      tpu.wait_indirect_dma semaphore(%arg16 : memref<!tpu.dma_semaphore, #tpu.memory_space<semaphore_mem>>) src(%dma_wait3A_491 : memref<100000x16xf32, #tpu.memory_space<hbm>>) dst(%dma_wait3A_486 : memref<128x16xf32, #tpu.memory_space<vmem>>)
      %dma_wait3A_492 = arith.constant 1536 : i32
      %dma_wait3A_493 = arith.constant 0 : i32
      %dma_wait3A_494 = tpu.memref_slice %arg12[%dma_wait3A_492, %dma_wait3A_493] : memref<2000x16xf32, #tpu.memory_space<vmem>> -> memref<128x16xf32, #tpu.memory_space<vmem>>
      %dma_wait3A_495 = arith.constant 1536 : i32
      %dma_wait3A_496 = tpu.memref_slice %arg10[%dma_wait3A_495] : memref<2000xi32, #tpu.memory_space<vmem>> -> memref<128xi32, #tpu.memory_space<vmem>>
      %dma_wait3A_497 = arith.constant 0 : i32
      %dma_wait3A_498 = arith.constant 0 : i32
      %dma_wait3A_499 = tpu.memref_slice %arg2[%dma_wait3A_497, %dma_wait3A_498] : memref<100000x16xf32, #tpu.memory_space<hbm>> -> memref<100000x16xf32, #tpu.memory_space<hbm>>
      tpu.wait_indirect_dma semaphore(%arg16 : memref<!tpu.dma_semaphore, #tpu.memory_space<semaphore_mem>>) src(%dma_wait3A_499 : memref<100000x16xf32, #tpu.memory_space<hbm>>) dst(%dma_wait3A_494 : memref<128x16xf32, #tpu.memory_space<vmem>>)
      %dma_wait3A_500 = arith.constant 1536 : i32
      %dma_wait3A_501 = arith.constant 0 : i32
      %dma_wait3A_502 = tpu.memref_slice %arg13[%dma_wait3A_500, %dma_wait3A_501] : memref<2000x16xf32, #tpu.memory_space<vmem>> -> memref<128x16xf32, #tpu.memory_space<vmem>>
      %dma_wait3A_503 = arith.constant 1536 : i32
      %dma_wait3A_504 = tpu.memref_slice %arg11[%dma_wait3A_503] : memref<2000xi32, #tpu.memory_space<vmem>> -> memref<128xi32, #tpu.memory_space<vmem>>
      %dma_wait3A_505 = arith.constant 0 : i32
      %dma_wait3A_506 = arith.constant 0 : i32
      %dma_wait3A_507 = tpu.memref_slice %arg2[%dma_wait3A_505, %dma_wait3A_506] : memref<100000x16xf32, #tpu.memory_space<hbm>> -> memref<100000x16xf32, #tpu.memory_space<hbm>>
      tpu.wait_indirect_dma semaphore(%arg16 : memref<!tpu.dma_semaphore, #tpu.memory_space<semaphore_mem>>) src(%dma_wait3A_507 : memref<100000x16xf32, #tpu.memory_space<hbm>>) dst(%dma_wait3A_502 : memref<128x16xf32, #tpu.memory_space<vmem>>)
      %dma_wait3A_508 = arith.constant 1664 : i32
      %dma_wait3A_509 = arith.constant 0 : i32
      %dma_wait3A_510 = tpu.memref_slice %arg12[%dma_wait3A_508, %dma_wait3A_509] : memref<2000x16xf32, #tpu.memory_space<vmem>> -> memref<128x16xf32, #tpu.memory_space<vmem>>
      %dma_wait3A_511 = arith.constant 1664 : i32
      %dma_wait3A_512 = tpu.memref_slice %arg10[%dma_wait3A_511] : memref<2000xi32, #tpu.memory_space<vmem>> -> memref<128xi32, #tpu.memory_space<vmem>>
      %dma_wait3A_513 = arith.constant 0 : i32
      %dma_wait3A_514 = arith.constant 0 : i32
      %dma_wait3A_515 = tpu.memref_slice %arg2[%dma_wait3A_513, %dma_wait3A_514] : memref<100000x16xf32, #tpu.memory_space<hbm>> -> memref<100000x16xf32, #tpu.memory_space<hbm>>
      tpu.wait_indirect_dma semaphore(%arg16 : memref<!tpu.dma_semaphore, #tpu.memory_space<semaphore_mem>>) src(%dma_wait3A_515 : memref<100000x16xf32, #tpu.memory_space<hbm>>) dst(%dma_wait3A_510 : memref<128x16xf32, #tpu.memory_space<vmem>>)
      %dma_wait3A_516 = arith.constant 1664 : i32
      %dma_wait3A_517 = arith.constant 0 : i32
      %dma_wait3A_518 = tpu.memref_slice %arg13[%dma_wait3A_516, %dma_wait3A_517] : memref<2000x16xf32, #tpu.memory_space<vmem>> -> memref<128x16xf32, #tpu.memory_space<vmem>>
      %dma_wait3A_519 = arith.constant 1664 : i32
      %dma_wait3A_520 = tpu.memref_slice %arg11[%dma_wait3A_519] : memref<2000xi32, #tpu.memory_space<vmem>> -> memref<128xi32, #tpu.memory_space<vmem>>
      %dma_wait3A_521 = arith.constant 0 : i32
      %dma_wait3A_522 = arith.constant 0 : i32
      %dma_wait3A_523 = tpu.memref_slice %arg2[%dma_wait3A_521, %dma_wait3A_522] : memref<100000x16xf32, #tpu.memory_space<hbm>> -> memref<100000x16xf32, #tpu.memory_space<hbm>>
      tpu.wait_indirect_dma semaphore(%arg16 : memref<!tpu.dma_semaphore, #tpu.memory_space<semaphore_mem>>) src(%dma_wait3A_523 : memref<100000x16xf32, #tpu.memory_space<hbm>>) dst(%dma_wait3A_518 : memref<128x16xf32, #tpu.memory_space<vmem>>)
      %dma_wait3A_524 = arith.constant 1792 : i32
      %dma_wait3A_525 = arith.constant 0 : i32
      %dma_wait3A_526 = tpu.memref_slice %arg12[%dma_wait3A_524, %dma_wait3A_525] : memref<2000x16xf32, #tpu.memory_space<vmem>> -> memref<128x16xf32, #tpu.memory_space<vmem>>
      %dma_wait3A_527 = arith.constant 1792 : i32
      %dma_wait3A_528 = tpu.memref_slice %arg10[%dma_wait3A_527] : memref<2000xi32, #tpu.memory_space<vmem>> -> memref<128xi32, #tpu.memory_space<vmem>>
      %dma_wait3A_529 = arith.constant 0 : i32
      %dma_wait3A_530 = arith.constant 0 : i32
      %dma_wait3A_531 = tpu.memref_slice %arg2[%dma_wait3A_529, %dma_wait3A_530] : memref<100000x16xf32, #tpu.memory_space<hbm>> -> memref<100000x16xf32, #tpu.memory_space<hbm>>
      tpu.wait_indirect_dma semaphore(%arg16 : memref<!tpu.dma_semaphore, #tpu.memory_space<semaphore_mem>>) src(%dma_wait3A_531 : memref<100000x16xf32, #tpu.memory_space<hbm>>) dst(%dma_wait3A_526 : memref<128x16xf32, #tpu.memory_space<vmem>>)
      %dma_wait3A_532 = arith.constant 1792 : i32
      %dma_wait3A_533 = arith.constant 0 : i32
      %dma_wait3A_534 = tpu.memref_slice %arg13[%dma_wait3A_532, %dma_wait3A_533] : memref<2000x16xf32, #tpu.memory_space<vmem>> -> memref<128x16xf32, #tpu.memory_space<vmem>>
      %dma_wait3A_535 = arith.constant 1792 : i32
      %dma_wait3A_536 = tpu.memref_slice %arg11[%dma_wait3A_535] : memref<2000xi32, #tpu.memory_space<vmem>> -> memref<128xi32, #tpu.memory_space<vmem>>
      %dma_wait3A_537 = arith.constant 0 : i32
      %dma_wait3A_538 = arith.constant 0 : i32
      %dma_wait3A_539 = tpu.memref_slice %arg2[%dma_wait3A_537, %dma_wait3A_538] : memref<100000x16xf32, #tpu.memory_space<hbm>> -> memref<100000x16xf32, #tpu.memory_space<hbm>>
      tpu.wait_indirect_dma semaphore(%arg16 : memref<!tpu.dma_semaphore, #tpu.memory_space<semaphore_mem>>) src(%dma_wait3A_539 : memref<100000x16xf32, #tpu.memory_space<hbm>>) dst(%dma_wait3A_534 : memref<128x16xf32, #tpu.memory_space<vmem>>)
      %dma_wait3A_540 = arith.constant 1920 : i32
      %dma_wait3A_541 = arith.constant 0 : i32
      %dma_wait3A_542 = tpu.memref_slice %arg12[%dma_wait3A_540, %dma_wait3A_541] : memref<2000x16xf32, #tpu.memory_space<vmem>> -> memref<80x16xf32, #tpu.memory_space<vmem>>
      %dma_wait3A_543 = arith.constant 1920 : i32
      %dma_wait3A_544 = tpu.memref_slice %arg10[%dma_wait3A_543] : memref<2000xi32, #tpu.memory_space<vmem>> -> memref<80xi32, #tpu.memory_space<vmem>>
      %dma_wait3A_545 = arith.constant 0 : i32
      %dma_wait3A_546 = arith.constant 0 : i32
      %dma_wait3A_547 = tpu.memref_slice %arg2[%dma_wait3A_545, %dma_wait3A_546] : memref<100000x16xf32, #tpu.memory_space<hbm>> -> memref<100000x16xf32, #tpu.memory_space<hbm>>
      tpu.wait_indirect_dma semaphore(%arg16 : memref<!tpu.dma_semaphore, #tpu.memory_space<semaphore_mem>>) src(%dma_wait3A_547 : memref<100000x16xf32, #tpu.memory_space<hbm>>) dst(%dma_wait3A_542 : memref<80x16xf32, #tpu.memory_space<vmem>>)
      %dma_wait3A_548 = arith.constant 1920 : i32
      %dma_wait3A_549 = arith.constant 0 : i32
      %dma_wait3A_550 = tpu.memref_slice %arg13[%dma_wait3A_548, %dma_wait3A_549] : memref<2000x16xf32, #tpu.memory_space<vmem>> -> memref<80x16xf32, #tpu.memory_space<vmem>>
      %dma_wait3A_551 = arith.constant 1920 : i32
      %dma_wait3A_552 = tpu.memref_slice %arg11[%dma_wait3A_551] : memref<2000xi32, #tpu.memory_space<vmem>> -> memref<80xi32, #tpu.memory_space<vmem>>
      %dma_wait3A_553 = arith.constant 0 : i32
      %dma_wait3A_554 = arith.constant 0 : i32
      %dma_wait3A_555 = tpu.memref_slice %arg2[%dma_wait3A_553, %dma_wait3A_554] : memref<100000x16xf32, #tpu.memory_space<hbm>> -> memref<100000x16xf32, #tpu.memory_space<hbm>>
      tpu.wait_indirect_dma semaphore(%arg16 : memref<!tpu.dma_semaphore, #tpu.memory_space<semaphore_mem>>) src(%dma_wait3A_555 : memref<100000x16xf32, #tpu.memory_space<hbm>>) dst(%dma_wait3A_550 : memref<80x16xf32, #tpu.memory_space<vmem>>)
      %scan3A_556 = arith.constant 0 : i32
      %scan3A_557 = arith.constant 125 : i32
      %scan3A_558 = arith.addi %scan3A_556, %scan3A_557 : i32
      %scan3A_559 = arith.constant 1 : i32
      %scan3A_560 = scf.for %scan3A_562 = %scan3A_556 to %scan3A_558 step %scan3A_559 iter_args(%scan3A_563 = %scan3A_34) -> (vector<16xf32>)  : i32 {
        %mul3A_564 = arith.constant 16 : i32
        %mul3A_565 = arith.muli %scan3A_562, %mul3A_564 : i32
        %add3A_566 = vector.broadcast %mul3A_565 : i32 to vector<16xi32>
        %add3A_567 = arith.addi %add3A_566, %iota3A : vector<16xi32>
        %gather3A = tpu.vector_load_idx %arg12[%add3A_567, %broadcast_in_dim3A_1] : memref<2000x16xf32, #tpu.memory_space<vmem>>[vector<16xi32>, vector<16xi32>], vector<16xf32>,
        %add3A_568 = arith.constant 1 : i32
        %add3A_569 = vector.broadcast %add3A_568 : i32 to vector<16xi32>
        %add3A_570 = arith.addi %broadcast_in_dim3A_1, %add3A_569 : vector<16xi32>
        %gather3A_571 = tpu.vector_load_idx %arg12[%add3A_567, %add3A_570] : memref<2000x16xf32, #tpu.memory_space<vmem>>[vector<16xi32>, vector<16xi32>], vector<16xf32>,
        %add3A_572 = arith.constant 2 : i32
        %add3A_573 = vector.broadcast %add3A_572 : i32 to vector<16xi32>
        %add3A_574 = arith.addi %broadcast_in_dim3A_1, %add3A_573 : vector<16xi32>
        %gather3A_575 = tpu.vector_load_idx %arg12[%add3A_567, %add3A_574] : memref<2000x16xf32, #tpu.memory_space<vmem>>[vector<16xi32>, vector<16xi32>], vector<16xf32>,
        %gather3A_576 = tpu.vector_load_idx %arg13[%add3A_567, %broadcast_in_dim3A_1] : memref<2000x16xf32, #tpu.memory_space<vmem>>[vector<16xi32>, vector<16xi32>], vector<16xf32>,
        %add3A_577 = arith.constant 1 : i32
        %add3A_578 = vector.broadcast %add3A_577 : i32 to vector<16xi32>
        %add3A_579 = arith.addi %broadcast_in_dim3A_1, %add3A_578 : vector<16xi32>
        %gather3A_580 = tpu.vector_load_idx %arg13[%add3A_567, %add3A_579] : memref<2000x16xf32, #tpu.memory_space<vmem>>[vector<16xi32>, vector<16xi32>], vector<16xf32>,
        %add3A_581 = arith.constant 2 : i32
        %add3A_582 = vector.broadcast %add3A_581 : i32 to vector<16xi32>
        %add3A_583 = arith.addi %broadcast_in_dim3A_1, %add3A_582 : vector<16xi32>
        %gather3A_584 = tpu.vector_load_idx %arg13[%add3A_567, %add3A_583] : memref<2000x16xf32, #tpu.memory_space<vmem>>[vector<16xi32>, vector<16xi32>], vector<16xf32>,
        %gather3A_585 = tpu.vector_load_idx %arg9[%add3A_567, %broadcast_in_dim3A_1] : memref<2000x3xi32, #tpu.memory_space<vmem>>[vector<16xi32>, vector<16xi32>], vector<16xi32>,
        %convert_element_type3A = arith.sitofp %gather3A_585 : vector<16xi32> to vector<16xf32>
        %sub3A = arith.constant 1.000000e+00 : f32
        %sub3A_586 = vector.broadcast %sub3A : f32 to vector<16xf32>
        %sub3A_587 = arith.subf %convert_element_type3A, %sub3A_586 : vector<16xf32>
        %add3A_588 = arith.constant 1 : i32
        %add3A_589 = vector.broadcast %add3A_588 : i32 to vector<16xi32>
        %add3A_590 = arith.addi %broadcast_in_dim3A_1, %add3A_589 : vector<16xi32>
        %gather3A_591 = tpu.vector_load_idx %arg9[%add3A_567, %add3A_590] : memref<2000x3xi32, #tpu.memory_space<vmem>>[vector<16xi32>, vector<16xi32>], vector<16xi32>,
        %convert_element_type3A_592 = arith.sitofp %gather3A_591 : vector<16xi32> to vector<16xf32>
        %sub3A_593 = arith.constant 1.000000e+00 : f32
        %sub3A_594 = vector.broadcast %sub3A_593 : f32 to vector<16xf32>
        %sub3A_595 = arith.subf %convert_element_type3A_592, %sub3A_594 : vector<16xf32>
        %add3A_596 = arith.constant 2 : i32
        %add3A_597 = vector.broadcast %add3A_596 : i32 to vector<16xi32>
        %add3A_598 = arith.addi %broadcast_in_dim3A_1, %add3A_597 : vector<16xi32>
        %gather3A_599 = tpu.vector_load_idx %arg9[%add3A_567, %add3A_598] : memref<2000x3xi32, #tpu.memory_space<vmem>>[vector<16xi32>, vector<16xi32>], vector<16xi32>,
        %convert_element_type3A_600 = arith.sitofp %gather3A_599 : vector<16xi32> to vector<16xf32>
        %sub3A_601 = arith.constant 1.000000e+00 : f32
        %sub3A_602 = vector.broadcast %sub3A_601 : f32 to vector<16xf32>
        %sub3A_603 = arith.subf %convert_element_type3A_600, %sub3A_602 : vector<16xf32>
        %sub3A_604 = arith.subf %gather3A, %gather3A_576 : vector<16xf32>
        %mul3A_605 = arith.mulf %sub3A_587, %get3A_7 : vector<16xf32>
        %add3A_606 = arith.addf %sub3A_604, %mul3A_605 : vector<16xf32>
        %mul3A_607 = arith.mulf %sub3A_595, %get3A_13 : vector<16xf32>
        %add3A_608 = arith.addf %add3A_606, %mul3A_607 : vector<16xf32>
        %mul3A_609 = arith.mulf %sub3A_603, %get3A_19 : vector<16xf32>
        %add3A_610 = arith.addf %add3A_608, %mul3A_609 : vector<16xf32>
        %sub3A_611 = arith.subf %gather3A_571, %gather3A_580 : vector<16xf32>
        %mul3A_612 = arith.mulf %sub3A_587, %get3A_9 : vector<16xf32>
        %add3A_613 = arith.addf %sub3A_611, %mul3A_612 : vector<16xf32>
        %mul3A_614 = arith.mulf %sub3A_595, %get3A_15 : vector<16xf32>
        %add3A_615 = arith.addf %add3A_613, %mul3A_614 : vector<16xf32>
        %mul3A_616 = arith.mulf %sub3A_603, %get3A_21 : vector<16xf32>
        %add3A_617 = arith.addf %add3A_615, %mul3A_616 : vector<16xf32>
        %sub3A_618 = arith.subf %gather3A_575, %gather3A_584 : vector<16xf32>
        %mul3A_619 = arith.mulf %sub3A_587, %get3A_11 : vector<16xf32>
        %add3A_620 = arith.addf %sub3A_618, %mul3A_619 : vector<16xf32>
        %mul3A_621 = arith.mulf %sub3A_595, %get3A_17 : vector<16xf32>
        %add3A_622 = arith.addf %add3A_620, %mul3A_621 : vector<16xf32>
        %mul3A_623 = arith.mulf %sub3A_603, %get3A_23 : vector<16xf32>
        %add3A_624 = arith.addf %add3A_622, %mul3A_623 : vector<16xf32>
        %mul3A_625 = arith.mulf %add3A_610, %add3A_610 : vector<16xf32>
        %mul3A_626 = arith.mulf %add3A_617, %add3A_617 : vector<16xf32>
        %add3A_627 = arith.addf %mul3A_625, %mul3A_626 : vector<16xf32>
        %mul3A_628 = arith.mulf %add3A_624, %add3A_624 : vector<16xf32>
        %add3A_629 = arith.addf %add3A_627, %mul3A_628 : vector<16xf32>
        %add3A_630 = arith.constant 9.99999996E-13 : f32
        %add3A_631 = vector.broadcast %add3A_630 : f32 to vector<16xf32>
        %add3A_632 = arith.addf %add3A_629, %add3A_631 : vector<16xf32>
        %bitcast_convert_type3A = tpu.bitcast %add3A_632 : vector<16xf32> -> vector<16xi32>
        %shift_right_arithmetic3A = arith.constant 1 : i32
        %shift_right_arithmetic3A_633 = vector.broadcast %shift_right_arithmetic3A : i32 to vector<16xi32>
        %shift_right_arithmetic3A_634 = arith.shrsi %bitcast_convert_type3A, %shift_right_arithmetic3A_633 : vector<16xi32>
        %sub3A_635 = arith.constant 1597463007 : i32
        %sub3A_636 = vector.broadcast %sub3A_635 : i32 to vector<16xi32>
        %sub3A_637 = arith.subi %sub3A_636, %shift_right_arithmetic3A_634 : vector<16xi32>
        %bitcast_convert_type3A_638 = tpu.bitcast %sub3A_637 : vector<16xi32> -> vector<16xf32>
        %mul3A_639 = arith.constant 5.000000e-01 : f32
        %mul3A_640 = vector.broadcast %mul3A_639 : f32 to vector<16xf32>
        %mul3A_641 = arith.mulf %mul3A_640, %add3A_632 : vector<16xf32>
        %mul3A_642 = arith.mulf %mul3A_641, %bitcast_convert_type3A_638 : vector<16xf32>
        %mul3A_643 = arith.mulf %mul3A_642, %bitcast_convert_type3A_638 : vector<16xf32>
        %sub3A_644 = arith.constant 1.500000e+00 : f32
        %sub3A_645 = vector.broadcast %sub3A_644 : f32 to vector<16xf32>
        %sub3A_646 = arith.subf %sub3A_645, %mul3A_643 : vector<16xf32>
        %mul3A_647 = arith.mulf %bitcast_convert_type3A_638, %sub3A_646 : vector<16xf32>
        %mul3A_648 = arith.constant 5.000000e-01 : f32
        %mul3A_649 = vector.broadcast %mul3A_648 : f32 to vector<16xf32>
        %mul3A_650 = arith.mulf %mul3A_649, %add3A_632 : vector<16xf32>
        %mul3A_651 = arith.mulf %mul3A_650, %mul3A_647 : vector<16xf32>
        %mul3A_652 = arith.mulf %mul3A_651, %mul3A_647 : vector<16xf32>
        %sub3A_653 = arith.constant 1.500000e+00 : f32
        %sub3A_654 = vector.broadcast %sub3A_653 : f32 to vector<16xf32>
        %sub3A_655 = arith.subf %sub3A_654, %mul3A_652 : vector<16xf32>
        %mul3A_656 = arith.mulf %mul3A_647, %sub3A_655 : vector<16xf32>
        %mul3A_657 = arith.constant 5.000000e-01 : f32
        %mul3A_658 = vector.broadcast %mul3A_657 : f32 to vector<16xf32>
        %mul3A_659 = arith.mulf %mul3A_658, %add3A_632 : vector<16xf32>
        %mul3A_660 = arith.mulf %mul3A_659, %mul3A_656 : vector<16xf32>
        %mul3A_661 = arith.mulf %mul3A_660, %mul3A_656 : vector<16xf32>
        %sub3A_662 = arith.constant 1.500000e+00 : f32
        %sub3A_663 = vector.broadcast %sub3A_662 : f32 to vector<16xf32>
        %sub3A_664 = arith.subf %sub3A_663, %mul3A_661 : vector<16xf32>
        %mul3A_665 = arith.mulf %mul3A_656, %sub3A_664 : vector<16xf32>
        %mul3A_666 = arith.mulf %add3A_632, %mul3A_665 : vector<16xf32>
        %mul3A_667 = arith.constant 47.0804596 : f32
        %mul3A_668 = vector.broadcast %mul3A_667 : f32 to vector<16xf32>
        %mul3A_669 = arith.mulf %mul3A_666, %mul3A_668 : vector<16xf32>
        %convert_element_type3A_670 = arith.fptosi %mul3A_669 : vector<16xf32> to vector<16xi32>
        %min3A = arith.constant 8190 : i32
        %min3A_671 = vector.broadcast %min3A : i32 to vector<16xi32>
        %min3A_672 = arith.minsi %convert_element_type3A_670, %min3A_671 : vector<16xi32>
        %convert_element_type3A_673 = arith.sitofp %min3A_672 : vector<16xi32> to vector<16xf32>
        %sub3A_674 = arith.subf %mul3A_669, %convert_element_type3A_673 : vector<16xf32>
        %gather3A_675 = tpu.vector_load_idx %arg7[%min3A_672] : memref<8192xf32, #tpu.memory_space<vmem>>[vector<16xi32>], vector<16xf32>,
        %add3A_676 = arith.constant 1 : i32
        %add3A_677 = vector.broadcast %add3A_676 : i32 to vector<16xi32>
        %add3A_678 = arith.addi %min3A_672, %add3A_677 : vector<16xi32>
        %gather3A_679 = tpu.vector_load_idx %arg7[%add3A_678] : memref<8192xf32, #tpu.memory_space<vmem>>[vector<16xi32>], vector<16xf32>,
        %add3A_680 = arith.addf %scan3A_563, %gather3A_675 : vector<16xf32>
        %sub3A_681 = arith.subf %gather3A_679, %gather3A_675 : vector<16xf32>
        %mul3A_682 = arith.mulf %sub3A_674, %sub3A_681 : vector<16xf32>
        %add3A_683 = arith.addf %add3A_680, %mul3A_682 : vector<16xf32>
        scf.yield %add3A_683 : vector<16xf32>
      }
      %scan3A_561 = arith.constant 125 : i32
      scf.yield %scan3A_560 : vector<16xf32>
    }
    %scan3A_31 = arith.constant 100 : i32
    %swap3A = arith.constant 0 : index
    %swap3A_32 = tpu.vector_load %arg15[%swap3A] {strides = array<i32>} : memref<16xf32, #tpu.memory_space<vmem>>, vector<16xf32>,
    tpu.vector_store %arg15[%swap3A], %scan3A_30 {strides = array<i32>} : memref<16xf32, #tpu.memory_space<vmem>>, vector<16xf32>,
    "tpu.region"() ({
      %run_scoped3A = tpu.sem_alloc : memref<!tpu.dma_semaphore, #tpu.memory_space<semaphore_mem>>
      %dma_start3A = arith.constant 0 : i32
      %dma_start3A_33 = tpu.memref_slice %arg6[%add3A, %dma_start3A] : memref<32x16xf32, #tpu.memory_space<hbm>> -> memref<1x16xf32, #tpu.memory_space<hbm>>
      %dma_start3A_34 = tpu.memref_squeeze %dma_start3A_33 : memref<1x16xf32, #tpu.memory_space<hbm>> -> memref<16xf32, #tpu.memory_space<hbm>>
      %dma_start3A_35 = arith.constant 0 : i32
      %dma_start3A_36 = tpu.memref_slice %arg6[%add3A, %dma_start3A_35] : memref<32x16xf32, #tpu.memory_space<hbm>> -> memref<1x16xf32, #tpu.memory_space<hbm>>
      %dma_start3A_37 = tpu.memref_squeeze %dma_start3A_36 : memref<1x16xf32, #tpu.memory_space<hbm>> -> memref<16xf32, #tpu.memory_space<hbm>>
      tpu.enqueue_dma source(%arg15 : memref<16xf32, #tpu.memory_space<vmem>>) target(%dma_start3A_37 : memref<16xf32, #tpu.memory_space<hbm>>) target_semaphore(%run_scoped3A : memref<!tpu.dma_semaphore, #tpu.memory_space<semaphore_mem>>)
      %dma_wait3A = arith.constant 0 : i32
      %dma_wait3A_38 = tpu.memref_slice %arg6[%add3A, %dma_wait3A] : memref<32x16xf32, #tpu.memory_space<hbm>> -> memref<1x16xf32, #tpu.memory_space<hbm>>
      %dma_wait3A_39 = tpu.memref_squeeze %dma_wait3A_38 : memref<1x16xf32, #tpu.memory_space<hbm>> -> memref<16xf32, #tpu.memory_space<hbm>>
      %dma_wait3A_40 = arith.constant 0 : i32
      %dma_wait3A_41 = tpu.memref_slice %arg6[%add3A, %dma_wait3A_40] : memref<32x16xf32, #tpu.memory_space<hbm>> -> memref<1x16xf32, #tpu.memory_space<hbm>>
      %dma_wait3A_42 = tpu.memref_squeeze %dma_wait3A_41 : memref<1x16xf32, #tpu.memory_space<hbm>> -> memref<16xf32, #tpu.memory_space<hbm>>
      tpu.wait_dma2 semaphore(%run_scoped3A : memref<!tpu.dma_semaphore, #tpu.memory_space<semaphore_mem>>) src(%arg15 : memref<16xf32, #tpu.memory_space<vmem>>) dst(%dma_wait3A_42 : memref<16xf32, #tpu.memory_space<hbm>>)
      tpu.yield
    }) : () -> ()
    return
  }
}

</mosaic_0001>

<sc_bundles>
// kernel: kernel.3.cloned.1.call-start
scs
__scs_entry_jumppad:
0x0: {  	(pc) =	sbr.rel $0x88, $3  }
0x1: {  	(tag) =	ssettag $0x0;
	lr =	simm.s32 $0x1  }
0x2: {  	[smem:$0x3F99] =	sst lr;
	_ =	strace $0xD0000000  }
0x3: {  	_ = 	snop  }
0x4: {  	_ = 	snop  }
0x5: {  	_ = 	snop  }
0x6: {  	_ = 	snop  }
0x7: {  	_ = 	snop  }
__scs_overlays_trampoline_lowered:
0x8: {  	[smem:$0x3FA8] =	sst s0  }
0x9: {  	[smem:$0x3FA9] =	sst s1  }
0xa: {  	[smem:$0x3FAA] =	sst s2  }
0xb: {  	[smem:$0x3FAB] =	sst s3  }
0xc: {  	[smem:$0x3FAC] =	sst s4  }
0xd: {  	[smem:$0x3FAD] =	sst s5  }
0xe: {  	[smem:$0x3FAE] =	sst s6  }
0xf: {  	[smem:$0x3FAF] =	sst s7  }
0x10: {  	[smem:$0x3FB0] =	sst s8  }
0x11: {  	[smem:$0x3FB1] =	sst s9;
	s0 =	simm.s32 @!p0 $0x0  }
0x12: {  	s1 =	sld [smem:$0x3F97];
	s0 =	simm.s32 @p0 $0x1  }
0x13: {  	[smem:$0x3FB2] =	sst s0;
	s0 =	simm.s32 @!p1 $0x0  }
0x14: {  	s2 =	sld [smem:$0x3F96];
	s0 =	simm.s32 @p1 $0x1  }
0x15: {  	[smem:$0x3FB3] =	sst s0;
	s0 =	simm.s32 @!p2 $0x0  }
0x16: {  	s3 =	sld [smem:$0x3FDB];
	s0 =	simm.s32 @p2 $0x1  }
0x17: {  	s4 =	simm.s32 $0x1BF5;
	[smem:$0x3FB5] =	sst s0  }
0x18: {  	s0 =	sld [smem:$0x3F98];
	_ =	swait.ge [sflag:s4], $0x0  }
0x19: {  	s7 =	sld [smem:$0x3F99]  }
0x1a: {  	s8 =	sadd.s32 $0xFFFFE003, lr  }
0x1b: {  	s9 =	sadd.s32 $0xFFFFFEF7, lr;
	s5 =	simm.s32 $0xFFFFFFFF;
	p2 =	slt.u32 s8, $0xFFFFF086  }
0x1c: {  	p1 =	slt.u32 s9, $0xF7A;
	s5 =	simm.s32 @!p2 $0x0  }
0x1d: {  	s5 =	simm.s32 @p1 $0x1;
	p0 =	seq.s32 s7, s2  }
0x1e: {  	s7 =	smul.u32 @!p0 $0xF7A, s2;
	p2 =	seq.s32 @!p0 s5, $0x0  }
0x1f: {  	s9 =	smul.u32 $0xF7A, s1;
	s8 =	simm.s32 @!p0 $0x1BF5;
	p2 =	por !p2, p0  }
0x20: {  	[sflag:s8] =	ssyncset.s32 @!p0 $0xFFFFF086;
	s6 =	sadd.s32 @!p0 s3, s7;
	s7 =	simm.s32 @!p0 $0x108  }
0x21: {  	s3 =	sadd.s32 s3, s9;
	s6 =	sadd.s32 @!p0 $0x88, s6;
	s7 =	simm.s32 @p2 $0x1082  }
0x22: {  	[simem:s7], [sflag:s8] =	dma.local @!p0 [hbm:s6], $0xF7A  }
0x23: {  	s9 =	sor.u32 $0xD0000000, s2;
	s6 =	simm.s32 $0x108;
	_ =	swait.ge @!p0 [sflag:s8], $0x0  }
0x24: {  	s3 =	sadd.s32 $0x88, s3;
	s6 =	simm.s32 @!p1 $0x1082;
	[sflag:s4] =	ssyncset.s32 $0xFFFFF086  }
0x25: {  	[simem:s6], [sflag:s4] =	dma.local [hbm:s3], $0xF7A  }
0x26: {  	[smem:$0x3F99] =	sst s1;
	(tag) =	ssettag s2;
	_ =	strace s9  }
0x27: {  	s1 =	sld [smem:$0x3FA9]  }
0x28: {  	s2 =	sld [smem:$0x3FAA]  }
0x29: {  	s4 =	sld [smem:$0x3FAC]  }
0x2a: {  	p0 =	seq.s32 s5, $0x0;
	s5 =	sld [smem:$0x3FAD]  }
0x2b: {  	s6 =	sld [smem:$0x3FAE]  }
0x2c: {  	s7 =	sld [smem:$0x3FAF]  }
0x2d: {  	s3 =	simm.s32 $0x108;
	s8 =	sld [smem:$0x3FB0]  }
0x2e: {  	s3 =	simm.s32 @!p0 $0x1082;
	s9 =	sld [smem:$0x3FB1]  }
0x2f: {  	lr =	sadd.s32 s0, s3;
	s0 =	sld [smem:$0x3FA8]  }
0x30: {  	s3 =	sld [smem:$0x3FAB]  }
0x31: {  	[smem:$0x3FB4] =	sst s10  }
0x32: {  	s10 =	sld [smem:$0x3FB2];
	_ =	sdelay $0x3  }
0x33: {  	p0 =	seq.s32 s10, $0x1;
	s10 =	sld [smem:$0x3FB4];
	_ =	sdelay $0x3  }
0x34: {  	[smem:$0x3FB4] =	sst s10  }
0x35: {  	s10 =	sld [smem:$0x3FB3];
	_ =	sdelay $0x3  }
0x36: {  	p1 =	seq.s32 s10, $0x1;
	s10 =	sld [smem:$0x3FB4];
	_ =	sdelay $0x3  }
0x37: {  	[smem:$0x3FB4] =	sst s10  }
0x38: {  	s10 =	sld [smem:$0x3FB5]  }
0x39: {  	_ = 	snop;
	(pc) =	sbr.ind lr, $3  }
0x3a: {  	_ = 	snop  }
0x3b: {  	_ = 	snop  }
0x3c: {  	p2 =	seq.s32 s10, $0x1;
	s10 =	sld [smem:$0x3FB4]  }
0x3d: {  	_ =	shalt  }
0x3e: {  	_ =	shalt  }
0x3f: {  	_ =	shalt  }
0x40: {  	_ =	shalt  }
0x41: {  	_ =	shalt  }
0x42: {  	_ =	shalt  }
0x43: {  	_ =	shalt  }
0x44: {  	_ =	shalt  }
0x45: {  	_ =	shalt  }
0x46: {  	_ =	shalt  }
0x47: {  	_ =	shalt  }
0x48: {  	_ =	shalt  }
0x49: {  	_ =	shalt  }
0x4a: {  	_ =	shalt  }
0x4b: {  	_ =	shalt  }
0x4c: {  	_ =	shalt  }
0x4d: {  	_ =	shalt  }
0x4e: {  	_ =	shalt  }
0x4f: {  	_ =	shalt  }
0x50: {  	_ =	shalt  }
0x51: {  	_ =	shalt  }
0x52: {  	_ =	shalt  }
0x53: {  	_ =	shalt  }
0x54: {  	_ =	shalt  }
0x55: {  	_ =	shalt  }
0x56: {  	_ =	shalt  }
0x57: {  	_ =	shalt  }
0x58: {  	_ =	shalt  }
0x59: {  	_ =	shalt  }
0x5a: {  	_ =	shalt  }
0x5b: {  	_ =	shalt  }
0x5c: {  	_ =	shalt  }
0x5d: {  	_ =	shalt  }
0x5e: {  	_ =	shalt  }
0x5f: {  	_ =	shalt  }
0x60: {  	_ =	shalt  }
0x61: {  	_ =	shalt  }
0x62: {  	_ =	shalt  }
0x63: {  	_ =	shalt  }
0x64: {  	_ =	shalt  }
0x65: {  	_ =	shalt  }
0x66: {  	_ =	shalt  }
0x67: {  	_ =	shalt  }
0x68: {  	_ =	shalt  }
0x69: {  	_ =	shalt  }
0x6a: {  	_ =	shalt  }
0x6b: {  	_ =	shalt  }
0x6c: {  	_ =	shalt  }
0x6d: {  	_ =	shalt  }
0x6e: {  	_ =	shalt  }
0x6f: {  	_ =	shalt  }
0x70: {  	_ =	shalt  }
0x71: {  	_ =	shalt  }
0x72: {  	_ =	shalt  }
0x73: {  	_ =	shalt  }
0x74: {  	_ =	shalt  }
0x75: {  	_ =	shalt  }
0x76: {  	_ =	shalt  }
0x77: {  	_ =	shalt  }
0x78: {  	_ =	shalt  }
0x79: {  	_ =	shalt  }
0x7a: {  	_ =	shalt  }
0x7b: {  	_ =	shalt  }
0x7c: {  	_ =	shalt  }
0x7d: {  	_ =	shalt  }
0x7e: {  	_ =	shalt  }
0x7f: {  	_ =	shalt  }
0x80: {  	_ =	shalt  }
0x81: {  	_ =	shalt  }
0x82: {  	_ =	shalt  }
0x83: {  	_ =	shalt  }
0x84: {  	_ =	shalt  }
0x85: {  	_ =	shalt  }
0x86: {  	_ =	shalt  }
0x87: {  	_ =	shalt  }
.Lfunc_end0:
.L_simem_size_0:
called_computation_lowered:
.L_overlay_start_0:
0x88: {  	s2 =	sld [smem:$0x3FD9]  }
0x89: {  	s3 =	sld [smem:$0x3FFE];
	_ =	sdelay $0x1  }
0x8a: {  	s1 =	srdreg.scid  }
0x8b: {  	s0 =	sand.u32 $0x1, s1  }
0x8c: {  	s16 =	sshll.u32 s0, $0xA;
	s2 =	sadd.s32 s3, s2  }
0x8d: {  	s2 =	sadd.s32 s2, s16  }
0x8e: {  	[smem:$0x3FC0] =	sst s2  }
0x8f: {  	_ = 	snop  }
0x90: {  	(tm) =	ssettm $0x1  }
0x91: {  	s17 =	sld [smem:$0x3FFB];
	_ =	sdelay $0x3  }
0x92: {  	_ =	strace s17  }
0x93: {  	s2 =	sld [smem:$0x3FFC];
	_ =	sdelay $0x3  }
0x94: {  	_ =	strace s2  }
0x95: {  	s2 =	sld [smem:$0x3FFD];
	_ =	sdelay $0x3  }
0x96: {  	_ =	strace s2  }
0x97: {  	_ =	strace $0x8FFFFFFF  }
0x98: {  	s18 =	sld [smem:$0x3FDB];
	_ =	sdelay $0x1  }
0x99: {  	s19 =	simm.s32 $_scs_section_size  }
0x9a: {  	s4 =	simm.s32 $_size__tile_overlayer_lowered;
	s5 =	simm.s32 $_tile_overlayer_lowered  }
0x9b: {  	s22 =	simm.s32 $0x1BFF;
	s21 =	sshll.u32 s5, $0x1;
	s2 =	sadd.s32 s19, s18  }
0x9c: {  	s6 =	simm.s32 $0x0;
	s20 =	sshll.u32 s4, $0x1;
	s4 =	sadd.s32 s21, s2  }
0x9d: {  	[timem:s6], [sflag:s22] =	dma.local [hbm:s4], s20  }
0x9e: {  	_ =	swait.ge [sflag:s22], s20  }
0x9f: {  	s3 =	ssub.s32 $0x0, s20;
	[sflag:s22] =	ssyncset.done $0x0  }
0xa0: {  	[sflag:s22] =	ssyncadd.s32 s3;
	_ =	sdelay $0x1  }
0xa1: {  	s23 =	simm.s32 $0x1B8B  }
0xa2: {  	_ =	swait.ge [sflag:s23], $0x1  }
0xa3: {  	[sflag:s23] =	ssyncset.done $0x0  }
0xa4: {  	s25 =	simm.s32 $0x1B8E;
	s24 =	sld [smem:$0x3FFE];
	[sflag:s23] =	ssyncadd.s32 $0xFFFFFFFF  }
0xa5: {  	s26 =	simm.s32 $execute0_lowered;
	[smem:$0x3FD2] =	sst s25  }
0xa6: {  	s4 =	sshll.u32 s26, $0x1;
	_ =	strace $0x80000046;
	[dreg:$0x1] =	wrdreg $0xFFFFFFFF  }
0xa7: {  	s28 =	simm.s32 $_size_execute0_lowered;
	s2 =	sadd.s32 s2, s4;
	[dreg:$0x0] =	wrdreg $0x0  }
0xa8: {  	s4 =	sshll.u32 s28, $0x1;
	[dreg:$0x2] =	wrdreg s2  }
0xa9: {  	[dreg:$0x3] =	wrdreg s4  }
0xaa: {  	[dreg:$0x4] =	wrdreg $0xC0  }
0xab: {  	_ =	task [dreg:s6], $0x5FFFF  }
0xac: {  	[dreg:$0x1] =	wrdreg $0xFFFFFFFF  }
0xad: {  	[dreg:$0x0] =	wrdreg $0x60  }
0xae: {  	[dreg:$0x2] =	wrdreg s24  }
0xaf: {  	[dreg:$0x3] =	wrdreg $0x9  }
0xb0: {  	_ =	task.clear_ibuf [dreg:s6], $0x4FFFF;
	_ =	strace $0x90000046  }
0xb1: {  	s29 =	simm.s32 $0x9;
	_ =	strace $0x80000048  }
0xb2: {  	_ =	swait.ge [sflag:s29], $0x1  }
0xb3: {  	[sflag:s29] =	ssyncadd.s32 $0xFFFFFFFF  }
0xb4: {  	_ =	strace $0x90000048  }
0xb5: {  	_ =	sfence  }
0xb6: {  	s30 =	sld [smem:$0x0];
	_ =	sdelay $0x2  }
0xb7: {  	s31 =	sshll.u32 s1, $0xD;
	s1 =	sshrl.u32 s1, $0x2  }
0xb8: {  	s3 =	sand.u32 $0x4000, s31;
	s1 =	sadd.s32 s1, s30  }
0xb9: {  	s0 =	sor.u32 s3, s0;
	s1 =	sshll.u32 s1, $0x11  }
0xba: {  	s0 =	sor.u32 s1, s0  }
0xbb: {  	s0 =	sadd.s32 $0x8F2B, s0  }
0xbc: {  	[sflag:s0] =	ssyncadd.remote.s32 $0x1  }
0xbd: {  	_ =	sfence.sel $0xFFFF  }
0xbe: {  	[dreg:$0x0] =	wrdreg $0xFFFFFFFF;
	(pc) =	sbr.abs _section_cstart, $3  }
0xbf: {  	[dreg:$0x1] =	wrdreg $0xFFFFFFFF  }
0xc0: {  	_ =	task.clear_ibuf [dreg:s6], $0x2FFFF;
	_ =	strace $0x9FFFFFFF  }
0xc1: {  	(tm) =	ssettm $0x7FFFFFFF  }
tec
execute0_lowered:
.L_overlay_start_1:
0x0: {  	(tag) =	ssettag $0x1  }
0x1: {  	s0 =	rddreg [dreg:$0x0]  }
0x2: {  	s1 =	simm.s32 $0x0;
	s2 =	srdreg.scid;
	s5 =	stileid.u32  }
0x3: {  	s11 =	simm.s32 $0x2;
	s12 =	simm.s32 $0x2000;
	s13 =	simm.s32 $0x5E80  }
0x4: {  	s14 =	simm.s32 $0x80;
	s16 =	simm.s32 $0xACA0;
	s18 =	simm.s32 $0x129A0  }
0x5: {  	s28 =	simm.s32 $0xA380;
	s29 =	simm.s32 $0x114A0;
	s30 =	simm.s32 $0xAB50  }
0x6: {  	s31 =	simm.s32 $0x191A0;
	s10 =	simm.s32 $0xABD0;
	s9 =	simm.s32 $0xA480  }
0x7: {  	s15 =	simm.s32 $0x124A0;
	s17 =	simm.s32 $0xAC50;
	s19 =	simm.s32 $0x1A1A0  }
0x8: {  	s20 =	simm.s32 $0x1;
	s22 =	simm.s32 $0x0;
	[smem:$0x7FF] =	sst s1  }
0x9: {  	s3 =	sadd.s32 $0xC35A00, s0;
	s4 =	sadd.s32 $0x61B200, s0;
	s2 =	sand.u32 $0x1, s2  }
0xa: {  	s6 =	sshll.u32 s5, $0x1;
	s5 =	sadd.s32 $0xA00, s0;
	s7 =	sadd.s32 $0xC66800, s0  }
0xb: {  	_ =	strace $0x80000047;
	s6 =	sor.u32 s2, s6;
	s2 =	ssub.s32 $0x2, s2  }
0xc: {  	[dreg:$0x2] =	wrdreg s7;
	s25 =	sshll.u32 s6, $0x1;
	s8 =	sshrl.u32 s2, $0x1  }
0xd: {  	s7 =	smul.u32 $0x30D40, s6;
	s6 =	simm.s32 $0x199A0;
	s0 =	sadd.s32 s25, s0  }
0xe: {  	s2 =	ssub.s32 s2, s8;
	s8 =	simm.s32 $0x50;
	s0 =	sadd.s32 $0xC66A00, s0  }
0xf: {  	v0 =	vlaneseq.u32;
	s26 =	smax.u32 s2, $0x1;
	s2 =	simm.s32 $0x11CA0;
	[dreg:$0x3] =	wrdreg s0  }
0x10: {  	v1 =	vmul.u32 $0x8, v0;
	[dreg:$0x4] =	wrdreg s26;
	s26 =	simm.s32 $0x189A0;
	s0 =	simm.s32 $0xA400  }
.LBB2_1:
0x11: {  	[dreg:$0x5] =	wrdreg s22  }
0x12: {  	s21 =	rddreg [dreg:$0x2];
	s24 =	simm.s32 $0x1A6A0  }
0x13: {  	[tilespmem:s24], [sflag:$0x2] =	stream.linear.gather [hbm4b:s21+s1], $0x400, $0x38;
	[tilespmem:$0x1AAB0] =	vst v63  }
0x14: {  	_ =	swait.ge [sflag:s11], $0x400  }
0x15: {  	[sflag:s11] =	ssyncset.done $0x0  }
0x16: {  	[sflag:s11] =	ssyncadd.s32 $0xFFFFFC00  }
0x17: {  	v2 =	vld [tilespmem:$0x1A890]  }
0x18: {  	v3 =	vld [tilespmem:$0x1A880]  }
0x19: {  	v4 =	vld [tilespmem:$0x1A790]  }
0x1a: {  	v5 =	vld [tilespmem:$0x1A870]  }
0x1b: {  	v7 =	vld [tilespmem:$0x1A780]  }
0x1c: {  	v8 =	vld [tilespmem:$0x1A860]  }
0x1d: {  	v9 =	vld [tilespmem:$0x1A770]  }
0x1e: {  	v6 =	vor.u32 s1, v0;
	v10 =	vld [tilespmem:$0x1A850]  }
0x1f: {  	v6 =	vcvt.s32.f32 v6;
	v11 =	vld [tilespmem:$0x1A760]  }
0x20: {  	v12 =	vld [tilespmem:$0x1A840]  }
0x21: {  	v6 =	vmul.f32 $2.124023440e-02, v6;
	v13 =	vld [tilespmem:$0x1A750]  }
0x22: {  	v14 =	vld [tilespmem:$0x1A830]  }
0x23: {  	v15 =	vld [tilespmem:$0x1A730];
	v4 =	vmul.f32 v4, v6  }
0x24: {  	v16 =	vld [tilespmem:$0x1A800];
	v7 =	vmul.f32 v7, v6  }
0x25: {  	v17 =	vld [tilespmem:$0x1A700];
	v2 =	vadd.f32 v2, v4  }
0x26: {  	v18 =	vld [tilespmem:$0x1A7D0];
	v9 =	vmul.f32 v9, v6;
	v3 =	vadd.f32 v3, v7  }
0x27: {  	v19 =	vld [tilespmem:$0x1A6A0];
	v11 =	vmul.f32 v11, v6;
	v2 =	vmax.f32 v2, $-2.000000000e+01  }
0x28: {  	v4 =	vld [tilespmem:$0x1A740];
	v5 =	vadd.f32 v5, v9;
	v3 =	vmax.f32 v3, $-2.000000000e+01;
	v2 =	vmin.f32 v2, $2.000000000e+01  }
0x29: {  	v20 =	vld [tilespmem:$0x1A7B0];
	v8 =	vadd.f32 v8, v11;
	v3 =	vmin.f32 v3, $2.000000000e+01;
	v2 =	vadd.f32 v2, v2  }
0x2a: {  	v21 =	vld [tilespmem:$0x1A6C0];
	v13 =	vmul.f32 v13, v6;
	v5 =	vmax.f32 v5, $-2.000000000e+01;
	v3 =	vadd.f32 v3, v3  }
0x2b: {  	v7 =	vld [tilespmem:$0x1A720];
	v8 =	vmax.f32 v8, $-2.000000000e+01;
	v5 =	vmin.f32 v5, $2.000000000e+01;
	v2 =	vmul.f32 $1.442695020e+00, v2  }
0x2c: {  	v9 =	vld [tilespmem:$0x1A710];
	v8 =	vmin.f32 v8, $2.000000000e+01;
	v5 =	vadd.f32 v5, v5;
	v3 =	vmul.f32 $1.442695020e+00, v3  }
0x2d: {  	v8 =	vadd.f32 v8, v8;
	v4 =	vmul.f32 v4, v6;
	(erf) = vpow2.f32 v2;
	v2 =	vld [tilespmem:$0x1A7A0]  }
0x2e: {  	v5 =	vmul.f32 $1.442695020e+00, v5;
	(erf) = vpow2.f32 v3;
	v3 =	vld [tilespmem:$0x1A6B0]  }
0x2f: {  	v15 =	vmul.f32 v15, v6;
	v8 =	vmul.f32 $1.442695020e+00, v8;
	v4 =	vadd.f32 v12, v4;
	v12 =	vld [tilespmem:$0x1A6D0]  }
0x30: {  	v11 =	vld [tilespmem:$0x1A6F0];
	v10 =	vadd.f32 v10, v13;
	(erf) = vpow2.f32 v5  }
0x31: {  	v13 =	vadd.f32 v14, v15;
	v5 =	vmul.f32 v19, v6;
	(erf) = vpow2.f32 v8;
	v8 =	vld [tilespmem:$0x1A7C0]  }
0x32: {  	v14 =	vmul.f32 v17, v6;
	v9 =	vmul.f32 v9, v6;
	v15 =	vmax.f32 v4, $-2.000000000e+01;
	v4 =	vld [tilespmem:$0x1A6E0]  }
0x33: {  	v7 =	vmul.f32 v7, v6;
	v2 =	vadd.f32 v2, v5;
	v3 =	vmul.f32 v3, v6  }
0x34: {  	v12 =	vmul.f32 v12, v6;
	v5 =	vadd.f32 v16, v14;
	v14 =	vmul.f32 v21, v6  }
0x35: {  	v11 =	vmul.f32 v11, v6;
	v16 =	vld [tilespmem:$0x1A7E0];
	v2 =	vmax.f32 v2, $-2.000000000e+01;
	v3 =	vadd.f32 v20, v3  }
0x36: {  	v12 =	vadd.f32 v18, v12;
	v2 =	vmin.f32 v2, $2.000000000e+01;
	v8 =	vadd.f32 v8, v14  }
0x37: {  	v4 =	vmul.f32 v4, v6;
	v14 =	vld [tilespmem:$0x1A7F0];
	v2 =	vadd.f32 v2, v2;
	v3 =	vmax.f32 v3, $-2.000000000e+01  }
0x38: {  	v5 =	vmax.f32 v5, $-2.000000000e+01;
	v6 =	vmax.f32 v8, $-2.000000000e+01;
	v3 =	vmin.f32 v3, $2.000000000e+01  }
0x39: {  	v2 =	vmul.f32 $1.442695020e+00, v2;
	v6 =	vmin.f32 v6, $2.000000000e+01;
	v3 =	vadd.f32 v3, v3  }
0x3a: {  	v8 =	vmax.f32 v12, $-2.000000000e+01;
	v4 =	vadd.f32 v16, v4;
	v6 =	vadd.f32 v6, v6  }
0x3b: {  	v12 =	vld [tilespmem:$0x1A810];
	(erf) = vpow2.f32 v2;
	v2 =	vmin.f32 v8, $2.000000000e+01;
	v3 =	vmul.f32 $1.442695020e+00, v3  }
0x3c: {  	v4 =	vmax.f32 v4, $-2.000000000e+01;
	v8 =	vadd.f32 v14, v11;
	v2 =	vadd.f32 v2, v2  }
0x3d: {  	v11 =	vld [tilespmem:$0x1A820];
	v6 =	vmul.f32 $1.442695020e+00, v6;
	(erf) = vpow2.f32 v3;
	v3 =	vmin.f32 v4, $2.000000000e+01  }
0x3e: {  	v5 =	vmin.f32 v5, $2.000000000e+01;
	v4 =	vmax.f32 v8, $-2.000000000e+01;
	v14 =	vadd.f32 v3, v3  }
0x3f: {  	v8 =	vmul.f32 $1.442695020e+00, v2;
	(erf) = vpow2.f32 v6;
	v4 =	vmin.f32 v4, $2.000000000e+01  }
0x40: {  	v6 =	vadd.f32 v12, v9;
	v2 =	vpop (erf);
	v12 =	vadd.f32 v4, v4;
	v9 =	vmul.f32 $1.442695020e+00, v14  }
0x41: {  	v13 =	vmax.f32 v13, $-2.000000000e+01;
	(erf) = vpow2.f32 v8;
	v8 =	vadd.f32 v5, v5;
	v3 =	vpop (erf)  }
0x42: {  	v7 =	vadd.f32 v11, v7;
	v6 =	vmax.f32 v6, $-2.000000000e+01;
	v4 =	vpop (erf);
	v11 =	vmul.f32 $1.442695020e+00, v12  }
0x43: {  	v13 =	vmin.f32 v13, $2.000000000e+01;
	v6 =	vmin.f32 v6, $2.000000000e+01;
	v5 =	vpop (erf)  }
0x44: {  	v8 =	vmul.f32 $1.442695020e+00, v8;
	(erf) = vpow2.f32 v9;
	v6 =	vadd.f32 v6, v6;
	v9 =	vpop (erf)  }
0x45: {  	v7 =	vmax.f32 v7, $-2.000000000e+01;
	(erf) = vpow2.f32 v11;
	v12 =	vadd.f32 $1.000000000e+00, v9  }
0x46: {  	v7 =	vmin.f32 v7, $2.000000000e+01;
	v6 =	vmul.f32 $1.442695020e+00, v6;
	(erf) = vpow2.f32 v8;
	v11 =	vpop (erf)  }
0x47: {  	v8 =	vadd.f32 $1.000000000e+00, v11;
	(erf) = vrcp.f32 v12;
	v12 =	vadd.f32 v13, v13  }
0x48: {  	v14 =	vmin.f32 v15, $2.000000000e+01;
	v7 =	vadd.f32 v7, v7;
	(erf) = vpow2.f32 v6  }
0x49: {  	v13 =	vpop (erf);
	(erf) = vrcp.f32 v8;
	v8 =	vmul.f32 $1.442695020e+00, v12;
	v12 =	vadd.f32 v14, v14  }
0x4a: {  	v7 =	vmul.f32 $1.442695020e+00, v7  }
0x4b: {  	v6 =	vadd.f32 $1.000000000e+00, v13  }
0x4c: {  	v14 =	vpop (erf);
	(erf) = vpow2.f32 v7  }
0x4d: {  	v10 =	vmax.f32 v10, $-2.000000000e+01;
	(erf) = vrcp.f32 v6;
	v6 =	vmul.f32 $1.442695020e+00, v12;
	v12 =	vpop (erf)  }
0x4e: {  	v7 =	vadd.f32 $1.000000000e+00, v14;
	(erf) = vpow2.f32 v8;
	v8 =	vadd.f32 $1.000000000e+00, v12  }
0x4f: {  	v10 =	vmin.f32 v10, $2.000000000e+01  }
0x50: {  	v10 =	vadd.f32 v10, v10;
	(erf) = vrcp.f32 v7  }
0x51: {  	v7 =	vld [tilespmem:$0x1A8A0];
	v15 =	vpop (erf);
	(erf) = vpow2.f32 v6  }
0x52: {  	v10 =	vmul.f32 $1.442695020e+00, v10;
	v9 =	vadd.f32 $-1.000000000e+00, v9;
	(erf) = vrcp.f32 v8;
	v8 =	vpop (erf)  }
0x53: {  	v16 =	vadd.f32 $1.000000000e+00, v15;
	v19 =	vpop (erf)  }
0x54: {  	v17 =	vld [tilespmem:$0x1A8B0];
	(erf) = vpow2.f32 v10;
	v10 =	vadd.f32 $-1.000000000e+00, v11;
	v9 =	vmul.f32 v19, v9;
	v11 =	vpop (erf)  }
0x55: {  	v6 =	vld [tilespmem:$0x1A9A0];
	(erf) = vrcp.f32 v16;
	v20 =	vpop (erf)  }
0x56: {  	v7 =	vmul.f32 v9, v7;
	v9 =	vmul.f32 v20, v10;
	v10 =	vadd.f32 $-1.000000000e+00, v13  }
0x57: {  	v18 =	vadd.f32 $1.000000000e+00, v8;
	v16 =	vld [tilespmem:$0x1A8C0]  }
0x58: {  	v14 =	vadd.f32 $-1.000000000e+00, v14;
	v13 =	vpop (erf)  }
0x59: {  	v12 =	vadd.f32 $-1.000000000e+00, v12;
	v19 =	vadd.f32 $1.000000000e+00, v11;
	(erf) = vrcp.f32 v18;
	v18 =	vld [tilespmem:$0x1A8D0];
	v60 =	vpop (erf)  }
0x5a: {  	v6 =	vadd.f32 v7, v6;
	v7 =	vmul.f32 v9, v17;
	v9 =	vmul.f32 v60, v10;
	v10 =	vpop (erf)  }
0x5b: {  	v20 =	vadd.f32 $1.000000000e+00, v13;
	(erf) = vrcp.f32 v19;
	v17 =	vld [tilespmem:$0x1A8E0];
	v61 =	vpop (erf)  }
0x5c: {  	v6 =	vadd.f32 v7, v6;
	v7 =	vmul.f32 v9, v16;
	v9 =	vmul.f32 v61, v14;
	v14 =	vpop (erf)  }
0x5d: {  	v15 =	vadd.f32 $-1.000000000e+00, v15;
	(erf) = vrcp.f32 v20;
	v19 =	vadd.f32 $1.000000000e+00, v10;
	v62 =	vpop (erf)  }
0x5e: {  	v16 =	vld [tilespmem:$0x1A8F0];
	v6 =	vadd.f32 v7, v6;
	v7 =	vmul.f32 v9, v18;
	v9 =	vmul.f32 v62, v12;
	v12 =	vpop (erf)  }
0x5f: {  	v20 =	vadd.f32 $1.000000000e+00, v14;
	(erf) = vrcp.f32 v19;
	v19 =	vadd.f32 $1.000000000e+00, v12;
	v63 =	vpop (erf)  }
0x60: {  	v18 =	vld [tilespmem:$0x1A900];
	v6 =	vadd.f32 v7, v6;
	v7 =	vmul.f32 v9, v17;
	v9 =	vmul.f32 v63, v15  }
0x61: {  	v8 =	vadd.f32 $-1.000000000e+00, v8;
	(erf) = vrcp.f32 v20  }
0x62: {  	v11 =	vadd.f32 $-1.000000000e+00, v11;
	v15 =	vpop (erf);
	v17 =	vld [tilespmem:$0x1A910];
	(erf) = vrcp.f32 v19  }
0x63: {  	v8 =	vmul.f32 v15, v8;
	v6 =	vadd.f32 v7, v6;
	v7 =	vmul.f32 v9, v16  }
0x64: {  	v13 =	vadd.f32 $-1.000000000e+00, v13;
	v20 =	vadd.f32 $1.000000000e+00, v5;
	v15 =	vld [tilespmem:$0x1A920];
	v9 =	vpop (erf)  }
0x65: {  	v6 =	vadd.f32 v7, v6;
	v7 =	vmul.f32 v8, v18;
	v8 =	vmul.f32 v9, v11  }
0x66: {  	v10 =	vadd.f32 $-1.000000000e+00, v10;
	v16 =	vadd.f32 $1.000000000e+00, v4;
	(erf) = vrcp.f32 v20;
	v9 =	vpop (erf);
	v11 =	vld [tilespmem:$0x1A930]  }
0x67: {  	v6 =	vadd.f32 v7, v6;
	v7 =	vmul.f32 v8, v17;
	v8 =	vmul.f32 v9, v13  }
0x68: {  	v14 =	vadd.f32 $-1.000000000e+00, v14;
	v18 =	vadd.f32 $1.000000000e+00, v3;
	(erf) = vrcp.f32 v16;
	v9 =	vpop (erf);
	v13 =	vld [tilespmem:$0x1A940]  }
0x69: {  	v6 =	vadd.f32 v7, v6;
	v7 =	vmul.f32 v8, v15;
	v8 =	vmul.f32 v9, v10  }
0x6a: {  	v12 =	vadd.f32 $-1.000000000e+00, v12;
	v16 =	vadd.f32 $1.000000000e+00, v2;
	(erf) = vrcp.f32 v18;
	v9 =	vpop (erf);
	v10 =	vld [tilespmem:$0x1A950]  }
0x6b: {  	v6 =	vadd.f32 v7, v6;
	v7 =	vmul.f32 v8, v11;
	v8 =	vmul.f32 v9, v14  }
0x6c: {  	(erf) = vrcp.f32 v16;
	v9 =	vpop (erf)  }
0x6d: {  	v11 =	vld [tilespmem:$0x1A960];
	v6 =	vadd.f32 v7, v6;
	v7 =	vmul.f32 v8, v13;
	v8 =	vmul.f32 v9, v12  }
0x6e: {  	v5 =	vadd.f32 $-1.000000000e+00, v5  }
0x6f: {  	v9 =	vpop (erf);
	v12 =	vld [tilespmem:$0x1A970];
	v6 =	vadd.f32 v7, v6;
	v7 =	vmul.f32 v8, v10  }
0x70: {  	v4 =	vadd.f32 $-1.000000000e+00, v4;
	v5 =	vmul.f32 v9, v5  }
0x71: {  	v9 =	vld [tilespmem:$0x1A980];
	v8 =	vpop (erf);
	v6 =	vadd.f32 v7, v6  }
0x72: {  	v3 =	vadd.f32 $-1.000000000e+00, v3;
	v5 =	vmul.f32 v5, v11;
	v4 =	vmul.f32 v8, v4  }
0x73: {  	v2 =	vadd.f32 $-1.000000000e+00, v2;
	v8 =	vld [tilespmem:$0x1A990];
	v7 =	vpop (erf)  }
0x74: {  	v5 =	vadd.f32 v5, v6;
	v4 =	vmul.f32 v4, v12;
	v3 =	vmul.f32 v7, v3  }
0x75: {  	v6 =	vpop (erf)  }
0x76: {  	v4 =	vadd.f32 v4, v5;
	v3 =	vmul.f32 v3, v9;
	v2 =	vmul.f32 v6, v2;
	_ =	sdelay $0x1  }
0x77: {  	v3 =	vadd.f32 v3, v4;
	v2 =	vmul.f32 v2, v8;
	_ =	sdelay $0x1  }
0x78: {  	v2 =	vadd.f32 v2, v3;
	_ =	sdelay $0x1  }
0x79: {  	v2 =	vmul.f32 $5.961620210e-01, v2;
	_ =	sdelay $0x1  }
0x7a: {  	[tilespmem:s1+$0x0] =	vst v2  }
0x7b: {  	v2 =	vld [tilespmem:$0x1A890]  }
0x7c: {  	v5 =	vld [tilespmem:$0x1A880]  }
0x7d: {  	v6 =	vld [tilespmem:$0x1A790]  }
0x7e: {  	v9 =	vld [tilespmem:$0x1A870]  }
0x7f: {  	s25 =	simm.s32 $0x10;
	v7 =	vld [tilespmem:$0x1A780]  }
0x80: {  	v3 =	vor.u32 s25, v0;
	v15 =	vld [tilespmem:$0x1A860]  }
0x81: {  	v4 =	vcvt.s32.f32 v3;
	v10 =	vld [tilespmem:$0x1A770]  }
0x82: {  	v3 =	vld [tilespmem:$0x1A850]  }
0x83: {  	v4 =	vmul.f32 $2.124023440e-02, v4;
	v14 =	vld [tilespmem:$0x1A760]  }
0x84: {  	v8 =	vld [tilespmem:$0x1A840]  }
0x85: {  	v11 =	vld [tilespmem:$0x1A750];
	v12 =	vmul.f32 v6, v4  }
0x86: {  	v13 =	vld [tilespmem:$0x1A740];
	v7 =	vmul.f32 v7, v4  }
0x87: {  	v6 =	vld [tilespmem:$0x1A830];
	v2 =	vadd.f32 v2, v12  }
0x88: {  	v10 =	vmul.f32 v10, v4;
	v17 =	vmul.f32 v14, v4;
	v14 =	vld [tilespmem:$0x1A700];
	v5 =	vadd.f32 v5, v7  }
0x89: {  	v12 =	vld [tilespmem:$0x1A730];
	v7 =	vmax.f32 v2, $-2.000000000e+01  }
0x8a: {  	v9 =	vadd.f32 v9, v10;
	v10 =	vld [tilespmem:$0x1A710];
	v5 =	vmax.f32 v5, $-2.000000000e+01;
	v16 =	vmin.f32 v7, $2.000000000e+01  }
0x8b: {  	v15 =	vadd.f32 v15, v17;
	v2 =	vld [tilespmem:$0x1A720];
	v5 =	vmin.f32 v5, $2.000000000e+01;
	v16 =	vadd.f32 v16, v16  }
0x8c: {  	v17 =	vmax.f32 v9, $-2.000000000e+01;
	v9 =	vld [tilespmem:$0x1A6F0];
	v18 =	vadd.f32 v5, v5  }
0x8d: {  	v20 =	vmax.f32 v15, $-2.000000000e+01;
	v15 =	vld [tilespmem:$0x1A6A0];
	v17 =	vmin.f32 v17, $2.000000000e+01;
	v19 =	vmul.f32 $1.442695020e+00, v16  }
0x8e: {  	v7 =	vld [tilespmem:$0x1A800];
	v16 =	vadd.f32 v17, v17;
	v17 =	vmul.f32 $1.442695020e+00, v18  }
0x8f: {  	s22 =	simm.s32 $0x20;
	s21 =	simm.s32 $0x0;
	v5 =	vld [tilespmem:$0x1A7D0];
	v18 =	vmin.f32 v20, $2.000000000e+01;
	(erf) = vpow2.f32 v19  }
.LBB2_2:
0x90: {  	p0 =	sne.s32 s22, $0x1FF0;
	v19 =	vld [tilespmem:$0x1A7A0];
	v18 =	vadd.f32 v18, v18;
	v16 =	vmul.f32 $1.442695020e+00, v16;
	(erf) = vpow2.f32 v17  }
0x91: {  	v13 =	vmul.f32 v13, v4;
	v11 =	vmul.f32 v11, v4;
	v17 =	vld [tilespmem:$0x1A6B0]  }
0x92: {  	v12 =	vmul.f32 v12, v4;
	v20 =	vld [tilespmem:$0x1A7B0];
	v18 =	vmul.f32 $1.442695020e+00, v18  }
0x93: {  	v8 =	vadd.f32 v8, v13;
	v3 =	vadd.f32 v3, v11;
	v21 =	vld [tilespmem:$0x1A6C0];
	(erf) = vpow2.f32 v16  }
0x94: {  	v6 =	vadd.f32 v6, v12;
	v11 =	vmul.f32 v15, v4;
	v13 =	vld [tilespmem:$0x1A6D0];
	(erf) = vpow2.f32 v18  }
0x95: {  	v14 =	vmul.f32 v14, v4;
	v8 =	vmax.f32 v8, $-2.000000000e+01;
	v15 =	vmax.f32 v3, $-2.000000000e+01;
	v12 =	vld [tilespmem:$0x1A7C0]  }
0x96: {  	v6 =	vmax.f32 v6, $-2.000000000e+01;
	v23 =	vadd.f32 v19, v11;
	v11 =	vmul.f32 v17, v4;
	v16 =	vld [tilespmem:$0x1A6E0]  }
0x97: {  	v10 =	vmul.f32 v10, v4;
	v7 =	vadd.f32 v7, v14;
	v14 =	vmul.f32 v2, v4  }
0x98: {  	v22 =	vmax.f32 v23, $-2.000000000e+01;
	v11 =	vadd.f32 v20, v11;
	v17 =	vmul.f32 v21, v4;
	v18 =	vld [tilespmem:$0x1A7E0];
	v2 =	vpop (erf)  }
0x99: {  	v9 =	vmul.f32 v9, v4;
	v19 =	vmin.f32 v22, $2.000000000e+01;
	v13 =	vmul.f32 v13, v4;
	v3 =	vpop (erf)  }
0x9a: {  	v19 =	vadd.f32 v19, v19;
	v11 =	vmax.f32 v11, $-2.000000000e+01;
	v12 =	vadd.f32 v12, v17;
	v17 =	vld [tilespmem:$0x1A7F0]  }
0x9b: {  	v11 =	vmin.f32 v11, $2.000000000e+01;
	v20 =	vadd.f32 v5, v13;
	v13 =	vmul.f32 v16, v4  }
0x9c: {  	v16 =	vmul.f32 $1.442695020e+00, v19;
	v11 =	vadd.f32 v11, v11;
	v12 =	vmax.f32 v12, $-2.000000000e+01;
	v4 =	vpop (erf)  }
0x9d: {  	v12 =	vmin.f32 v12, $2.000000000e+01;
	v19 =	vmax.f32 v20, $-2.000000000e+01;
	v13 =	vadd.f32 v18, v13;
	v5 =	vpop (erf)  }
0x9e: {  	v11 =	vmul.f32 $1.442695020e+00, v11;
	v12 =	vadd.f32 v12, v12;
	v18 =	vld [tilespmem:$0x1A810];
	(erf) = vpow2.f32 v16  }
0x9f: {  	v16 =	vmin.f32 v19, $2.000000000e+01;
	v13 =	vmax.f32 v13, $-2.000000000e+01;
	v9 =	vadd.f32 v17, v9  }
0xa0: {  	v16 =	vadd.f32 v16, v16;
	v12 =	vmul.f32 $1.442695020e+00, v12;
	v17 =	vld [tilespmem:$0x1A820];
	(erf) = vpow2.f32 v11  }
0xa1: {  	v7 =	vmax.f32 v7, $-2.000000000e+01;
	v11 =	vmin.f32 v13, $2.000000000e+01;
	v9 =	vmax.f32 v9, $-2.000000000e+01  }
0xa2: {  	v13 =	vmul.f32 $1.442695020e+00, v16;
	v11 =	vadd.f32 v11, v11;
	(erf) = vpow2.f32 v12  }
0xa3: {  	v7 =	vmin.f32 v7, $2.000000000e+01;
	v9 =	vmin.f32 v9, $2.000000000e+01;
	v10 =	vadd.f32 v18, v10  }
0xa4: {  	v11 =	vmul.f32 $1.442695020e+00, v11;
	v9 =	vadd.f32 v9, v9;
	(erf) = vpow2.f32 v13  }
0xa5: {  	v7 =	vadd.f32 v7, v7;
	v10 =	vmax.f32 v10, $-2.000000000e+01;
	v13 =	vadd.f32 v17, v14  }
0xa6: {  	v9 =	vmul.f32 $1.442695020e+00, v9;
	v10 =	vmin.f32 v10, $2.000000000e+01;
	(erf) = vpow2.f32 v11  }
0xa7: {  	v7 =	vmul.f32 $1.442695020e+00, v7;
	v10 =	vadd.f32 v10, v10;
	v13 =	vmax.f32 v13, $-2.000000000e+01;
	v12 =	vpop (erf)  }
0xa8: {  	v16 =	vadd.f32 $1.000000000e+00, v12;
	v14 =	vmin.f32 v13, $2.000000000e+01;
	(erf) = vpow2.f32 v9  }
0xa9: {  	v9 =	vmul.f32 $1.442695020e+00, v10;
	v10 =	vadd.f32 v14, v14;
	v11 =	vpop (erf);
	(erf) = vpow2.f32 v7  }
0xaa: {  	v6 =	vmin.f32 v6, $2.000000000e+01;
	v7 =	vadd.f32 $1.000000000e+00, v11;
	(erf) = vrcp.f32 v16  }
0xab: {  	v6 =	vadd.f32 v6, v6;
	v10 =	vmul.f32 $1.442695020e+00, v10;
	v13 =	vpop (erf);
	(erf) = vpow2.f32 v9  }
0xac: {  	v14 =	vmin.f32 v8, $2.000000000e+01;
	v9 =	vadd.f32 $1.000000000e+00, v13;
	(erf) = vrcp.f32 v7  }
0xad: {  	v6 =	vmul.f32 $1.442695020e+00, v6;
	v7 =	vadd.f32 v14, v14;
	v8 =	vpop (erf);
	(erf) = vpow2.f32 v10  }
0xae: {  	v15 =	vmin.f32 v15, $2.000000000e+01;
	v10 =	vadd.f32 $1.000000000e+00, v8;
	(erf) = vrcp.f32 v9  }
0xaf: {  	v7 =	vmul.f32 $1.442695020e+00, v7;
	v9 =	vadd.f32 v15, v15;
	v14 =	vpop (erf);
	(erf) = vpow2.f32 v6  }
0xb0: {  	v17 =	vadd.f32 $1.000000000e+00, v14;
	(erf) = vrcp.f32 v10  }
0xb1: {  	v9 =	vmul.f32 $1.442695020e+00, v9;
	v10 =	vld [tilespmem:$0x1A8A0];
	v15 =	vpop (erf);
	(erf) = vpow2.f32 v7  }
0xb2: {  	v21 =	vadd.f32 $-1.000000000e+00, v12;
	v7 =	vld [tilespmem:$0x1A9A0];
	v16 =	vadd.f32 $1.000000000e+00, v15;
	(erf) = vrcp.f32 v17;
	v6 =	vpop (erf)  }
0xb3: {  	v17 =	vld [tilespmem:$0x1A8B0];
	v18 =	vadd.f32 $1.000000000e+00, v6;
	v19 =	vpop (erf);
	(erf) = vpow2.f32 v9  }
0xb4: {  	v11 =	vadd.f32 $-1.000000000e+00, v11;
	v9 =	vmul.f32 v19, v21;
	(erf) = vrcp.f32 v16;
	v12 =	vpop (erf)  }
0xb5: {  	v16 =	vld [tilespmem:$0x1A8C0];
	v19 =	vadd.f32 $1.000000000e+00, v12;
	v20 =	vpop (erf);
	(erf) = vrcp.f32 v18  }
0xb6: {  	v22 =	vadd.f32 $-1.000000000e+00, v13;
	v9 =	vmul.f32 v9, v10;
	v10 =	vmul.f32 v20, v11;
	v13 =	vpop (erf)  }
0xb7: {  	v8 =	vadd.f32 $-1.000000000e+00, v8;
	v18 =	vld [tilespmem:$0x1A8D0];
	v20 =	vadd.f32 $1.000000000e+00, v13;
	v21 =	vpop (erf);
	(erf) = vrcp.f32 v19  }
0xb8: {  	v7 =	vadd.f32 v9, v7;
	v9 =	vmul.f32 v10, v17;
	v22 =	vmul.f32 v21, v22;
	v11 =	vpop (erf)  }
0xb9: {  	v23 =	vadd.f32 $-1.000000000e+00, v14;
	v17 =	vld [tilespmem:$0x1A8E0];
	v19 =	vadd.f32 $1.000000000e+00, v11;
	v21 =	vpop (erf);
	(erf) = vrcp.f32 v20  }
0xba: {  	v7 =	vadd.f32 v9, v7;
	v9 =	vmul.f32 v22, v16;
	v8 =	vmul.f32 v21, v8;
	v10 =	vpop (erf)  }
0xbb: {  	v22 =	vadd.f32 $-1.000000000e+00, v15;
	v16 =	vld [tilespmem:$0x1A8F0];
	v20 =	vadd.f32 $1.000000000e+00, v10;
	v21 =	vpop (erf);
	(erf) = vrcp.f32 v19  }
0xbc: {  	v7 =	vadd.f32 v9, v7;
	v8 =	vmul.f32 v8, v18;
	v9 =	vmul.f32 v21, v23;
	v14 =	vpop (erf)  }
0xbd: {  	v6 =	vadd.f32 $-1.000000000e+00, v6;
	v18 =	vld [tilespmem:$0x1A900];
	v19 =	vadd.f32 $1.000000000e+00, v14;
	v21 =	vpop (erf);
	(erf) = vrcp.f32 v20  }
0xbe: {  	v7 =	vadd.f32 v8, v7;
	v8 =	vmul.f32 v9, v17;
	v21 =	vmul.f32 v21, v22;
	v15 =	vpop (erf)  }
0xbf: {  	v12 =	vadd.f32 $-1.000000000e+00, v12;
	v20 =	vadd.f32 $1.000000000e+00, v5;
	v17 =	vld [tilespmem:$0x1A910];
	(erf) = vrcp.f32 v19  }
0xc0: {  	v6 =	vmul.f32 v15, v6;
	v7 =	vadd.f32 v8, v7;
	v8 =	vmul.f32 v21, v16;
	v9 =	vpop (erf)  }
0xc1: {  	v13 =	vadd.f32 $-1.000000000e+00, v13;
	v16 =	vadd.f32 $1.000000000e+00, v4;
	v15 =	vld [tilespmem:$0x1A920];
	(erf) = vrcp.f32 v20  }
0xc2: {  	v7 =	vadd.f32 v8, v7;
	v6 =	vmul.f32 v6, v18;
	v8 =	vmul.f32 v9, v12;
	v9 =	vpop (erf)  }
0xc3: {  	v11 =	vadd.f32 $-1.000000000e+00, v11;
	v18 =	vadd.f32 $1.000000000e+00, v3;
	v12 =	vld [tilespmem:$0x1A930];
	(erf) = vrcp.f32 v16  }
0xc4: {  	v6 =	vadd.f32 v6, v7;
	v7 =	vmul.f32 v8, v17;
	v8 =	vmul.f32 v9, v13;
	v9 =	vpop (erf)  }
0xc5: {  	v10 =	vadd.f32 $-1.000000000e+00, v10;
	v16 =	vadd.f32 $1.000000000e+00, v2;
	v13 =	vld [tilespmem:$0x1A940];
	(erf) = vrcp.f32 v18  }
0xc6: {  	v6 =	vadd.f32 v7, v6;
	v7 =	vmul.f32 v8, v15;
	v8 =	vmul.f32 v9, v11;
	v9 =	vpop (erf)  }
0xc7: {  	v14 =	vadd.f32 $-1.000000000e+00, v14;
	v11 =	vld [tilespmem:$0x1A950];
	(erf) = vrcp.f32 v16  }
0xc8: {  	v6 =	vadd.f32 v7, v6;
	v7 =	vmul.f32 v8, v12;
	v8 =	vmul.f32 v9, v10;
	v9 =	vpop (erf)  }
0xc9: {  	v5 =	vadd.f32 $-1.000000000e+00, v5;
	v10 =	vld [tilespmem:$0x1A960]  }
0xca: {  	v6 =	vadd.f32 v7, v6;
	v7 =	vmul.f32 v8, v13;
	v13 =	vmul.f32 v9, v14;
	v9 =	vpop (erf)  }
0xcb: {  	v4 =	vadd.f32 $-1.000000000e+00, v4;
	v12 =	vld [tilespmem:$0x1A970]  }
0xcc: {  	v5 =	vmul.f32 v9, v5;
	v6 =	vadd.f32 v7, v6;
	v11 =	vmul.f32 v13, v11;
	v8 =	vpop (erf)  }
0xcd: {  	v3 =	vadd.f32 $-1.000000000e+00, v3;
	v9 =	vld [tilespmem:$0x1A980]  }
0xce: {  	v4 =	vmul.f32 v8, v4;
	v11 =	vadd.f32 v11, v6;
	v5 =	vmul.f32 v5, v10;
	v7 =	vpop (erf)  }
0xcf: {  	v2 =	vadd.f32 $-1.000000000e+00, v2;
	v8 =	vld [tilespmem:$0x1A990]  }
0xd0: {  	v3 =	vmul.f32 v7, v3;
	v5 =	vadd.f32 v5, v11;
	v4 =	vmul.f32 v4, v12;
	v6 =	vpop (erf);
	_ =	sdelay $0x1  }
0xd1: {  	v2 =	vmul.f32 v6, v2;
	v4 =	vadd.f32 v4, v5;
	v3 =	vmul.f32 v3, v9;
	_ =	sdelay $0x1  }
0xd2: {  	v3 =	vadd.f32 v3, v4;
	v2 =	vmul.f32 v2, v8;
	_ =	sdelay $0x1  }
0xd3: {  	v2 =	vadd.f32 v2, v3;
	_ =	sdelay $0x1  }
0xd4: {  	v2 =	vmul.f32 $5.961620210e-01, v2  }
0xd5: {  	s21 =	sadd.s32 $0x10, s21  }
0xd6: {  	[tilespmem:s21+$0x0] =	vst v2  }
0xd7: {  	v2 =	vld [tilespmem:$0x1A890]  }
0xd8: {  	v5 =	vld [tilespmem:$0x1A880]  }
0xd9: {  	v6 =	vld [tilespmem:$0x1A790]  }
0xda: {  	v9 =	vld [tilespmem:$0x1A870]  }
0xdb: {  	v3 =	vor.u32 s22, v0;
	v7 =	vld [tilespmem:$0x1A780]  }
0xdc: {  	v3 =	vcvt.s32.f32 v3;
	v15 =	vld [tilespmem:$0x1A860]  }
0xdd: {  	v10 =	vld [tilespmem:$0x1A770]  }
0xde: {  	v4 =	vmul.f32 $2.124023440e-02, v3;
	v3 =	vld [tilespmem:$0x1A850]  }
0xdf: {  	v14 =	vld [tilespmem:$0x1A760]  }
0xe0: {  	v12 =	vmul.f32 v6, v4;
	v8 =	vld [tilespmem:$0x1A840]  }
0xe1: {  	v11 =	vld [tilespmem:$0x1A750]  }
0xe2: {  	v7 =	vmul.f32 v7, v4;
	v2 =	vadd.f32 v2, v12;
	v6 =	vld [tilespmem:$0x1A830]  }
0xe3: {  	v13 =	vld [tilespmem:$0x1A740]  }
0xe4: {  	v10 =	vmul.f32 v10, v4;
	v5 =	vadd.f32 v5, v7;
	v7 =	vmax.f32 v2, $-2.000000000e+01;
	v12 =	vld [tilespmem:$0x1A730]  }
0xe5: {  	v16 =	vmin.f32 v7, $2.000000000e+01;
	v2 =	vld [tilespmem:$0x1A720]  }
0xe6: {  	v17 =	vmul.f32 v14, v4;
	v9 =	vadd.f32 v9, v10;
	v5 =	vmax.f32 v5, $-2.000000000e+01;
	v7 =	vld [tilespmem:$0x1A800]  }
.Ltmp0:
0xe7: {  	v16 =	vadd.f32 v16, v16;
	v5 =	vmin.f32 v5, $2.000000000e+01;
	v10 =	vld [tilespmem:$0x1A710];
	(pc) =	sbr.rel @p0 .LBB2_2-.Ltmp0, $4  }
0xe8: {  	v15 =	vadd.f32 v15, v17;
	v17 =	vmax.f32 v9, $-2.000000000e+01;
	v18 =	vadd.f32 v5, v5;
	v14 =	vld [tilespmem:$0x1A700]  }
0xe9: {  	v19 =	vmul.f32 $1.442695020e+00, v16;
	v17 =	vmin.f32 v17, $2.000000000e+01;
	v9 =	vld [tilespmem:$0x1A6F0]  }
0xea: {  	v20 =	vmax.f32 v15, $-2.000000000e+01;
	v16 =	vadd.f32 v17, v17;
	v17 =	vmul.f32 $1.442695020e+00, v18;
	v5 =	vld [tilespmem:$0x1A7D0]  }
0xeb: {  	s22 =	sadd.s32 $0x10, s22;
	v18 =	vmin.f32 v20, $2.000000000e+01;
	v15 =	vld [tilespmem:$0x1A6A0];
	(erf) = vpow2.f32 v19  }
0xec: {  	v19 =	vld [tilespmem:$0x1A7A0]  }
0xed: {  	v16 =	vmul.f32 $1.442695020e+00, v16;
	v58 =	vld [tilespmem:$0x1A6B0]  }
0xee: {  	(erf) = vpow2.f32 v17;
	v11 =	vmul.f32 v11, v4;
	v20 =	vld [tilespmem:$0x1A7B0]  }
0xef: {  	v13 =	vmul.f32 v13, v4;
	v12 =	vmul.f32 v12, v4;
	v21 =	vld [tilespmem:$0x1A6C0]  }
0xf0: {  	v59 =	vld [tilespmem:$0x1A6D0];
	v10 =	vmul.f32 v10, v4;
	v3 =	vadd.f32 v3, v11;
	v11 =	vmul.f32 v15, v4  }
0xf1: {  	v18 =	vadd.f32 v18, v18;
	v60 =	vld [tilespmem:$0x1A7C0];
	v63 =	vmul.f32 v2, v4;
	v14 =	vmul.f32 v14, v4  }
0xf2: {  	v61 =	vmax.f32 v3, $-2.000000000e+01;
	v3 =	vadd.f32 v19, v11;
	v11 =	vmul.f32 v58, v4  }
0xf3: {  	v62 =	vld [tilespmem:$0x1A6E0];
	v18 =	vmul.f32 $1.442695020e+00, v18;
	v8 =	vadd.f32 v8, v13;
	(erf) = vpow2.f32 v16  }
0xf4: {  	v2 =	vmax.f32 v3, $-2.000000000e+01;
	v3 =	vadd.f32 v20, v11;
	v11 =	vmul.f32 v21, v4  }
0xf5: {  	v6 =	vadd.f32 v6, v12;
	v9 =	vmul.f32 v9, v4;
	v13 =	vmul.f32 v59, v4  }
0xf6: {  	v7 =	vadd.f32 v7, v14;
	v21 =	vld [tilespmem:$0x1A7E0];
	v2 =	vmin.f32 v2, $2.000000000e+01;
	v11 =	vadd.f32 v60, v11  }
0xf7: {  	v22 =	vld [tilespmem:$0x1A7F0];
	v5 =	vadd.f32 v5, v13;
	v2 =	vadd.f32 v2, v2;
	v3 =	vmax.f32 v3, $-2.000000000e+01  }
0xf8: {  	v4 =	vmul.f32 v62, v4;
	v3 =	vmin.f32 v3, $2.000000000e+01;
	v11 =	vmax.f32 v11, $-2.000000000e+01  }
0xf9: {  	v2 =	vmul.f32 $1.442695020e+00, v2;
	v3 =	vadd.f32 v3, v3;
	v11 =	vmin.f32 v11, $2.000000000e+01  }
0xfa: {  	(erf) = vpow2.f32 v18;
	v5 =	vmax.f32 v5, $-2.000000000e+01;
	v11 =	vadd.f32 v11, v11  }
0xfb: {  	v23 =	vld [tilespmem:$0x1A810];
	v4 =	vadd.f32 v21, v4;
	v3 =	vmul.f32 $1.442695020e+00, v3;
	(erf) = vpow2.f32 v2  }
0xfc: {  	v2 =	vmin.f32 v5, $2.000000000e+01;
	v5 =	vadd.f32 v22, v9;
	v9 =	vmul.f32 $1.442695020e+00, v11;
	v11 =	vld [tilespmem:$0x1A820]  }
0xfd: {  	v8 =	vmax.f32 v8, $-2.000000000e+01;
	v4 =	vmax.f32 v4, $-2.000000000e+01;
	v2 =	vadd.f32 v2, v2  }
0xfe: {  	(erf) = vpow2.f32 v3;
	v3 =	vmin.f32 v4, $2.000000000e+01;
	v4 =	vmax.f32 v5, $-2.000000000e+01  }
0xff: {  	v5 =	vmax.f32 v7, $-2.000000000e+01;
	v7 =	vmul.f32 $1.442695020e+00, v2;
	v24 =	vadd.f32 v3, v3  }
0x100: {  	v4 =	vmin.f32 v4, $2.000000000e+01;
	v5 =	vmin.f32 v5, $2.000000000e+01;
	(erf) = vpow2.f32 v9  }
0x101: {  	v9 =	vadd.f32 v23, v10;
	v2 =	vpop (erf);
	v10 =	vmul.f32 $1.442695020e+00, v24;
	v11 =	vadd.f32 v11, v63  }
0x102: {  	v6 =	vmax.f32 v6, $-2.000000000e+01;
	v25 =	vadd.f32 v4, v4;
	(erf) = vpow2.f32 v7;
	v3 =	vpop (erf)  }
0x103: {  	v7 =	vadd.f32 v5, v5;
	v9 =	vmax.f32 v9, $-2.000000000e+01;
	v4 =	vpop (erf);
	(erf) = vpow2.f32 v10  }
0x104: {  	v6 =	vmin.f32 v6, $2.000000000e+01;
	v12 =	vmul.f32 $1.442695020e+00, v25;
	v9 =	vmin.f32 v9, $2.000000000e+01;
	v5 =	vpop (erf)  }
0x105: {  	v7 =	vmul.f32 $1.442695020e+00, v7;
	v9 =	vadd.f32 v9, v9;
	v10 =	vmax.f32 v11, $-2.000000000e+01;
	v11 =	vpop (erf)  }
0x106: {  	(erf) = vpow2.f32 v12;
	v10 =	vmin.f32 v10, $2.000000000e+01;
	v26 =	vadd.f32 $1.000000000e+00, v11  }
0x107: {  	(erf) = vpow2.f32 v7;
	v9 =	vmul.f32 $1.442695020e+00, v9;
	v10 =	vadd.f32 v10, v10;
	v27 =	vpop (erf)  }
0x108: {  	v8 =	vmin.f32 v8, $2.000000000e+01;
	v7 =	vadd.f32 $1.000000000e+00, v27;
	(erf) = vrcp.f32 v26  }
0x109: {  	v6 =	vadd.f32 v6, v6;
	v10 =	vmul.f32 $1.442695020e+00, v10;
	v28 =	vpop (erf);
	(erf) = vpow2.f32 v9  }
0x10a: {  	v9 =	vadd.f32 $1.000000000e+00, v28;
	(erf) = vrcp.f32 v7  }
0x10b: {  	v6 =	vmul.f32 $1.442695020e+00, v6;
	v7 =	vadd.f32 v8, v8;
	v8 =	vpop (erf);
	(erf) = vpow2.f32 v10  }
0x10c: {  	v30 =	vpop (erf);
	(erf) = vrcp.f32 v9  }
0x10d: {  	v10 =	vadd.f32 $1.000000000e+00, v8;
	(erf) = vpow2.f32 v6;
	v6 =	vadd.f32 $1.000000000e+00, v30  }
0x10e: {  	v29 =	vmin.f32 v61, $2.000000000e+01;
	v7 =	vmul.f32 $1.442695020e+00, v7  }
0x10f: {  	v9 =	vadd.f32 v29, v29;
	(erf) = vrcp.f32 v10  }
0x110: {  	v31 =	vpop (erf);
	v10 =	vld [tilespmem:$0x1A8A0];
	(erf) = vpow2.f32 v7  }
0x111: {  	v33 =	vld [tilespmem:$0x1A8B0];
	v11 =	vadd.f32 $-1.000000000e+00, v11;
	v9 =	vmul.f32 $1.442695020e+00, v9;
	(erf) = vrcp.f32 v6;
	v6 =	vpop (erf)  }
0x112: {  	v32 =	vadd.f32 $1.000000000e+00, v31;
	v7 =	vld [tilespmem:$0x1A9A0];
	v35 =	vpop (erf)  }
0x113: {  	(erf) = vpow2.f32 v9;
	v9 =	vmul.f32 v35, v11;
	v11 =	vadd.f32 $-1.000000000e+00, v27;
	v36 =	vpop (erf)  }
0x114: {  	(erf) = vrcp.f32 v32;
	v39 =	vpop (erf)  }
0x115: {  	v9 =	vmul.f32 v9, v10;
	v10 =	vmul.f32 v39, v11;
	v11 =	vadd.f32 $-1.000000000e+00, v28;
	v40 =	vpop (erf)  }
0x116: {  	v37 =	vld [tilespmem:$0x1A8C0];
	v34 =	vadd.f32 $1.000000000e+00, v6;
	v43 =	vpop (erf)  }
0x117: {  	v7 =	vadd.f32 v9, v7;
	v9 =	vmul.f32 v10, v33;
	v10 =	vmul.f32 v43, v11  }
0x118: {  	v41 =	vld [tilespmem:$0x1A8D0];
	v38 =	vadd.f32 $1.000000000e+00, v36;
	(erf) = vrcp.f32 v34  }
0x119: {  	v8 =	vadd.f32 $-1.000000000e+00, v8;
	v11 =	vpop (erf)  }
0x11a: {  	v44 =	vld [tilespmem:$0x1A8E0];
	v14 =	vadd.f32 $-1.000000000e+00, v30;
	v42 =	vadd.f32 $1.000000000e+00, v40;
	(erf) = vrcp.f32 v38;
	v46 =	vpop (erf)  }
0x11b: {  	v7 =	vadd.f32 v9, v7;
	v9 =	vmul.f32 v10, v37;
	v8 =	vmul.f32 v46, v8;
	v10 =	vpop (erf)  }
0x11c: {  	v15 =	vadd.f32 $-1.000000000e+00, v31;
	(erf) = vrcp.f32 v42;
	v45 =	vadd.f32 $1.000000000e+00, v11;
	v49 =	vpop (erf)  }
0x11d: {  	v47 =	vld [tilespmem:$0x1A8F0];
	v7 =	vadd.f32 v9, v7;
	v8 =	vmul.f32 v8, v41;
	v9 =	vmul.f32 v49, v14;
	v50 =	vpop (erf)  }
0x11e: {  	v48 =	vadd.f32 $1.000000000e+00, v10;
	(erf) = vrcp.f32 v45;
	v52 =	vadd.f32 $1.000000000e+00, v50;
	v53 =	vpop (erf)  }
0x11f: {  	v51 =	vld [tilespmem:$0x1A900];
	v7 =	vadd.f32 v8, v7;
	v8 =	vmul.f32 v9, v44;
	v9 =	vmul.f32 v53, v15  }
0x120: {  	v6 =	vadd.f32 $-1.000000000e+00, v6;
	(erf) = vrcp.f32 v48  }
0x121: {  	v55 =	vld [tilespmem:$0x1A910];
	v12 =	vadd.f32 $-1.000000000e+00, v36;
	v54 =	vpop (erf);
	(erf) = vrcp.f32 v52  }
0x122: {  	v6 =	vmul.f32 v54, v6;
	v7 =	vadd.f32 v8, v7;
	v8 =	vmul.f32 v9, v47  }
0x123: {  	v57 =	vld [tilespmem:$0x1A920];
	v56 =	vadd.f32 $1.000000000e+00, v5;
	v13 =	vadd.f32 $-1.000000000e+00, v40;
	v9 =	vpop (erf)  }
0x124: {  	v6 =	vmul.f32 v6, v51;
	v7 =	vadd.f32 v8, v7;
	v8 =	vmul.f32 v9, v12  }
0x125: {  	v59 =	vld [tilespmem:$0x1A930];
	v58 =	vadd.f32 $1.000000000e+00, v4;
	v11 =	vadd.f32 $-1.000000000e+00, v11;
	(erf) = vrcp.f32 v56;
	v9 =	vpop (erf)  }
0x126: {  	v6 =	vadd.f32 v6, v7;
	v7 =	vmul.f32 v8, v55;
	v8 =	vmul.f32 v9, v13  }
0x127: {  	v61 =	vld [tilespmem:$0x1A940];
	v60 =	vadd.f32 $1.000000000e+00, v3;
	v10 =	vadd.f32 $-1.000000000e+00, v10;
	(erf) = vrcp.f32 v58;
	v9 =	vpop (erf)  }
0x128: {  	v6 =	vadd.f32 v7, v6;
	v7 =	vmul.f32 v8, v57;
	v8 =	vmul.f32 v9, v11  }
0x129: {  	v62 =	vadd.f32 $1.000000000e+00, v2;
	v14 =	vadd.f32 $-1.000000000e+00, v50;
	(erf) = vrcp.f32 v60;
	v9 =	vpop (erf);
	v11 =	vld [tilespmem:$0x1A950]  }
0x12a: {  	v6 =	vadd.f32 v7, v6;
	v7 =	vmul.f32 v8, v59;
	v8 =	vmul.f32 v9, v10  }
0x12b: {  	(erf) = vrcp.f32 v62;
	v9 =	vpop (erf)  }
0x12c: {  	v10 =	vld [tilespmem:$0x1A960];
	v6 =	vadd.f32 v7, v6;
	v7 =	vmul.f32 v8, v61;
	v8 =	vmul.f32 v9, v14  }
0x12d: {  	v5 =	vadd.f32 $-1.000000000e+00, v5  }
0x12e: {  	v63 =	vld [tilespmem:$0x1A970];
	v9 =	vpop (erf);
	v6 =	vadd.f32 v7, v6;
	v7 =	vmul.f32 v8, v11  }
0x12f: {  	v4 =	vadd.f32 $-1.000000000e+00, v4;
	v5 =	vmul.f32 v9, v5  }
0x130: {  	v9 =	vld [tilespmem:$0x1A980];
	v8 =	vpop (erf);
	v6 =	vadd.f32 v7, v6  }
0x131: {  	v3 =	vadd.f32 $-1.000000000e+00, v3;
	v5 =	vmul.f32 v5, v10;
	v4 =	vmul.f32 v8, v4  }
0x132: {  	v2 =	vadd.f32 $-1.000000000e+00, v2;
	v8 =	vld [tilespmem:$0x1A990];
	v7 =	vpop (erf)  }
0x133: {  	v5 =	vadd.f32 v5, v6;
	v4 =	vmul.f32 v4, v63;
	v3 =	vmul.f32 v7, v3  }
0x134: {  	v6 =	vpop (erf)  }
0x135: {  	v4 =	vadd.f32 v4, v5;
	v3 =	vmul.f32 v3, v9;
	v2 =	vmul.f32 v6, v2;
	_ =	sdelay $0x1  }
0x136: {  	v3 =	vadd.f32 v3, v4;
	v2 =	vmul.f32 v2, v8;
	_ =	sdelay $0x1  }
0x137: {  	v2 =	vadd.f32 v2, v3;
	_ =	sdelay $0x1  }
0x138: {  	v2 =	vmul.f32 $5.961620210e-01, v2  }
0x139: {  	s21 =	sadd.s32 $0x10, s21  }
0x13a: {  	[tilespmem:s21+$0x0] =	vst v2  }
0x13b: {  	v2 =	vld [tilespmem:$0x1A9B0]  }
0x13c: {  	v3 =	vld [tilespmem:$0x1A9C0]  }
0x13d: {  	v4 =	vld [tilespmem:$0x1A9D0]  }
0x13e: {  	v5 =	vld [tilespmem:$0x1A9E0]  }
0x13f: {  	v6 =	vld [tilespmem:$0x1A9F0]  }
0x140: {  	v7 =	vld [tilespmem:$0x1AA00]  }
0x141: {  	v8 =	vld [tilespmem:$0x1AA10]  }
0x142: {  	v9 =	vld [tilespmem:$0x1AA20]  }
0x143: {  	s22 =	simm.s32 $0x0;
	v11 =	vimm.f32 $0.0e+00;
	s21 =	simm.s32 $0x0;
	v10 =	vld [tilespmem:$0x1AA30]  }
.LBB2_4:
0x144: {  	s23 =	smul.u32 $0x7D0, s22;
	_ =	sdelay $0x1  }
0x145: {  	s23 =	sadd.s32 s7, s23  }
0x146: {  	s24 =	sadd.s32 s4, s23  }
0x147: {  	[tilespmem:s12], [sflag:$0x2] =	stream.linear.gather [hbm4b:s24+s21], $0x3E80, $0x38;
	[tilespmem:$0x1AAB0] =	vst v63  }
0x148: {  	v12 =	vmov s21;
	_ =	swait.ge [sflag:s11], $0x3E80  }
0x149: {  	v12 =	vshll.u32 v12, $0x3;
	[sflag:s11] =	ssyncset.done $0x0  }
0x14a: {  	v12 =	vor.u32 v1, v12;
	s23 =	sadd.s32 s5, s23;
	[sflag:s11] =	ssyncadd.s32 $0xFFFFC180  }
0x14b: {  	[tilespmem:s13], [sflag:$0x2] =	stream.linear.gather [hbm4b:s23+s21], $0x3E80, $0x38;
	[tilespmem:$0x1AAB0] =	vst v63  }
0x14c: {  	_ =	swait.ge [sflag:s11], $0x3E80  }
0x14d: {  	[sflag:s11] =	ssyncset.done $0x0  }
0x14e: {  	[sflag:s11] =	ssyncadd.s32 $0xFFFFC180  }
0x14f: {  	v13 =	vld.idx.msk [tilespmem:v12+s12+$0x0], $0xffff  }
0x150: {  	v12 =	vor.u32 $0x1, v12;
	_ =	sdelay $0x2  }
0x151: {  	s25 =	simm.s32 $0x10;
	s24 =	simm.s32 $0x9D00  }
0x152: {  	[tilespmem:s24+$0x0] =	vst v13;
	v13 =	vmov s25  }
0x153: {  	v12 =	vld.idx.msk [tilespmem:v12+s12+$0x0], $0xffff;
	v13 =	vshll.u32 v13, $0x3  }
0x154: {  	v13 =	vor.u32 v1, v13;
	_ =	sdelay $0x2  }
0x155: {  	s23 =	simm.s32 $0xA4D0  }
0x156: {  	[tilespmem:s23+$0x0] =	vst v12  }
0x157: {  	v12 =	vld.idx.msk [tilespmem:v13+s12+$0x0], $0xffff  }
0x158: {  	v14 =	vor.u32 $0x1, v13;
	_ =	sdelay $0x2  }
0x159: {  	s24 =	simm.s32 $0x9D10  }
0x15a: {  	s25 =	simm.s32 $0x20;
	[tilespmem:s24+$0x0] =	vst v12  }
0x15b: {  	v13 =	vmov s25;
	s25 =	simm.s32 $0x30;
	v12 =	vld.idx.msk [tilespmem:v14+s12+$0x0], $0xffff  }
.LBB2_5:
0x15c: {  	p0 =	sne.s32 s25, $0x7C0;
	v13 =	vshll.u32 v13, $0x3  }
0x15d: {  	v13 =	vor.u32 v1, v13;
	_ =	sdelay $0x2  }
0x15e: {  	s23 =	sadd.s32 $0x10, s23  }
0x15f: {  	[tilespmem:s23+$0x0] =	vst v12  }
0x160: {  	v12 =	vld.idx.msk [tilespmem:v13+s12+$0x0], $0xffff;
	_ =	sdelay $0x1  }
0x161: {  	v14 =	vor.u32 $0x1, v13  }
.Ltmp1:
0x162: {  	(pc) =	sbr.rel @p0 .LBB2_5-.Ltmp1, $4  }
0x163: {  	_ = 	snop  }
0x164: {  	s24 =	sadd.s32 $0x10, s24  }
0x165: {  	[tilespmem:s24+$0x0] =	vst v12  }
0x166: {  	v13 =	vmov s25;
	s25 =	sadd.s32 $0x10, s25;
	v12 =	vld.idx.msk [tilespmem:v14+s12+$0x0], $0xffff  }
0x167: {  	v13 =	vshll.u32 v13, $0x3  }
0x168: {  	v13 =	vor.u32 v1, v13;
	_ =	sdelay $0x2  }
0x169: {  	s23 =	sadd.s32 $0x10, s23  }
0x16a: {  	[tilespmem:s23+$0x0] =	vst v12  }
0x16b: {  	v12 =	vld.idx.msk [tilespmem:v13+s12+$0x0], $0xffff  }
0x16c: {  	v13 =	vor.u32 $0x1, v13;
	_ =	sdelay $0x2  }
0x16d: {  	s24 =	sadd.s32 $0x10, s24  }
0x16e: {  	[tilespmem:s24+$0x0] =	vst v12  }
0x16f: {  	v12 =	vld.idx.msk [tilespmem:v13+s12+$0x0], $0xffff;
	_ =	sdelay $0x3  }
0x170: {  	s23 =	sadd.s32 $0x10, s23  }
0x171: {  	s24 =	simm.s32 $0x9D00;
	[tilespmem:s23+$0x0] =	vst v12  }
0x172: {  	[tilespmem:s16], [sflag:$0x1] =	stream.indirect.gather [hbm4b:s3+s14], $0x10, s24, s14, $0xb8;
	[tilespmem:$0x1AAB0] =	vst v63  }
0x173: {  	s25 =	simm.s32 $0xA4D0  }
0x174: {  	[tilespmem:s18], [sflag:$0x1] =	stream.indirect.gather [hbm4b:s3+s14], $0x10, s25, s14, $0xb8;
	[tilespmem:$0x1AAB0] =	vst v63  }
0x175: {  	s24 =	simm.s32 $0x9D80;
	s25 =	simm.s32 $0xB4A0  }
0x176: {  	[tilespmem:s25], [sflag:$0x1] =	stream.indirect.gather [hbm4b:s3+s14], $0x10, s24, s14, $0xb8;
	[tilespmem:$0x1AAB0] =	vst v63  }
0x177: {  	s24 =	simm.s32 $0xA550;
	s25 =	simm.s32 $0x131A0  }
0x178: {  	[tilespmem:s25], [sflag:$0x1] =	stream.indirect.gather [hbm4b:s3+s14], $0x10, s24, s14, $0xb8;
	[tilespmem:$0x1AAB0] =	vst v63  }
0x179: {  	s24 =	simm.s32 $0x9E00;
	s25 =	simm.s32 $0xBCA0  }
0x17a: {  	[tilespmem:s25], [sflag:$0x1] =	stream.indirect.gather [hbm4b:s3+s14], $0x10, s24, s14, $0xb8;
	[tilespmem:$0x1AAB0] =	vst v63  }
0x17b: {  	s24 =	simm.s32 $0xA5D0;
	s25 =	simm.s32 $0x139A0  }
0x17c: {  	[tilespmem:s25], [sflag:$0x1] =	stream.indirect.gather [hbm4b:s3+s14], $0x10, s24, s14, $0xb8;
	[tilespmem:$0x1AAB0] =	vst v63  }
0x17d: {  	s24 =	simm.s32 $0x9E80;
	s25 =	simm.s32 $0xC4A0  }
0x17e: {  	[tilespmem:s25], [sflag:$0x1] =	stream.indirect.gather [hbm4b:s3+s14], $0x10, s24, s14, $0xb8;
	[tilespmem:$0x1AAB0] =	vst v63  }
0x17f: {  	s24 =	simm.s32 $0xA650;
	s25 =	simm.s32 $0x141A0  }
0x180: {  	[tilespmem:s25], [sflag:$0x1] =	stream.indirect.gather [hbm4b:s3+s14], $0x10, s24, s14, $0xb8;
	[tilespmem:$0x1AAB0] =	vst v63  }
0x181: {  	s24 =	simm.s32 $0x9F00;
	s25 =	simm.s32 $0xCCA0  }
0x182: {  	[tilespmem:s25], [sflag:$0x1] =	stream.indirect.gather [hbm4b:s3+s14], $0x10, s24, s14, $0xb8;
	[tilespmem:$0x1AAB0] =	vst v63  }
0x183: {  	s24 =	simm.s32 $0xA6D0;
	s25 =	simm.s32 $0x149A0  }
0x184: {  	[tilespmem:s25], [sflag:$0x1] =	stream.indirect.gather [hbm4b:s3+s14], $0x10, s24, s14, $0xb8;
	[tilespmem:$0x1AAB0] =	vst v63  }
0x185: {  	s24 =	simm.s32 $0x9F80;
	s25 =	simm.s32 $0xD4A0  }
0x186: {  	[tilespmem:s25], [sflag:$0x1] =	stream.indirect.gather [hbm4b:s3+s14], $0x10, s24, s14, $0xb8;
	[tilespmem:$0x1AAB0] =	vst v63  }
0x187: {  	s24 =	simm.s32 $0xA750;
	s25 =	simm.s32 $0x151A0  }
0x188: {  	[tilespmem:s25], [sflag:$0x1] =	stream.indirect.gather [hbm4b:s3+s14], $0x10, s24, s14, $0xb8;
	[tilespmem:$0x1AAB0] =	vst v63  }
0x189: {  	s24 =	simm.s32 $0xA000;
	s25 =	simm.s32 $0xDCA0  }
0x18a: {  	[tilespmem:s25], [sflag:$0x1] =	stream.indirect.gather [hbm4b:s3+s14], $0x10, s24, s14, $0xb8;
	[tilespmem:$0x1AAB0] =	vst v63  }
0x18b: {  	s24 =	simm.s32 $0xA7D0;
	s25 =	simm.s32 $0x159A0  }
0x18c: {  	[tilespmem:s25], [sflag:$0x1] =	stream.indirect.gather [hbm4b:s3+s14], $0x10, s24, s14, $0xb8;
	[tilespmem:$0x1AAB0] =	vst v63  }
0x18d: {  	s24 =	simm.s32 $0xA080;
	s25 =	simm.s32 $0xE4A0  }
0x18e: {  	[tilespmem:s25], [sflag:$0x1] =	stream.indirect.gather [hbm4b:s3+s14], $0x10, s24, s14, $0xb8;
	[tilespmem:$0x1AAB0] =	vst v63  }
0x18f: {  	s24 =	simm.s32 $0xA850;
	s25 =	simm.s32 $0x161A0  }
0x190: {  	[tilespmem:s25], [sflag:$0x1] =	stream.indirect.gather [hbm4b:s3+s14], $0x10, s24, s14, $0xb8;
	[tilespmem:$0x1AAB0] =	vst v63  }
0x191: {  	s24 =	simm.s32 $0xA100;
	s25 =	simm.s32 $0xECA0  }
0x192: {  	[tilespmem:s25], [sflag:$0x1] =	stream.indirect.gather [hbm4b:s3+s14], $0x10, s24, s14, $0xb8;
	[tilespmem:$0x1AAB0] =	vst v63  }
0x193: {  	s24 =	simm.s32 $0xA8D0;
	s25 =	simm.s32 $0x169A0  }
0x194: {  	[tilespmem:s25], [sflag:$0x1] =	stream.indirect.gather [hbm4b:s3+s14], $0x10, s24, s14, $0xb8;
	[tilespmem:$0x1AAB0] =	vst v63  }
0x195: {  	s24 =	simm.s32 $0xA180;
	s25 =	simm.s32 $0xF4A0  }
0x196: {  	[tilespmem:s25], [sflag:$0x1] =	stream.indirect.gather [hbm4b:s3+s14], $0x10, s24, s14, $0xb8;
	[tilespmem:$0x1AAB0] =	vst v63  }
0x197: {  	s24 =	simm.s32 $0xA950;
	s25 =	simm.s32 $0x171A0  }
0x198: {  	[tilespmem:s25], [sflag:$0x1] =	stream.indirect.gather [hbm4b:s3+s14], $0x10, s24, s14, $0xb8;
	[tilespmem:$0x1AAB0] =	vst v63  }
0x199: {  	s24 =	simm.s32 $0xA200;
	s25 =	simm.s32 $0xFCA0  }
0x19a: {  	[tilespmem:s25], [sflag:$0x1] =	stream.indirect.gather [hbm4b:s3+s14], $0x10, s24, s14, $0xb8;
	[tilespmem:$0x1AAB0] =	vst v63  }
0x19b: {  	s24 =	simm.s32 $0xA9D0;
	s25 =	simm.s32 $0x179A0  }
0x19c: {  	[tilespmem:s25], [sflag:$0x1] =	stream.indirect.gather [hbm4b:s3+s14], $0x10, s24, s14, $0xb8;
	[tilespmem:$0x1AAB0] =	vst v63  }
0x19d: {  	s24 =	simm.s32 $0xA280;
	s25 =	simm.s32 $0x104A0  }
0x19e: {  	[tilespmem:s25], [sflag:$0x1] =	stream.indirect.gather [hbm4b:s3+s14], $0x10, s24, s14, $0xb8;
	[tilespmem:$0x1AAB0] =	vst v63  }
0x19f: {  	s24 =	simm.s32 $0xAA50;
	s25 =	simm.s32 $0x181A0  }
0x1a0: {  	[tilespmem:s25], [sflag:$0x1] =	stream.indirect.gather [hbm4b:s3+s14], $0x10, s24, s14, $0xb8;
	[tilespmem:$0x1AAB0] =	vst v63  }
0x1a1: {  	s24 =	simm.s32 $0xA300;
	s25 =	simm.s32 $0x10CA0  }
0x1a2: {  	[tilespmem:s25], [sflag:$0x1] =	stream.indirect.gather [hbm4b:s3+s14], $0x10, s24, s14, $0xb8;
	[tilespmem:$0x1AAB0] =	vst v63  }
0x1a3: {  	s25 =	simm.s32 $0xAAD0  }
0x1a4: {  	[tilespmem:s26], [sflag:$0x1] =	stream.indirect.gather [hbm4b:s3+s14], $0x10, s25, s14, $0xb8;
	[tilespmem:$0x1AAB0] =	vst v63  }
0x1a5: {  	_ = 	snop  }
0x1a6: {  	[tilespmem:s29], [sflag:$0x1] =	stream.indirect.gather [hbm4b:s3+s14], $0x10, s28, s14, $0xb8;
	[tilespmem:$0x1AAB0] =	vst v63  }
0x1a7: {  	_ = 	snop  }
0x1a8: {  	[tilespmem:s31], [sflag:$0x1] =	stream.indirect.gather [hbm4b:s3+s14], $0x10, s30, s14, $0xb8;
	[tilespmem:$0x1AAB0] =	vst v63  }
0x1a9: {  	_ = 	snop  }
0x1aa: {  	[tilespmem:s2], [sflag:$0x1] =	stream.indirect.gather [hbm4b:s3+s14], $0x10, s0, s14, $0xb8;
	[tilespmem:$0x1AAB0] =	vst v63  }
0x1ab: {  	_ = 	snop  }
0x1ac: {  	[tilespmem:s6], [sflag:$0x1] =	stream.indirect.gather [hbm4b:s3+s14], $0x10, s10, s14, $0xb8;
	[tilespmem:$0x1AAB0] =	vst v63  }
0x1ad: {  	_ = 	snop  }
0x1ae: {  	[tilespmem:s15], [sflag:$0x1] =	stream.indirect.gather [hbm4b:s3+s8], $0x10, s9, s8, $0xb8;
	[tilespmem:$0x1AAB0] =	vst v63  }
0x1af: {  	_ = 	snop  }
0x1b0: {  	[tilespmem:s19], [sflag:$0x1] =	stream.indirect.gather [hbm4b:s3+s8], $0x10, s17, s8, $0xb8;
	[tilespmem:$0x1AAB0] =	vst v63  }
0x1b1: {  	_ =	swait.ge [sflag:s20], $0x800  }
0x1b2: {  	[sflag:s20] =	ssyncset.done $0x0  }
0x1b3: {  	[sflag:s20] =	ssyncadd.s32 $0xFFFFF800  }
0x1b4: {  	_ =	swait.ge [sflag:s20], $0x800  }
0x1b5: {  	[sflag:s20] =	ssyncset.done $0x0  }
0x1b6: {  	[sflag:s20] =	ssyncadd.s32 $0xFFFFF800  }
0x1b7: {  	_ =	swait.ge [sflag:s20], $0x800  }
0x1b8: {  	[sflag:s20] =	ssyncset.done $0x0  }
0x1b9: {  	[sflag:s20] =	ssyncadd.s32 $0xFFFFF800  }
0x1ba: {  	_ =	swait.ge [sflag:s20], $0x800  }
0x1bb: {  	[sflag:s20] =	ssyncset.done $0x0  }
0x1bc: {  	[sflag:s20] =	ssyncadd.s32 $0xFFFFF800  }
0x1bd: {  	_ =	swait.ge [sflag:s20], $0x800  }
0x1be: {  	[sflag:s20] =	ssyncset.done $0x0  }
0x1bf: {  	[sflag:s20] =	ssyncadd.s32 $0xFFFFF800  }
0x1c0: {  	_ =	swait.ge [sflag:s20], $0x800  }
0x1c1: {  	[sflag:s20] =	ssyncset.done $0x0  }
0x1c2: {  	[sflag:s20] =	ssyncadd.s32 $0xFFFFF800  }
0x1c3: {  	_ =	swait.ge [sflag:s20], $0x800  }
0x1c4: {  	[sflag:s20] =	ssyncset.done $0x0  }
0x1c5: {  	[sflag:s20] =	ssyncadd.s32 $0xFFFFF800  }
0x1c6: {  	_ =	swait.ge [sflag:s20], $0x800  }
0x1c7: {  	[sflag:s20] =	ssyncset.done $0x0  }
0x1c8: {  	[sflag:s20] =	ssyncadd.s32 $0xFFFFF800  }
0x1c9: {  	_ =	swait.ge [sflag:s20], $0x800  }
0x1ca: {  	[sflag:s20] =	ssyncset.done $0x0  }
0x1cb: {  	[sflag:s20] =	ssyncadd.s32 $0xFFFFF800  }
0x1cc: {  	_ =	swait.ge [sflag:s20], $0x800  }
0x1cd: {  	[sflag:s20] =	ssyncset.done $0x0  }
0x1ce: {  	[sflag:s20] =	ssyncadd.s32 $0xFFFFF800  }
0x1cf: {  	_ =	swait.ge [sflag:s20], $0x800  }
0x1d0: {  	[sflag:s20] =	ssyncset.done $0x0  }
0x1d1: {  	[sflag:s20] =	ssyncadd.s32 $0xFFFFF800  }
0x1d2: {  	_ =	swait.ge [sflag:s20], $0x800  }
0x1d3: {  	[sflag:s20] =	ssyncset.done $0x0  }
0x1d4: {  	[sflag:s20] =	ssyncadd.s32 $0xFFFFF800  }
0x1d5: {  	_ =	swait.ge [sflag:s20], $0x800  }
0x1d6: {  	[sflag:s20] =	ssyncset.done $0x0  }
0x1d7: {  	[sflag:s20] =	ssyncadd.s32 $0xFFFFF800  }
0x1d8: {  	_ =	swait.ge [sflag:s20], $0x800  }
0x1d9: {  	[sflag:s20] =	ssyncset.done $0x0  }
0x1da: {  	[sflag:s20] =	ssyncadd.s32 $0xFFFFF800  }
0x1db: {  	_ =	swait.ge [sflag:s20], $0x800  }
0x1dc: {  	[sflag:s20] =	ssyncset.done $0x0  }
0x1dd: {  	[sflag:s20] =	ssyncadd.s32 $0xFFFFF800  }
0x1de: {  	_ =	swait.ge [sflag:s20], $0x800  }
0x1df: {  	[sflag:s20] =	ssyncset.done $0x0  }
0x1e0: {  	[sflag:s20] =	ssyncadd.s32 $0xFFFFF800  }
0x1e1: {  	_ =	swait.ge [sflag:s20], $0x800  }
0x1e2: {  	[sflag:s20] =	ssyncset.done $0x0  }
0x1e3: {  	[sflag:s20] =	ssyncadd.s32 $0xFFFFF800  }
0x1e4: {  	_ =	swait.ge [sflag:s20], $0x800  }
0x1e5: {  	[sflag:s20] =	ssyncset.done $0x0  }
0x1e6: {  	[sflag:s20] =	ssyncadd.s32 $0xFFFFF800  }
0x1e7: {  	_ =	swait.ge [sflag:s20], $0x800  }
0x1e8: {  	[sflag:s20] =	ssyncset.done $0x0  }
0x1e9: {  	[sflag:s20] =	ssyncadd.s32 $0xFFFFF800  }
0x1ea: {  	_ =	swait.ge [sflag:s20], $0x800  }
0x1eb: {  	[sflag:s20] =	ssyncset.done $0x0  }
0x1ec: {  	[sflag:s20] =	ssyncadd.s32 $0xFFFFF800  }
0x1ed: {  	_ =	swait.ge [sflag:s20], $0x800  }
0x1ee: {  	[sflag:s20] =	ssyncset.done $0x0  }
0x1ef: {  	[sflag:s20] =	ssyncadd.s32 $0xFFFFF800  }
0x1f0: {  	_ =	swait.ge [sflag:s20], $0x800  }
0x1f1: {  	[sflag:s20] =	ssyncset.done $0x0  }
0x1f2: {  	[sflag:s20] =	ssyncadd.s32 $0xFFFFF800  }
0x1f3: {  	_ =	swait.ge [sflag:s20], $0x800  }
0x1f4: {  	[sflag:s20] =	ssyncset.done $0x0  }
0x1f5: {  	[sflag:s20] =	ssyncadd.s32 $0xFFFFF800  }
0x1f6: {  	_ =	swait.ge [sflag:s20], $0x800  }
0x1f7: {  	[sflag:s20] =	ssyncset.done $0x0  }
0x1f8: {  	[sflag:s20] =	ssyncadd.s32 $0xFFFFF800  }
0x1f9: {  	_ =	swait.ge [sflag:s20], $0x800  }
0x1fa: {  	[sflag:s20] =	ssyncset.done $0x0  }
0x1fb: {  	[sflag:s20] =	ssyncadd.s32 $0xFFFFF800  }
0x1fc: {  	_ =	swait.ge [sflag:s20], $0x800  }
0x1fd: {  	[sflag:s20] =	ssyncset.done $0x0  }
0x1fe: {  	[sflag:s20] =	ssyncadd.s32 $0xFFFFF800  }
0x1ff: {  	_ =	swait.ge [sflag:s20], $0x800  }
0x200: {  	[sflag:s20] =	ssyncset.done $0x0  }
0x201: {  	[sflag:s20] =	ssyncadd.s32 $0xFFFFF800  }
0x202: {  	_ =	swait.ge [sflag:s20], $0x800  }
0x203: {  	[sflag:s20] =	ssyncset.done $0x0  }
0x204: {  	[sflag:s20] =	ssyncadd.s32 $0xFFFFF800  }
0x205: {  	_ =	swait.ge [sflag:s20], $0x800  }
0x206: {  	[sflag:s20] =	ssyncset.done $0x0  }
0x207: {  	[sflag:s20] =	ssyncadd.s32 $0xFFFFF800  }
0x208: {  	_ =	swait.ge [sflag:s20], $0x800  }
0x209: {  	[sflag:s20] =	ssyncset.done $0x0  }
0x20a: {  	s24 =	simm.s32 $0x0;
	[sflag:s20] =	ssyncadd.s32 $0xFFFFF800  }
0x20b: {  	v12 =	vor.u32 s24, v0;
	_ =	swait.ge [sflag:s20], $0x500  }
0x20c: {  	v13 =	vshll.u32 v12, $0x3;
	[sflag:s20] =	ssyncset.done $0x0  }
0x20d: {  	v14 =	vor.u32 $0x1, v13;
	[sflag:s20] =	ssyncadd.s32 $0xFFFFFB00  }
0x20e: {  	v12 =	vshll.u32 v12, $0x4;
	_ =	swait.ge [sflag:s20], $0x500  }
0x20f: {  	v15 =	vor.u32 $0x2, v12;
	[sflag:s20] =	ssyncset.done $0x0  }
0x210: {  	[sflag:s20] =	ssyncadd.s32 $0xFFFFFB00  }
0x211: {  	v16 =	vld.idx.msk [tilespmem:v13+s13+$0x0], $0xffff  }
0x212: {  	v17 =	vor.u32 $0x1, v12;
	v14 =	vld.idx.msk [tilespmem:v14+s13+$0x0], $0xffff  }
0x213: {  	v18 =	vld.idx.msk [tilespmem:v12+s16+$0x0], $0xffff  }
0x214: {  	v19 =	vld.idx.msk [tilespmem:v15+s16+$0x0], $0xffff  }
0x215: {  	v13 =	vor.u32 $0x2, v13;
	v12 =	vld.idx.msk [tilespmem:v12+s18+$0x0], $0xffff  }
0x216: {  	v15 =	vld.idx.msk [tilespmem:v15+s18+$0x0], $0xffff  }
0x217: {  	v20 =	vld.idx.msk [tilespmem:v17+s16+$0x0], $0xffff  }
0x218: {  	v17 =	vld.idx.msk [tilespmem:v17+s18+$0x0], $0xffff  }
0x219: {  	v16 =	vcvt.s32.f32 v16  }
0x21a: {  	s25 =	simm.s32 $0x10;
	v13 =	vld.idx.msk [tilespmem:v13+s13+$0x0], $0xffff  }
0x21b: {  	v23 =	vor.u32 s25, v0;
	v16 =	vadd.f32 $-1.000000000e+00, v16  }
0x21c: {  	v14 =	vcvt.s32.f32 v14;
	v12 =	vsub.f32 v18, v12;
	v15 =	vsub.f32 v19, v15  }
0x21d: {  	v17 =	vsub.f32 v20, v17;
	v20 =	vshll.u32 v23, $0x3;
	v18 =	vmul.f32 v16, v4  }
0x21e: {  	v14 =	vadd.f32 $-1.000000000e+00, v14;
	v19 =	vmul.f32 v16, v2;
	v16 =	vmul.f32 v16, v3  }
0x21f: {  	v13 =	vcvt.s32.f32 v13;
	v15 =	vadd.f32 v18, v15;
	v18 =	vor.u32 $0x1, v20  }
0x220: {  	v22 =	vmul.f32 v14, v6;
	v16 =	vadd.f32 v16, v17;
	v17 =	vshll.u32 v23, $0x4  }
0x221: {  	v21 =	vmul.f32 v14, v5;
	v14 =	vmul.f32 v14, v7;
	v13 =	vadd.f32 $-1.000000000e+00, v13  }
0x222: {  	v12 =	vadd.f32 v19, v12;
	v19 =	vor.u32 $0x2, v17;
	v16 =	vadd.f32 v22, v16  }
0x223: {  	v14 =	vadd.f32 v14, v15;
	v15 =	vor.u32 $0x2, v20;
	v20 =	vld.idx.msk [tilespmem:v20+s13+$0x0], $0xffff;
	v22 =	vmul.f32 v13, v9  }
0x224: {  	v12 =	vadd.f32 v21, v12;
	v21 =	vmul.f32 v13, v8;
	v18 =	vld.idx.msk [tilespmem:v18+s13+$0x0], $0xffff  }
0x225: {  	v13 =	vmul.f32 v13, v10;
	v16 =	vadd.f32 v22, v16;
	v22 =	vld.idx.msk [tilespmem:v17+s16+$0x0], $0xffff  }
0x226: {  	v12 =	vadd.f32 v21, v12;
	v21 =	vor.u32 $0x1, v17;
	v17 =	vld.idx.msk [tilespmem:v17+s18+$0x0], $0xffff  }
0x227: {  	v13 =	vadd.f32 v13, v14;
	v14 =	vld.idx.msk [tilespmem:v19+s16+$0x0], $0xffff  }
0x228: {  	v12 =	vmul.f32 v12, v12;
	v16 =	vmul.f32 v16, v16;
	v15 =	vld.idx.msk [tilespmem:v15+s13+$0x0], $0xffff  }
0x229: {  	v19 =	vld.idx.msk [tilespmem:v19+s18+$0x0], $0xffff  }
0x22a: {  	v13 =	vmul.f32 v13, v13;
	v12 =	vadd.f32 v16, v12;
	v16 =	vcvt.s32.f32 v20  }
0x22b: {  	v18 =	vcvt.s32.f32 v18;
	v20 =	vld.idx.msk [tilespmem:v21+s16+$0x0], $0xffff  }
0x22c: {  	v12 =	vadd.f32 v12, v13;
	v13 =	vadd.f32 $-1.000000000e+00, v16;
	v16 =	vld.idx.msk [tilespmem:v21+s18+$0x0], $0xffff  }
0x22d: {  	v17 =	vsub.f32 v22, v17;
	v18 =	vadd.f32 $-1.000000000e+00, v18;
	v15 =	vcvt.s32.f32 v15  }
0x22e: {  	v14 =	vsub.f32 v14, v19;
	v21 =	vmul.f32 v13, v4;
	v23 =	vmul.f32 v13, v2  }
0x22f: {  	s24 =	simm.s32 $0x20;
	v12 =	vadd.f32 $9.999999960e-13, v12;
	v13 =	vmul.f32 v13, v3;
	v22 =	vmul.f32 v18, v5  }
0x230: {  	v24 =	vmul.f32 v18, v6;
	v14 =	vadd.f32 v21, v14;
	v21 =	vor.u32 s24, v0  }
0x231: {  	v15 =	vadd.f32 $-1.000000000e+00, v15;
	v16 =	vsub.f32 v20, v16;
	v20 =	vshll.u32 v21, $0x3  }
0x232: {  	v18 =	vmul.f32 v18, v7;
	v17 =	vadd.f32 v23, v17;
	v23 =	vor.u32 $0x1, v20  }
0x233: {  	v19 =	vshra.s32 v12, $0x1;
	v13 =	vadd.f32 v13, v16;
	v16 =	vshll.u32 v21, $0x4  }
0x234: {  	v25 =	vmul.f32 $5.000000000e-01, v12;
	v17 =	vadd.f32 v22, v17;
	v22 =	vmul.f32 v15, v8  }
0x235: {  	v21 =	vor.u32 $0x2, v16;
	v13 =	vadd.f32 v24, v13;
	v24 =	vmul.f32 v15, v9  }
0x236: {  	v19 =	vsub.s32 $0x5F3759DF, v19;
	v14 =	vadd.f32 v18, v14;
	v17 =	vadd.f32 v22, v17;
	v18 =	vld.idx.msk [tilespmem:v20+s13+$0x0], $0xffff  }
0x237: {  	v15 =	vmul.f32 v15, v10;
	v22 =	vld.idx.msk [tilespmem:v23+s13+$0x0], $0xffff;
	v13 =	vadd.f32 v24, v13;
	v23 =	vmul.f32 v19, v25  }
0x238: {  	v20 =	vor.u32 $0x2, v20;
	v17 =	vmul.f32 v17, v17;
	v24 =	vor.u32 $0x1, v16;
	v26 =	vld.idx.msk [tilespmem:v16+s16+$0x0], $0xffff  }
0x239: {  	v14 =	vadd.f32 v15, v14;
	v16 =	vld.idx.msk [tilespmem:v16+s18+$0x0], $0xffff;
	v13 =	vmul.f32 v13, v13;
	v23 =	vmul.f32 v19, v23  }
0x23a: {  	v15 =	vld.idx.msk [tilespmem:v21+s16+$0x0], $0xffff  }
0x23b: {  	v21 =	vld.idx.msk [tilespmem:v21+s18+$0x0], $0xffff;
	v14 =	vmul.f32 v14, v14;
	v13 =	vadd.f32 v13, v17;
	v17 =	vsub.f32 $1.500000000e+00, v23  }
0x23c: {  	v18 =	vcvt.s32.f32 v18  }
0x23d: {  	v20 =	vld.idx.msk [tilespmem:v20+s13+$0x0], $0xffff;
	v22 =	vcvt.s32.f32 v22;
	v13 =	vadd.f32 v13, v14;
	v14 =	vmul.f32 v19, v17  }
0x23e: {  	v18 =	vadd.f32 $-1.000000000e+00, v18  }
0x23f: {  	v17 =	vld.idx.msk [tilespmem:v24+s16+$0x0], $0xffff;
	v16 =	vsub.f32 v26, v16;
	v19 =	vadd.f32 $-1.000000000e+00, v22;
	v23 =	vmul.f32 v14, v25  }
0x240: {  	v22 =	vld.idx.msk [tilespmem:v24+s18+$0x0], $0xffff;
	v15 =	vsub.f32 v15, v21;
	v24 =	vmul.f32 v18, v4;
	v27 =	vmul.f32 v18, v2  }
0x241: {  	s25 =	simm.s32 $0x30;
	v13 =	vadd.f32 $9.999999960e-13, v13;
	v18 =	vmul.f32 v18, v3;
	v26 =	vmul.f32 v19, v5  }
0x242: {  	v29 =	vor.u32 s25, v0;
	v28 =	vmul.f32 v19, v6;
	v20 =	vcvt.s32.f32 v20  }
0x243: {  	v19 =	vmul.f32 v19, v7;
	v21 =	vshra.s32 v13, $0x1;
	v15 =	vadd.f32 v24, v15  }
0x244: {  	v24 =	vmul.f32 $5.000000000e-01, v13;
	v23 =	vmul.f32 v23, v14;
	v16 =	vadd.f32 v27, v16  }
0x245: {  	v20 =	vadd.f32 $-1.000000000e+00, v20;
	v17 =	vsub.f32 v17, v22;
	v22 =	vshll.u32 v29, $0x3  }
0x246: {  	v21 =	vsub.s32 $0x5F3759DF, v21;
	v23 =	vsub.f32 $1.500000000e+00, v23;
	v27 =	vor.u32 $0x1, v22  }
0x247: {  	v16 =	vadd.f32 v26, v16;
	v17 =	vadd.f32 v18, v17;
	v18 =	vshll.u32 v29, $0x4  }
0x248: {  	v15 =	vadd.f32 v19, v15;
	v14 =	vmul.f32 v23, v14;
	v23 =	vmul.f32 v20, v8  }
0x249: {  	v26 =	vor.u32 $0x2, v18;
	v17 =	vadd.f32 v28, v17;
	v28 =	vmul.f32 v20, v9  }
0x24a: {  	v19 =	vmul.f32 v14, v25;
	v20 =	vmul.f32 v20, v10;
	v16 =	vadd.f32 v23, v16;
	v25 =	vld.idx.msk [tilespmem:v22+s13+$0x0], $0xffff  }
0x24b: {  	v22 =	vor.u32 $0x2, v22;
	v17 =	vadd.f32 v28, v17;
	v23 =	vld.idx.msk [tilespmem:v27+s13+$0x0], $0xffff;
	v27 =	vmul.f32 v21, v24  }
0x24c: {  	v19 =	vmul.f32 v19, v14;
	v15 =	vadd.f32 v20, v15;
	v16 =	vmul.f32 v16, v16;
	v20 =	vld.idx.msk [tilespmem:v18+s16+$0x0], $0xffff  }
0x24d: {  	v28 =	vor.u32 $0x1, v18;
	v18 =	vld.idx.msk [tilespmem:v18+s18+$0x0], $0xffff;
	v17 =	vmul.f32 v17, v17;
	v27 =	vmul.f32 v21, v27  }
0x24e: {  	v29 =	vld.idx.msk [tilespmem:v26+s16+$0x0], $0xffff;
	v19 =	vsub.f32 $1.500000000e+00, v19;
	v15 =	vmul.f32 v15, v15  }
0x24f: {  	v16 =	vadd.f32 v17, v16;
	v17 =	vld.idx.msk [tilespmem:v26+s18+$0x0], $0xffff;
	v26 =	vsub.f32 $1.500000000e+00, v27;
	v25 =	vcvt.s32.f32 v25  }
0x250: {  	v14 =	vmul.f32 v19, v14;
	v19 =	vcvt.s32.f32 v23  }
0x251: {  	v15 =	vadd.f32 v16, v15;
	v16 =	vld.idx.msk [tilespmem:v22+s13+$0x0], $0xffff;
	v21 =	vmul.f32 v21, v26;
	v22 =	vadd.f32 $-1.000000000e+00, v25  }
0x252: {  	v14 =	vmul.f32 v14, v12;
	v18 =	vsub.f32 v20, v18  }
0x253: {  	v25 =	vld.idx.msk [tilespmem:v28+s18+$0x0], $0xffff;
	v19 =	vadd.f32 $-1.000000000e+00, v19;
	v23 =	vmul.f32 v21, v24;
	v20 =	vmul.f32 v22, v4  }
0x254: {  	v12 =	vadd.f32 $9.999999960e-13, v15;
	v15 =	vld.idx.msk [tilespmem:v28+s16+$0x0], $0xffff;
	v14 =	vmul.f32 $4.708045960e+01, v14;
	v28 =	vmul.f32 v22, v2  }
0x255: {  	v22 =	vmul.f32 v22, v3;
	v26 =	vmul.f32 v19, v5  }
0x256: {  	v17 =	vsub.f32 v29, v17;
	v29 =	vmul.f32 v19, v6;
	v19 =	vmul.f32 v19, v7  }
0x257: {  	s24 =	simm.s32 $0x40;
	v27 =	vshra.s32 v12, $0x1;
	v23 =	vmul.f32 v23, v21;
	v18 =	vadd.f32 v28, v18  }
0x258: {  	v28 =	vor.u32 s24, v0;
	v30 =	vtrunc.f32 v14;
	v17 =	vadd.f32 v20, v17  }
0x259: {  	v16 =	vcvt.s32.f32 v16;
	v20 =	vmul.f32 $5.000000000e-01, v12;
	v15 =	vsub.f32 v15, v25  }
0x25a: {  	v27 =	vsub.s32 $0x5F3759DF, v27;
	v17 =	vadd.f32 v19, v17;
	v19 =	vsub.f32 $1.500000000e+00, v23  }
0x25b: {  	v18 =	vadd.f32 v26, v18;
	v25 =	vshll.u32 v28, $0x3;
	v16 =	vadd.f32 $-1.000000000e+00, v16  }
0x25c: {  	v23 =	vor.u32 $0x1, v25;
	v15 =	vadd.f32 v22, v15;
	v19 =	vmul.f32 v19, v21  }
0x25d: {  	v22 =	vshll.u32 v28, $0x4;
	v21 =	vmul.f32 v16, v8;
	v28 =	vmul.f32 v16, v9  }
0x25e: {  	v16 =	vmul.f32 v16, v10;
	v26 =	vor.u32 $0x2, v22;
	v15 =	vadd.f32 v29, v15  }
0x25f: {  	v29 =	vcvt.f32.s32 v30;
	v24 =	vmul.f32 v19, v24;
	v18 =	vadd.f32 v21, v18  }
0x260: {  	v30 =	vor.u32 $0x2, v25;
	v25 =	vld.idx.msk [tilespmem:v25+s13+$0x0], $0xffff;
	v15 =	vadd.f32 v28, v15;
	v28 =	vmul.f32 v27, v20  }
0x261: {  	v16 =	vadd.f32 v16, v17;
	v23 =	vld.idx.msk [tilespmem:v23+s13+$0x0], $0xffff;
	v24 =	vmul.f32 v24, v19;
	v18 =	vmul.f32 v18, v18  }
0x262: {  	vm0 =	vlt.s32 v29, $0x1FFE;
	v31 =	vld.idx.msk [tilespmem:v22+s16+$0x0], $0xffff;
	v15 =	vmul.f32 v15, v15;
	v28 =	vmul.f32 v27, v28  }
0x263: {  	v16 =	vmul.f32 v16, v16;
	v17 =	vnsel vm0, $0x1FFE, v29;
	v29 =	vld.idx.msk [tilespmem:v26+s16+$0x0], $0xffff;
	v24 =	vsub.f32 $1.500000000e+00, v24  }
0x264: {  	v32 =	vcvt.s32.f32 v17;
	v15 =	vadd.f32 v15, v18;
	v18 =	vld.idx.msk [tilespmem:v26+s18+$0x0], $0xffff;
	v26 =	vsub.f32 $1.500000000e+00, v28  }
0x265: {  	v21 =	vor.u32 $0x1, v22;
	v22 =	vld.idx.msk [tilespmem:v22+s18+$0x0], $0xffff;
	v25 =	vcvt.s32.f32 v25;
	v19 =	vmul.f32 v24, v19  }
0x266: {  	v24 =	vld.idx.msk [tilespmem:v30+s13+$0x0], $0xffff;
	v30 =	vsub.f32 v14, v32;
	v23 =	vcvt.s32.f32 v23;
	v26 =	vmul.f32 v27, v26  }
0x267: {  	v14 =	vadd.f32 v15, v16;
	v16 =	vadd.f32 $-1.000000000e+00, v25;
	v13 =	vmul.f32 v19, v13  }
0x268: {  	v28 =	vadd.s32 $0x1, v17;
	v25 =	vmul.f32 v26, v20  }
0x269: {  	v19 =	vadd.f32 $-1.000000000e+00, v23;
	v15 =	vmul.f32 v16, v4;
	v13 =	vmul.f32 $4.708045960e+01, v13  }
0x26a: {  	v22 =	vsub.f32 v31, v22;
	v23 =	vld.idx.msk [tilespmem:v21+s16+$0x0], $0xffff;
	v31 =	vmul.f32 v16, v2;
	v16 =	vmul.f32 v16, v3  }
0x26b: {  	v21 =	vld.idx.msk [tilespmem:v21+s18+$0x0], $0xffff;
	v14 =	vadd.f32 $9.999999960e-13, v14;
	v27 =	vmul.f32 v19, v5;
	v58 =	vmul.f32 v19, v6  }
0x26c: {  	v18 =	vsub.f32 v29, v18;
	v24 =	vcvt.s32.f32 v24;
	v33 =	vmul.f32 v19, v7  }
0x26d: {  	s25 =	simm.s32 $0x50;
	v29 =	vshra.s32 v14, $0x1;
	v25 =	vmul.f32 v25, v26;
	v22 =	vadd.f32 v31, v22  }
0x26e: {  	v31 =	vor.u32 s25, v0;
	v18 =	vadd.f32 v15, v18;
	v15 =	vmul.f32 $5.000000000e-01, v14  }
0x26f: {  	v19 =	vsub.s32 $0x5F3759DF, v29;
	v29 =	vtrunc.f32 v13;
	v59 =	vshll.u32 v31, $0x3  }
0x270: {  	v24 =	vadd.f32 $-1.000000000e+00, v24;
	v31 =	vshll.u32 v31, $0x4;
	v21 =	vsub.f32 v23, v21  }
0x271: {  	v23 =	vsub.f32 $1.500000000e+00, v25;
	v34 =	vcvt.f32.s32 v29;
	v35 =	vor.u32 $0x1, v59  }
0x272: {  	v25 =	vor.u32 $0x2, v59;
	v36 =	vor.u32 $0x2, v31;
	v18 =	vadd.f32 v33, v18  }
0x273: {  	v60 =	vmul.f32 v19, v15;
	v29 =	vadd.f32 v16, v21;
	v16 =	vld.idx.msk [tilespmem:v17+s1+$0x0], $0xffff;
	v17 =	vadd.f32 v27, v22  }
0x274: {  	v22 =	vld.idx.msk [tilespmem:v28+s1+$0x0], $0xffff;
	v27 =	vmul.f32 v24, v8;
	v21 =	vmul.f32 v23, v26;
	v23 =	vor.u32 $0x1, v31  }
0x275: {  	v26 =	vmul.f32 v24, v10;
	v24 =	vmul.f32 v24, v9;
	v32 =	vadd.f32 v58, v29  }
0x276: {  	vm15 =	vlt.s32 v34, $0x1FFE;
	v20 =	vmul.f32 v21, v20;
	v29 =	vld.idx.msk [tilespmem:v59+s13+$0x0], $0xffff;
	v27 =	vadd.f32 v27, v17  }
0x277: {  	v37 =	vadd.f32 v26, v18;
	v17 =	vnsel vm15, $0x1FFE, v34;
	v26 =	vld.idx.msk [tilespmem:v31+s16+$0x0], $0xffff;
	v24 =	vadd.f32 v24, v32  }
0x278: {  	v38 =	vmul.f32 v19, v60;
	v28 =	vld.idx.msk [tilespmem:v35+s13+$0x0], $0xffff;
	v18 =	vadd.s32 $0x1, v17;
	v20 =	vmul.f32 v20, v21  }
0x279: {  	v33 =	vld.idx.msk [tilespmem:v36+s18+$0x0], $0xffff;
	v61 =	vmul.f32 v27, v27;
	v62 =	vsub.f32 v22, v16;
	v63 =	vmul.f32 v24, v24  }
0x27a: {  	v27 =	vld.idx.msk [tilespmem:v36+s16+$0x0], $0xffff;
	v34 =	vmul.f32 v37, v37;
	v22 =	vcvt.s32.f32 v17;
	v24 =	vsub.f32 $1.500000000e+00, v20  }
0x27b: {  	s23 =	simm.s32 $0x60;
	v32 =	vld.idx.msk [tilespmem:v31+s18+$0x0], $0xffff;
	v20 =	vmul.f32 v30, v62;
	v30 =	vsub.f32 $1.500000000e+00, v38;
	v31 =	vadd.f32 v63, v61  }
.LBB2_7:
0x27c: {  	p0 =	sne.s32 s23, $0x7C0;
	v29 =	vcvt.s32.f32 v29;
	v25 =	vld.idx.msk [tilespmem:v25+s13+$0x0], $0xffff;
	v21 =	vmul.f32 v24, v21;
	v35 =	vsub.f32 v13, v22;
	s24 =	smov.u32 s23;
	s23 =	sadd.s32 $0x10, s23  }
0x27d: {  	v13 =	vcvt.s32.f32 v28;
	v22 =	vld.idx.msk [tilespmem:v23+s16+$0x0], $0xffff;
	v24 =	vadd.f32 v31, v34;
	v28 =	vmul.f32 v19, v30  }
0x27e: {  	v11 =	vadd.f32 v16, v11;
	v29 =	vadd.f32 $-1.000000000e+00, v29;
	v19 =	vmul.f32 v21, v12;
	v12 =	vmovc v14  }
0x27f: {  	v21 =	vadd.f32 $-1.000000000e+00, v13;
	v16 =	vld.idx.msk [tilespmem:v23+s18+$0x0], $0xffff;
	v14 =	vadd.f32 $9.999999960e-13, v24;
	v23 =	vmul.f32 v28, v15  }
0x280: {  	v24 =	vsub.f32 v26, v32;
	v26 =	vmul.f32 v29, v4;
	v13 =	vmul.f32 $4.708045960e+01, v19  }
0x281: {  	v30 =	vmul.f32 v21, v5;
	v19 =	vsub.f32 v27, v33;
	v27 =	vshra.s32 v14, $0x1  }
0x282: {  	v11 =	vadd.f32 v20, v11;
	v31 =	vmul.f32 v29, v2;
	v32 =	vmul.f32 v21, v6  }
0x283: {  	v20 =	vcvt.s32.f32 v25;
	v25 =	vadd.f32 v26, v19;
	v26 =	vmul.f32 $5.000000000e-01, v14  }
0x284: {  	v21 =	vmul.f32 v21, v7;
	v23 =	vmul.f32 v23, v28;
	v19 =	vsub.s32 $0x5F3759DF, v27  }
0x285: {  	v24 =	vadd.f32 v31, v24;
	v27 =	vmul.f32 v29, v3;
	v29 =	vtrunc.f32 v13  }
0x286: {  	v31 =	vor.u32 s24, v0;
	v16 =	vsub.f32 v22, v16;
	v22 =	vadd.f32 v21, v25  }
0x287: {  	v33 =	vshll.u32 v31, $0x3;
	v34 =	vcvt.f32.s32 v29;
	v21 =	vsub.f32 $1.500000000e+00, v23  }
0x288: {  	v20 =	vadd.f32 $-1.000000000e+00, v20;
	v36 =	vor.u32 $0x1, v33;
	v27 =	vadd.f32 v27, v16;
	v16 =	vld.idx.msk [tilespmem:v17+s1+$0x0], $0xffff  }
0x289: {  	v31 =	vshll.u32 v31, $0x4;
	v25 =	vor.u32 $0x2, v33;
	v17 =	vadd.f32 v30, v24;
	v24 =	vld.idx.msk [tilespmem:v18+s1+$0x0], $0xffff  }
0x28a: {  	v21 =	vmul.f32 v21, v28;
	v30 =	vor.u32 $0x2, v31;
	v18 =	vmul.f32 v20, v8  }
0x28b: {  	v23 =	vor.u32 $0x1, v31;
	vm0 =	vlt.s32 v34, $0x1FFE;
	v28 =	vmul.f32 v20, v10  }
0x28c: {  	v27 =	vadd.f32 v32, v27;
	v32 =	vmul.f32 v21, v15;
	v15 =	vmovc v26;
	v20 =	vmul.f32 v20, v9  }
0x28d: {  	v37 =	vadd.f32 v28, v22;
	v18 =	vadd.f32 v18, v17;
	v17 =	vnsel vm0, $0x1FFE, v34;
	v29 =	vld.idx.msk [tilespmem:v33+s13+$0x0], $0xffff  }
.Ltmp2:
0x28e: {  	v22 =	vmul.f32 v19, v15;
	v32 =	vmul.f32 v32, v21;
	v20 =	vadd.f32 v20, v27;
	v28 =	vld.idx.msk [tilespmem:v36+s13+$0x0], $0xffff;
	(pc) =	sbr.rel @p0 .LBB2_7-.Ltmp2, $4  }
0x28f: {  	v34 =	vmul.f32 v18, v18;
	v18 =	vadd.s32 $0x1, v17;
	v33 =	vsub.f32 v24, v16;
	v26 =	vld.idx.msk [tilespmem:v31+s16+$0x0], $0xffff  }
0x290: {  	v38 =	vmul.f32 v19, v22;
	v36 =	vmul.f32 v20, v20;
	v24 =	vsub.f32 $1.500000000e+00, v32;
	v27 =	vld.idx.msk [tilespmem:v30+s16+$0x0], $0xffff  }
0x291: {  	v22 =	vcvt.s32.f32 v17;
	v20 =	vmul.f32 v35, v33;
	v32 =	vld.idx.msk [tilespmem:v31+s18+$0x0], $0xffff  }
0x292: {  	v31 =	vadd.f32 v36, v34;
	v34 =	vmul.f32 v37, v37;
	v33 =	vld.idx.msk [tilespmem:v30+s18+$0x0], $0xffff;
	v30 =	vsub.f32 $1.500000000e+00, v38  }
0x293: {  	_ =	sdelay $0x3  }
0x294: {  	v25 =	vld.idx.msk [tilespmem:v25+s13+$0x0], $0xffff  }
0x295: {  	v35 =	vld.idx.msk [tilespmem:v23+s16+$0x0], $0xffff  }
0x296: {  	v29 =	vcvt.s32.f32 v29;
	v43 =	vld.idx.msk [tilespmem:v23+s18+$0x0], $0xffff  }
0x297: {  	v28 =	vcvt.s32.f32 v28  }
0x298: {  	v29 =	vadd.f32 $-1.000000000e+00, v29  }
0x299: {  	v28 =	vadd.f32 $-1.000000000e+00, v28  }
0x29a: {  	v26 =	vsub.f32 v26, v32;
	v27 =	vsub.f32 v27, v33;
	v44 =	vmul.f32 v29, v2  }
0x29b: {  	v45 =	vmul.f32 v29, v3;
	v25 =	vcvt.s32.f32 v25;
	v23 =	vsub.f32 v35, v43  }
0x29c: {  	v29 =	vmul.f32 v29, v4;
	v46 =	vmul.f32 v28, v5;
	v26 =	vadd.f32 v44, v26  }
0x29d: {  	v47 =	vmul.f32 v28, v6;
	v23 =	vadd.f32 v45, v23;
	v25 =	vadd.f32 $-1.000000000e+00, v25  }
0x29e: {  	v28 =	vmul.f32 v28, v7;
	v27 =	vadd.f32 v29, v27;
	v26 =	vadd.f32 v46, v26  }
0x29f: {  	v48 =	vmul.f32 v25, v8;
	v23 =	vadd.f32 v47, v23;
	v49 =	vmul.f32 v25, v9  }
0x2a0: {  	v27 =	vadd.f32 v28, v27  }
0x2a1: {  	v25 =	vmul.f32 v25, v10;
	v26 =	vadd.f32 v48, v26;
	v23 =	vadd.f32 v49, v23  }
0x2a2: {  	v50 =	vadd.f32 v31, v34  }
0x2a3: {  	v25 =	vadd.f32 v25, v27;
	v26 =	vmul.f32 v26, v26;
	v23 =	vmul.f32 v23, v23;
	_ =	sdelay $0x1  }
0x2a4: {  	v51 =	vadd.f32 $9.999999960e-13, v50;
	v25 =	vmul.f32 v25, v25;
	v23 =	vadd.f32 v23, v26;
	_ =	sdelay $0x1  }
0x2a5: {  	v52 =	vshra.s32 v51, $0x1;
	v28 =	vmul.f32 $5.000000000e-01, v51;
	v23 =	vadd.f32 v23, v25  }
0x2a6: {  	v53 =	vsub.s32 $0x5F3759DF, v52  }
0x2a7: {  	v26 =	vmul.f32 v53, v28;
	v23 =	vadd.f32 $9.999999960e-13, v23  }
0x2a8: {  	v19 =	vmul.f32 v19, v30  }
0x2a9: {  	v26 =	vmul.f32 v53, v26;
	v54 =	vshra.s32 v23, $0x1;
	v55 =	vmul.f32 $5.000000000e-01, v23  }
0x2aa: {  	v56 =	vmul.f32 v19, v15;
	v29 =	vsub.s32 $0x5F3759DF, v54  }
0x2ab: {  	v26 =	vsub.f32 $1.500000000e+00, v26;
	v57 =	vmul.f32 v29, v55  }
0x2ac: {  	v31 =	vmul.f32 v56, v19  }
0x2ad: {  	v25 =	vmul.f32 v53, v26;
	v58 =	vmul.f32 v29, v57  }
0x2ae: {  	v31 =	vsub.f32 $1.500000000e+00, v31  }
0x2af: {  	v59 =	vmul.f32 v25, v28;
	v26 =	vsub.f32 $1.500000000e+00, v58  }
0x2b0: {  	v19 =	vmul.f32 v31, v19  }
0x2b1: {  	v60 =	vmul.f32 v59, v25;
	v26 =	vmul.f32 v29, v26  }
0x2b2: {  	v21 =	vmul.f32 v24, v21;
	v61 =	vmul.f32 v19, v15  }
0x2b3: {  	v62 =	vsub.f32 $1.500000000e+00, v60;
	v63 =	vmul.f32 v26, v55  }
0x2b4: {  	v12 =	vmul.f32 v21, v12;
	v15 =	vmul.f32 v61, v19  }
0x2b5: {  	v32 =	vmul.f32 v62, v25;
	v33 =	vmul.f32 v63, v26  }
0x2b6: {  	v12 =	vmul.f32 $4.708045960e+01, v12;
	v15 =	vsub.f32 $1.500000000e+00, v15  }
0x2b7: {  	v34 =	vmul.f32 v32, v28;
	v25 =	vsub.f32 $1.500000000e+00, v33  }
0x2b8: {  	v37 =	vtrunc.f32 v12;
	v15 =	vmul.f32 v15, v19  }
0x2b9: {  	v35 =	vmul.f32 v34, v32;
	v36 =	vmul.f32 v25, v26  }
0x2ba: {  	v38 =	vcvt.f32.s32 v37;
	v14 =	vmul.f32 v15, v14  }
0x2bb: {  	v19 =	vsub.f32 $1.500000000e+00, v35;
	v39 =	vmul.f32 v36, v55  }
0x2bc: {  	vm0 =	vlt.s32 v38, $0x1FFE;
	v14 =	vmul.f32 $4.708045960e+01, v14  }
0x2bd: {  	v15 =	vnsel vm0, $0x1FFE, v38;
	v19 =	vmul.f32 v19, v32;
	v40 =	vmul.f32 v39, v36  }
0x2be: {  	v17 =	vld.idx.msk [tilespmem:v17+s1+$0x0], $0xffff;
	v42 =	vadd.s32 $0x1, v15  }
0x2bf: {  	v18 =	vld.idx.msk [tilespmem:v18+s1+$0x0], $0xffff;
	v41 =	vtrunc.f32 v14;
	v19 =	vmul.f32 v19, v51;
	v24 =	vsub.f32 $1.500000000e+00, v40  }
0x2c0: {  	v11 =	vadd.f32 v16, v11;
	v25 =	vcvt.f32.s32 v41  }
0x2c1: {  	v19 =	vmul.f32 $4.708045960e+01, v19;
	v21 =	vmul.f32 v24, v36  }
0x2c2: {  	v13 =	vsub.f32 v13, v22;
	v11 =	vadd.f32 v20, v11;
	vm13 =	vlt.s32 v25, $0x1FFE  }
0x2c3: {  	v45 =	vld.idx.msk [tilespmem:v15+s1+$0x0], $0xffff;
	v43 =	vnsel vm13, $0x1FFE, v25;
	v44 =	vtrunc.f32 v19;
	v21 =	vmul.f32 v21, v23  }
0x2c4: {  	v18 =	vsub.f32 v18, v17;
	v47 =	vld.idx.msk [tilespmem:v42+s1+$0x0], $0xffff;
	v46 =	vadd.s32 $0x1, v43;
	v25 =	vcvt.f32.s32 v44  }
0x2c5: {  	v21 =	vmul.f32 $4.708045960e+01, v21  }
0x2c6: {  	v11 =	vadd.f32 v17, v11;
	v13 =	vmul.f32 v13, v18;
	vm14 =	vlt.s32 v25, $0x1FFE  }
0x2c7: {  	v15 =	vcvt.s32.f32 v15;
	v48 =	vnsel vm14, $0x1FFE, v25;
	v49 =	vtrunc.f32 v21  }
0x2c8: {  	v11 =	vadd.f32 v13, v11;
	v50 =	vld.idx.msk [tilespmem:v43+s1+$0x0], $0xffff;
	v25 =	vadd.s32 $0x1, v48;
	v20 =	vcvt.f32.s32 v49  }
0x2c9: {  	v12 =	vsub.f32 v12, v15;
	v52 =	vsub.f32 v47, v45;
	v51 =	vld.idx.msk [tilespmem:v46+s1+$0x0], $0xffff  }
0x2ca: {  	vm15 =	vlt.s32 v20, $0x1FFE  }
0x2cb: {  	v11 =	vadd.f32 v45, v11;
	v12 =	vmul.f32 v12, v52;
	v20 =	vnsel vm15, $0x1FFE, v20  }
0x2cc: {  	v53 =	vcvt.s32.f32 v43;
	v54 =	vld.idx.msk [tilespmem:v48+s1+$0x0], $0xffff;
	v55 =	vadd.s32 $0x1, v20  }
0x2cd: {  	v11 =	vadd.f32 v12, v11;
	v56 =	vld.idx.msk [tilespmem:v25+s1+$0x0], $0xffff  }
0x2ce: {  	v14 =	vsub.f32 v14, v53;
	v57 =	vsub.f32 v51, v50  }
0x2cf: {  	v58 =	vcvt.s32.f32 v48  }
0x2d0: {  	v11 =	vadd.f32 v50, v11;
	v12 =	vmul.f32 v14, v57;
	v59 =	vld.idx.msk [tilespmem:v20+s1+$0x0], $0xffff  }
0x2d1: {  	v15 =	vsub.f32 v19, v58;
	v16 =	vld.idx.msk [tilespmem:v55+s1+$0x0], $0xffff  }
0x2d2: {  	v11 =	vadd.f32 v12, v11;
	v60 =	vsub.f32 v56, v54  }
0x2d3: {  	v61 =	vcvt.s32.f32 v20  }
0x2d4: {  	s22 =	sadd.s32 $0x1, s22;
	v11 =	vadd.f32 v54, v11;
	v12 =	vmul.f32 v15, v60  }
0x2d5: {  	p0 =	sne.s32 s22, $0x64;
	v62 =	vsub.f32 v21, v61  }
.Ltmp3:
0x2d6: {  	v11 =	vadd.f32 v12, v11;
	v63 =	vsub.f32 v16, v59;
	(pc) =	sbr.rel @p0 .LBB2_4-.Ltmp3, $3  }
0x2d7: {  	_ = 	snop  }
0x2d8: {  	v11 =	vadd.f32 v59, v11;
	v12 =	vmul.f32 v62, v63;
	_ =	sdelay $0x1  }
0x2d9: {  	v11 =	vadd.f32 v12, v11  }
0x2da: {  	_ = 	snop  }
0x2db: {  	s21 =	rddreg [dreg:$0x3];
	s22 =	simm.s32 $0x1AAA0;
	[tilespmem:$0x1AAA0] =	vst v11  }
0x2dc: {  	[hbm4b:s21+s1] =	stream.linear.scatter [tilespmem:s22], [sflag:$0x2], $0x10, $0x38;
	[tilespmem:$0x1AAB0] =	vst v63  }
0x2dd: {  	_ =	swait.ge [sflag:s11], $0x10  }
0x2de: {  	s24 =	rddreg [dreg:$0x5]  }
0x2df: {  	s25 =	rddreg [dreg:$0x4];
	s22 =	sadd.s32 $0x1, s24  }
0x2e0: {  	p0 =	sne.s32 s22, s25  }
.Ltmp4:
0x2e1: {  	_ = 	snop;
	(pc) =	sbr.rel @p0 .LBB2_1-.Ltmp4, $3  }
0x2e2: {  	_ =	sdelay $0x1  }
0x2e3: {  	[sflag:s11] =	ssyncset.done $0x0  }
0x2e4: {  	[sflag:s11] =	ssyncadd.s32 $0xFFFFFFF0  }
0x2e5: {  	_ =	sfence.sel $0x180000  }
0x2e6: {  	[bflag:$0x0] =	sbarrier.arrive $0xFFFF  }
0x2e7: {  	_ =	strace $0x90000047  }
0x2e8: {  	s0 =	stileid.u32;
	[bflag:$0x2] =	sbarrier.arrive $0xFFFF  }
0x2e9: {  	p0 =	sne.s32 s0, $0x0;
	s0 =	rddreg [dreg:$0x1]  }
0x2ea: {  	s0 =	sadd.s32 @!p0 $0x100000, s0  }
0x2eb: {  	[sflag:s0] =	ssyncadd.tile.s32 @!p0 $0x1;
	_ =	shalt  }
.Lfunc_end2:
_tile_overlayer_lowered:
.L_overlay_start_2:
0x2ec: {  	(tag) =	ssettag $0x2  }
0x2ed: {  	s0 =	rddreg [dreg:$0x0];
	s2 =	stileid.u32  }
0x2ee: {  	s1 =	rddreg [dreg:$0x1];
	p0 =	sne.s32 s2, $0x0  }
0x2ef: {  	s3 =	rddreg [dreg:$0x2];
	[bflag:$0x3] =	sbarrier.arrive $0xFFFF;
	s2 =	simm.s32 @!p0 $0x1C02  }
0x2f0: {  	[timem:s3], [sflag:s2] =	dma.local @!p0 [hbm:s0], s1  }
0x2f1: {  	s0 =	simm.s32 @!p0 $0x2  }
0x2f2: {  	_ =	swait.ge @!p0 [sflag:s0], s1  }
0x2f3: {  	s1 =	ssub.s32 @!p0 $0x0, s1;
	[sflag:s0] =	ssyncset.done @!p0 $0x0  }
0x2f4: {  	[sflag:s0] =	ssyncadd.s32 @!p0 s1  }
0x2f5: {  	[bflag:$0x3] =	sbarrier.arrive $0xFFFF  }
0x2f6: {  	_ =	shalt  }

</sc_bundles>
